<compile_context>
chip_gen: v7x
topology: tpu7x:2x2x1
jax: 0.10.2.dev20260603
libtpu: 0.0.44.dev20260713+nightly
codegen_flags: <defaults>
</compile_context>

<pallas_src>
import functools

import jax
import jax.numpy as jnp
from jax import lax
from jax.experimental import pallas as pl
from jax.experimental.pallas import tpu as pltpu
from jax.experimental.pallas import tpu_sc as plsc

NC, NS, LANES = 2, 16, 16
E = 160000
N = 10000
NPAD = 10240
PT = NPAD // NS
CH = 80
EPT = E // NS
NCHUNK = EPT // CH
CHE = 40
W1H = 128
W2F = 128
NMASK = 1000
MROWS = 1024

MB = 1024


@functools.cache
def _sc_mesh(num_cores):
    return plsc.VectorSubcoreMesh(
        core_axis_name="c", subcore_axis_name="s", num_cores=num_cores)


_sc_params = pltpu.CompilerParams(needs_layout_passes=False)


def _norm_body(src_h, dst_h, ew_h, nrm_h, iv_h,
               sidx, didx, vals, nbuf, disb, ivb, dis_tbl, deg_sp, dis_sp):
    t = lax.axis_index("s")
    zero = jnp.zeros((LANES,), jnp.float32)

    def z_body(i, _):
        disb[pl.ds(i * LANES, LANES)] = zero
        return 0
    lax.fori_loop(0, PT // LANES, z_body, 0)
    pltpu.sync_copy(disb, deg_sp.at[pl.ds(t * PT, PT)])
    plsc.subcore_barrier()

    def deg_body(k, _):
        off = t * EPT + k * CH
        pltpu.sync_copy(dst_h.at[pl.ds(off, CH)], didx)
        pltpu.sync_copy(ew_h.at[pl.ds(off, CH)], vals)
        pltpu.sync_copy(vals, deg_sp.at[didx], add=True)
        return 0
    lax.fori_loop(0, NCHUNK, deg_body, 0)
    plsc.subcore_barrier()

    pltpu.sync_copy(deg_sp.at[pl.ds(t * PT, PT)], disb)

    def dis_body(i, _):
        sl = pl.ds(i * LANES, LANES)
        x = disb[sl] + 1.0
        bits = lax.bitcast_convert_type(x, jnp.int32)
        y = lax.bitcast_convert_type(jnp.int32(0x5F3759DF) - (bits >> 1),
                                     jnp.float32)
        hx = 0.5 * x
        y = y * (1.5 - hx * y * y)
        y = y * (1.5 - hx * y * y)
        y = y * (1.5 - hx * y * y)
        disb[sl] = y
        ivb[sl] = y * y
        return 0
    lax.fori_loop(0, PT // LANES, dis_body, 0)
    pltpu.sync_copy(disb, dis_sp.at[pl.ds(t * PT, PT)])
    pltpu.sync_copy(ivb, iv_h.at[pl.ds(t * PT, PT)])
    plsc.subcore_barrier()

    pltpu.sync_copy(dis_sp, dis_tbl)

    def nrm_body(k, _):
        off = t * EPT + k * CH
        pltpu.sync_copy(src_h.at[pl.ds(off, CH)], sidx)
        pltpu.sync_copy(dst_h.at[pl.ds(off, CH)], didx)
        pltpu.sync_copy(ew_h.at[pl.ds(off, CH)], vals)
        for g in range(CH // LANES):
            sl = pl.ds(g * LANES, LANES)
            ds_ = plsc.load_gather(dis_tbl, [sidx[sl]])
            dd = plsc.load_gather(dis_tbl, [didx[sl]])
            nbuf[sl] = ds_ * vals[sl] * dd
        pltpu.sync_copy(nbuf, nrm_h.at[pl.ds(off, CH)])
        return 0
    lax.fori_loop(0, NCHUNK, nrm_body, 0)


@functools.cache
def _norm_call():
    return pl.kernel(
        _norm_body,
        out_type=[jax.ShapeDtypeStruct((E,), jnp.float32),
                  jax.ShapeDtypeStruct((NPAD,), jnp.float32)],
        mesh=_sc_mesh(1),
        compiler_params=_sc_params,
        scratch_types=[
            pltpu.VMEM((CH,), jnp.int32),
            pltpu.VMEM((CH,), jnp.int32),
            pltpu.VMEM((CH,), jnp.float32),
            pltpu.VMEM((CH,), jnp.float32),
            pltpu.VMEM((PT,), jnp.float32),
            pltpu.VMEM((PT,), jnp.float32),
            pltpu.VMEM((NPAD,), jnp.float32),
            pltpu.VMEM_SHARED((NPAD,), jnp.float32),
            pltpu.VMEM_SHARED((NPAD,), jnp.float32),
        ],
    )


def _agg_body(split_width, xw_h, src_h, dst_h, nrm_h, out_h,
              sidx, didx, nrm, rows, zbuf, acc, sem):
    c = lax.axis_index("c")
    t = lax.axis_index("s")
    zero = jnp.zeros((LANES,), jnp.float32)

    def zb_body(i, _):
        for q in range(W1H // LANES):
            zbuf[i, pl.ds(q * LANES, LANES)] = zero
        return 0
    lax.fori_loop(0, 128, zb_body, 0)
    for i in range(PT // 128):
        pltpu.sync_copy(zbuf, acc.at[pl.ds(t * PT + i * 128, 128)])
    plsc.subcore_barrier()

    if split_width:
        ebase = t * EPT
        nch = EPT // CHE
    else:
        ebase = (c * NS + t) * (E // 32)
        nch = (E // 32) // CHE

    def chunk(k, _):
        off = ebase + k * CHE
        pltpu.sync_copy(src_h.at[pl.ds(off, CHE)], sidx)
        pltpu.sync_copy(dst_h.at[pl.ds(off, CHE)], didx)
        pltpu.sync_copy(nrm_h.at[pl.ds(off, CHE)], nrm)
        if split_width:
            pltpu.async_copy(xw_h.at[c].at[sidx], rows, sem).wait()
        else:
            pltpu.async_copy(xw_h.at[sidx], rows, sem).wait()

        def srow(j, _):
            spl = plsc.load_gather(nrm, [jnp.zeros((LANES,), jnp.int32) + j])
            for q in range(W1H // LANES):
                sl = pl.ds(q * LANES, LANES)
                rows[j, sl] = rows[j, sl] * spl
            return 0
        lax.fori_loop(0, CHE, srow, 0)
        pltpu.sync_copy(rows, acc.at[didx], add=True)
        return 0
    lax.fori_loop(0, nch, chunk, 0)
    plsc.subcore_barrier()
    sl = pl.ds(t * PT, PT)
    pltpu.sync_copy(acc.at[sl], out_h.at[c].at[sl])


@functools.cache
def _agg_call(split_width):
    return pl.kernel(
        functools.partial(_agg_body, split_width),
        out_type=jax.ShapeDtypeStruct((NC, NPAD, W1H), jnp.float32),
        mesh=_sc_mesh(2),
        compiler_params=_sc_params,
        scratch_types=[
            pltpu.VMEM((CHE,), jnp.int32),
            pltpu.VMEM((CHE,), jnp.int32),
            pltpu.VMEM((CHE,), jnp.float32),
            pltpu.VMEM((CHE, W1H), jnp.float32),
            pltpu.VMEM((128, W1H), jnp.float32),
            pltpu.VMEM_SHARED((NPAD, W1H), jnp.float32),
            pltpu.SemaphoreType.DMA,
        ],
    )


def _mask_body(p2_h, xw2_h, iv_h, y_h, midx_h,
               p2m_h, xw2m_h, ivm_h, ym_h, ib, rb, ivb, yb, sem):
    c = lax.axis_index("c")
    s = lax.axis_index("s")
    nm = MROWS // 32
    base = (s * NC + c) * nm
    pltpu.sync_copy(midx_h.at[pl.ds(base, nm)], ib)
    for h in range(NC):
        pltpu.async_copy(p2_h.at[h].at[ib], rb, sem).wait()
        pltpu.sync_copy(rb, p2m_h.at[h].at[pl.ds(base, nm)])
    pltpu.async_copy(xw2_h.at[ib], rb, sem).wait()
    pltpu.sync_copy(rb, xw2m_h.at[pl.ds(base, nm)])
    pltpu.async_copy(iv_h.at[ib], ivb, sem).wait()
    pltpu.sync_copy(ivb, ivm_h.at[pl.ds(base, nm)])
    pltpu.async_copy(y_h.at[ib], yb, sem).wait()
    pltpu.sync_copy(yb, ym_h.at[pl.ds(base, nm)])


@functools.cache
def _mask_call():
    return pl.kernel(
        _mask_body,
        out_type=[jax.ShapeDtypeStruct((NC, MROWS, W2F), jnp.float32),
                  jax.ShapeDtypeStruct((MROWS, W2F), jnp.float32),
                  jax.ShapeDtypeStruct((MROWS,), jnp.float32),
                  jax.ShapeDtypeStruct((MROWS,), jnp.int32)],
        mesh=_sc_mesh(2),
        compiler_params=_sc_params,
        scratch_types=[
            pltpu.VMEM((MROWS // 32,), jnp.int32),
            pltpu.VMEM((MROWS // 32, W2F), jnp.float32),
            pltpu.VMEM((MROWS // 32,), jnp.float32),
            pltpu.VMEM((MROWS // 32,), jnp.int32),
            pltpu.SemaphoreType.DMA,
        ],
    )


def _lin_block(x_ref, w_ref, b_ref, o_ref):
    o_ref[...] = jnp.dot(x_ref[...], w_ref[...],
                         preferred_element_type=jnp.float32) + b_ref[...]


_lin_call = pl.pallas_call(
    _lin_block,
    grid=(8,),
    in_specs=[pl.BlockSpec((1000, 300), lambda m: (m, 0)),
              pl.BlockSpec((300, 768), lambda m: (0, 0)),
              pl.BlockSpec((1, 768), lambda m: (0, 0))],
    out_specs=pl.BlockSpec((1000, 768), lambda m: (m, 0)),
    out_shape=jax.ShapeDtypeStruct((8000, 768), jnp.float32),
)


def _xw1_block(x_ref, w_ref, o_ref):
    o_ref[0] = jnp.dot(x_ref[...], w_ref[0],
                       preferred_element_type=jnp.float32)


_xw1_call = pl.pallas_call(
    _xw1_block,
    grid=(NPAD // MB, 2),
    in_specs=[pl.BlockSpec((MB, 768), lambda m, h: (m, 0)),
              pl.BlockSpec((1, 768, W1H), lambda m, h: (h, 0, 0))],
    out_specs=pl.BlockSpec((1, MB, W1H), lambda m, h: (h, m, 0)),
    out_shape=jax.ShapeDtypeStruct((NC, NPAD, W1H), jnp.float32),
)


def _mid_block(p_ref, xw_ref, iv_ref, b1_ref, w2_ref, o_ref):
    iv = iv_ref[...]
    x1a = jnp.maximum(p_ref[0] + iv * xw_ref[0] + b1_ref[0], 0.0)
    x1b = jnp.maximum(p_ref[1] + iv * xw_ref[1] + b1_ref[1], 0.0)
    x1 = jnp.concatenate([x1a, x1b], axis=1)
    o_ref[...] = jnp.dot(x1, w2_ref[...], preferred_element_type=jnp.float32)


_mid_call = pl.pallas_call(
    _mid_block,
    grid=(NPAD // MB,),
    in_specs=[pl.BlockSpec((NC, MB, W1H), lambda m: (0, m, 0)),
              pl.BlockSpec((NC, MB, W1H), lambda m: (0, m, 0)),
              pl.BlockSpec((MB, 1), lambda m: (m, 0)),
              pl.BlockSpec((NC, 1, W1H), lambda m: (0, 0, 0)),
              pl.BlockSpec((2 * W1H, W2F), lambda m: (0, 0))],
    out_specs=pl.BlockSpec((MB, W2F), lambda m: (m, 0)),
    out_shape=jax.ShapeDtypeStruct((NPAD, W2F), jnp.float32),
)


def _cls_block(p_ref, xw_ref, iv_ref, b2_ref, w1_ref, b1c_ref, w2_ref,
               b2c_ref, o_ref):
    x = p_ref[0] + p_ref[1] + iv_ref[...] * xw_ref[...] + b2_ref[...]
    h = jnp.maximum(jnp.dot(x, w1_ref[...],
                            preferred_element_type=jnp.float32) + b1c_ref[...],
                    0.0)
    o_ref[...] = jnp.dot(h, w2_ref[...],
                         preferred_element_type=jnp.float32) + b2c_ref[...]


_cls_call = pl.pallas_call(
    _cls_block,
    in_specs=[pl.BlockSpec((NC, MROWS, W2F), lambda: (0, 0, 0)),
              pl.BlockSpec((MROWS, W2F), lambda: (0, 0)),
              pl.BlockSpec((MROWS, 1), lambda: (0, 0)),
              pl.BlockSpec((1, W2F), lambda: (0, 0)),
              pl.BlockSpec((W2F, 256), lambda: (0, 0)),
              pl.BlockSpec((1, 256), lambda: (0, 0)),
              pl.BlockSpec((256, 8), lambda: (0, 0)),
              pl.BlockSpec((1, 8), lambda: (0, 0))],
    out_specs=pl.BlockSpec((MROWS, 8), lambda: (0, 0)),
    out_shape=jax.ShapeDtypeStruct((MROWS, 8), jnp.float32),
)


def kernel(doc_features, word_features, edge_index, edge_weight, mask_idx, y,
           lin_w, lin_b, conv1_w, conv1_b, conv2_w, conv2_b,
           cls1_w, cls1_b, cls2_w, cls2_b):
    src = edge_index[0]
    dst = edge_index[1]

    nrm, invdeg = _norm_call()(src, dst, edge_weight)

    wf = _lin_call(word_features, lin_w, lin_b.reshape(1, -1))
    x = jnp.concatenate(
        [doc_features, wf,
         jnp.zeros((NPAD - N, doc_features.shape[1]), jnp.float32)], axis=0)

    w1p = jnp.pad(conv1_w, ((0, 0), (0, 2 * W1H - 200)))
    w1s = jnp.stack([w1p[:, :W1H], w1p[:, W1H:]])
    xw1s = _xw1_call(x, w1s)
    p1 = _agg_call(True)(xw1s, src, dst, nrm)

    iv = invdeg.reshape(NPAD, 1)
    b1s = jnp.pad(conv1_b, (0, 2 * W1H - 200)).reshape(NC, 1, W1H)
    w2p = jnp.pad(conv2_w, ((0, 2 * W1H - 200), (0, W2F - 100)))
    xw2 = _mid_call(p1, xw1s, iv, b1s, w2p)
    p2 = _agg_call(False)(xw2, src, dst, nrm)

    midx = jnp.concatenate(
        [mask_idx, jnp.zeros((MROWS - NMASK,), mask_idx.dtype)])
    p2m, xw2m, ivm, ym = _mask_call()(p2, xw2, invdeg, y, midx)

    b2p = jnp.pad(conv2_b, (0, W2F - 100)).reshape(1, W2F)
    w1c = jnp.pad(cls1_w, ((0, W2F - 100), (0, 0)))
    out = _cls_call(p2m, xw2m, ivm.reshape(MROWS, 1), b2p, w1c,
                    cls1_b.reshape(1, -1), cls2_w, cls2_b.reshape(1, -1))
    return out[:NMASK], ym[:NMASK]

# --- scband reference (transcript-rebuilt; emitter-appended) ---
"""Pipeline reference for scband-graph-classifier-90142773608886 (READ-ONLY COPY).

The authoritative reference and input builder live on the scoring server;
editing this copy changes nothing except your own understanding.
"""

import jax, jax.numpy as jnp
import numpy as np

N_NODES = 10000
N_DOCS = 2000
N_WORDS = 8000
N_EDGES = 160000
N_MASK = 1000


def _gcn_conv(x, src, dst, edge_weight, W, b, num_nodes):
    # PyG GCNConv with edge_weight: add self loops (weight 1), symmetric norm, linear, scatter-add, bias
    loop = jnp.arange(num_nodes)
    s = jnp.concatenate([src, loop])
    d = jnp.concatenate([dst, loop])
    ew = jnp.concatenate([edge_weight, jnp.ones((num_nodes,), x.dtype)])
    deg = jax.ops.segment_sum(ew, d, num_segments=num_nodes)
    deg_safe = jnp.where(deg > 0, deg, 1.0)
    dis = jnp.where(deg > 0, deg_safe ** -0.5, 0.0)
    norm = dis[s] * ew * dis[d]
    xw = x @ W
    msg = norm[:, None] * xw[s]
    out = jax.ops.segment_sum(msg, d, num_segments=num_nodes)
    return out + b


def _lin_init(k, fan_in, fan_out):
    lim = 1.0 / np.sqrt(fan_in)
    kw, kb = jax.random.split(k)
    W = jax.random.uniform(kw, (fan_in, fan_out), jnp.float32, -lim, lim)
    b = jax.random.uniform(kb, (fan_out,), jnp.float32, -lim, lim)
    return W, b


def setup_inputs(seed: int = 0) -> dict:
    key = jax.random.key(seed)
    ks = jax.random.split(key, 16)
    inp = {}
    inp["doc_features"] = jax.random.normal(ks[0], (N_DOCS, 768), jnp.float32)
    inp["word_features"] = jax.random.normal(ks[1], (N_WORDS, 300), jnp.float32)
    inp["edge_index"] = jax.random.randint(ks[2], (2, N_EDGES), 0, N_NODES)
    inp["edge_weight"] = jax.random.uniform(ks[3], (N_EDGES,), jnp.float32)
    inp["mask_idx"] = jax.random.randint(ks[4], (N_MASK,), 0, N_NODES)
    inp["y"] = jax.random.randint(ks[5], (N_NODES,), 0, 8)
    inp["lin_w"], inp["lin_b"] = _lin_init(ks[6], 300, 768)
    inp["conv1_w"], inp["conv1_b"] = _lin_init(ks[7], 768, 200)
    inp["conv2_w"], inp["conv2_b"] = _lin_init(ks[8], 200, 100)
    inp["cls1_w"], inp["cls1_b"] = _lin_init(ks[9], 100, 256)
    inp["cls2_w"], inp["cls2_b"] = _lin_init(ks[10], 256, 8)
    return inp


def reference(doc_features, word_features, edge_index, edge_weight, mask_idx, y,
              lin_w, lin_b, conv1_w, conv1_b, conv2_w, conv2_b,
              cls1_w, cls1_b, cls2_w, cls2_b):
    src, dst = edge_index[0], edge_index[1]
    # GraphNetRoberta forward (eval mode: dropout = identity)
    wf = word_features @ lin_w + lin_b
    x = jnp.concatenate([doc_features, wf], axis=0)
    x = _gcn_conv(x, src, dst, edge_weight, conv1_w, conv1_b, N_NODES)
    x = jax.nn.relu(x)
    x = _gcn_conv(x, src, dst, edge_weight, conv2_w, conv2_b, N_NODES)
    # classifier head
    h = jax.nn.relu(x @ cls1_w + cls1_b)
    out = h @ cls2_w + cls2_b
    # mode='test' -> select masked rows (boolean mask realized as index list)
    return out[mask_idx], y[mask_idx]

if __name__ == "__main__":
    import jax
    _d = setup_inputs()
    print(jax.jit(kernel)(*tuple(_d.values())))

</pallas_src>

<mosaic_0001>
#map = affine_map<(d0, d1) -> (0, 0, 0)>
#map1 = affine_map<(d0, d1) -> (0)>
module attributes {stable_mosaic.version = 14 : i64} {
  func.func @_agg_body(%arg0: i32, %arg1: i32, %arg2: memref<2x10240x128xf32, #tpu.memory_space<hbm>>, %arg3: memref<160000xi32, #tpu.memory_space<hbm>>, %arg4: memref<160000xi32, #tpu.memory_space<hbm>>, %arg5: memref<160000xf32, #tpu.memory_space<hbm>>, %arg6: memref<2x10240x128xf32, #tpu.memory_space<hbm>>, %arg7: memref<40xi32, #tpu.memory_space<vmem>>, %arg8: memref<40xi32, #tpu.memory_space<vmem>>, %arg9: memref<40xf32, #tpu.memory_space<vmem>>, %arg10: memref<40x128xf32, #tpu.memory_space<vmem>>, %arg11: memref<128x128xf32, #tpu.memory_space<vmem>>, %arg12: memref<10240x128xf32, #tpu.memory_space<vmem_shared>>, %arg13: memref<!tpu.dma_semaphore, #tpu.memory_space<semaphore_mem>>) attributes {dimension_semantics = [#tpu.dimension_semantics<core_parallel>, #tpu.dimension_semantics<subcore_parallel>], iteration_bounds = array<i64: 2, 16>, scalar_prefetch = 0 : i64, scratch_operands = 7 : i64, tpu.core_type = #tpu.core_type<sc_vector_subcore>, window_params = [{transform_indices = #map}, {transform_indices = #map1}, {transform_indices = #map1}, {transform_indices = #map1}, {transform_indices = #map}]} {
    %broadcast_in_dim3A = arith.constant 0.000000e+00 : f32
    %broadcast_in_dim3A_0 = vector.broadcast %broadcast_in_dim3A : f32 to vector<16xf32>
    %scan3A = arith.constant 0 : i32
    %scan3A_1 = arith.constant 0 : i32
    %scan3A_2 = arith.constant 128 : i32
    %scan3A_3 = arith.addi %scan3A_1, %scan3A_2 : i32
    %scan3A_4 = arith.constant 1 : i32
    %scan3A_5 = scf.for %scan3A_37 = %scan3A_1 to %scan3A_3 step %scan3A_4 iter_args(%scan3A_38 = %scan3A) -> (i32)  : i32 {
      %swap3A = arith.index_cast %scan3A_37 : i32 to index
      %swap3A_39 = arith.constant 0 : index
      %swap3A_40 = tpu.vector_load %arg11[%swap3A, %swap3A_39] {strides = array<i32>} : memref<128x128xf32, #tpu.memory_space<vmem>>, vector<16xf32>,
      tpu.vector_store %arg11[%swap3A, %swap3A_39], %broadcast_in_dim3A_0 {strides = array<i32>} : memref<128x128xf32, #tpu.memory_space<vmem>>, vector<16xf32>,
      %swap3A_41 = arith.index_cast %scan3A_37 : i32 to index
      %swap3A_42 = arith.constant 16 : index
      %swap3A_43 = tpu.vector_load %arg11[%swap3A_41, %swap3A_42] {strides = array<i32>} : memref<128x128xf32, #tpu.memory_space<vmem>>, vector<16xf32>,
      tpu.vector_store %arg11[%swap3A_41, %swap3A_42], %broadcast_in_dim3A_0 {strides = array<i32>} : memref<128x128xf32, #tpu.memory_space<vmem>>, vector<16xf32>,
      %swap3A_44 = arith.index_cast %scan3A_37 : i32 to index
      %swap3A_45 = arith.constant 32 : index
      %swap3A_46 = tpu.vector_load %arg11[%swap3A_44, %swap3A_45] {strides = array<i32>} : memref<128x128xf32, #tpu.memory_space<vmem>>, vector<16xf32>,
      tpu.vector_store %arg11[%swap3A_44, %swap3A_45], %broadcast_in_dim3A_0 {strides = array<i32>} : memref<128x128xf32, #tpu.memory_space<vmem>>, vector<16xf32>,
      %swap3A_47 = arith.index_cast %scan3A_37 : i32 to index
      %swap3A_48 = arith.constant 48 : index
      %swap3A_49 = tpu.vector_load %arg11[%swap3A_47, %swap3A_48] {strides = array<i32>} : memref<128x128xf32, #tpu.memory_space<vmem>>, vector<16xf32>,
      tpu.vector_store %arg11[%swap3A_47, %swap3A_48], %broadcast_in_dim3A_0 {strides = array<i32>} : memref<128x128xf32, #tpu.memory_space<vmem>>, vector<16xf32>,
      %swap3A_50 = arith.index_cast %scan3A_37 : i32 to index
      %swap3A_51 = arith.constant 64 : index
      %swap3A_52 = tpu.vector_load %arg11[%swap3A_50, %swap3A_51] {strides = array<i32>} : memref<128x128xf32, #tpu.memory_space<vmem>>, vector<16xf32>,
      tpu.vector_store %arg11[%swap3A_50, %swap3A_51], %broadcast_in_dim3A_0 {strides = array<i32>} : memref<128x128xf32, #tpu.memory_space<vmem>>, vector<16xf32>,
      %swap3A_53 = arith.index_cast %scan3A_37 : i32 to index
      %swap3A_54 = arith.constant 80 : index
      %swap3A_55 = tpu.vector_load %arg11[%swap3A_53, %swap3A_54] {strides = array<i32>} : memref<128x128xf32, #tpu.memory_space<vmem>>, vector<16xf32>,
      tpu.vector_store %arg11[%swap3A_53, %swap3A_54], %broadcast_in_dim3A_0 {strides = array<i32>} : memref<128x128xf32, #tpu.memory_space<vmem>>, vector<16xf32>,
      %swap3A_56 = arith.index_cast %scan3A_37 : i32 to index
      %swap3A_57 = arith.constant 96 : index
      %swap3A_58 = tpu.vector_load %arg11[%swap3A_56, %swap3A_57] {strides = array<i32>} : memref<128x128xf32, #tpu.memory_space<vmem>>, vector<16xf32>,
      tpu.vector_store %arg11[%swap3A_56, %swap3A_57], %broadcast_in_dim3A_0 {strides = array<i32>} : memref<128x128xf32, #tpu.memory_space<vmem>>, vector<16xf32>,
      %swap3A_59 = arith.index_cast %scan3A_37 : i32 to index
      %swap3A_60 = arith.constant 112 : index
      %swap3A_61 = tpu.vector_load %arg11[%swap3A_59, %swap3A_60] {strides = array<i32>} : memref<128x128xf32, #tpu.memory_space<vmem>>, vector<16xf32>,
      tpu.vector_store %arg11[%swap3A_59, %swap3A_60], %broadcast_in_dim3A_0 {strides = array<i32>} : memref<128x128xf32, #tpu.memory_space<vmem>>, vector<16xf32>,
      %scan3A_62 = arith.constant 0 : i32
      scf.yield %scan3A_62 : i32
    }
    %scan3A_6 = arith.constant 128 : i32
    %mul3A = arith.constant 640 : i32
    %mul3A_7 = arith.muli %arg1, %mul3A : i32
    %add3A = arith.constant 0 : i32
    %add3A_8 = arith.addi %mul3A_7, %add3A : i32
    "tpu.region"() ({
      %run_scoped3A = tpu.sem_alloc : memref<!tpu.dma_semaphore, #tpu.memory_space<semaphore_mem>>
      %dma_start3A = arith.constant 0 : i32
      %dma_start3A_37 = tpu.memref_slice %arg12[%add3A_8, %dma_start3A] : memref<10240x128xf32, #tpu.memory_space<vmem_shared>> -> memref<128x128xf32, #tpu.memory_space<vmem_shared>>
      %dma_start3A_38 = arith.constant 0 : i32
      %dma_start3A_39 = tpu.memref_slice %arg12[%add3A_8, %dma_start3A_38] : memref<10240x128xf32, #tpu.memory_space<vmem_shared>> -> memref<128x128xf32, #tpu.memory_space<vmem_shared>>
      tpu.enqueue_dma source(%arg11 : memref<128x128xf32, #tpu.memory_space<vmem>>) target(%dma_start3A_39 : memref<128x128xf32, #tpu.memory_space<vmem_shared>>) target_semaphore(%run_scoped3A : memref<!tpu.dma_semaphore, #tpu.memory_space<semaphore_mem>>)
      %dma_wait3A = arith.constant 0 : i32
      %dma_wait3A_40 = tpu.memref_slice %arg12[%add3A_8, %dma_wait3A] : memref<10240x128xf32, #tpu.memory_space<vmem_shared>> -> memref<128x128xf32, #tpu.memory_space<vmem_shared>>
      %dma_wait3A_41 = arith.constant 0 : i32
      %dma_wait3A_42 = tpu.memref_slice %arg12[%add3A_8, %dma_wait3A_41] : memref<10240x128xf32, #tpu.memory_space<vmem_shared>> -> memref<128x128xf32, #tpu.memory_space<vmem_shared>>
      tpu.wait_dma2 semaphore(%run_scoped3A : memref<!tpu.dma_semaphore, #tpu.memory_space<semaphore_mem>>) src(%arg11 : memref<128x128xf32, #tpu.memory_space<vmem>>) dst(%dma_wait3A_42 : memref<128x128xf32, #tpu.memory_space<vmem_shared>>)
      tpu.yield
    }) : () -> ()
    %mul3A_9 = arith.constant 640 : i32
    %mul3A_10 = arith.muli %arg1, %mul3A_9 : i32
    %add3A_11 = arith.constant 128 : i32
    %add3A_12 = arith.addi %mul3A_10, %add3A_11 : i32
    "tpu.region"() ({
      %run_scoped3A = tpu.sem_alloc : memref<!tpu.dma_semaphore, #tpu.memory_space<semaphore_mem>>
      %dma_start3A = arith.constant 0 : i32
      %dma_start3A_37 = tpu.memref_slice %arg12[%add3A_12, %dma_start3A] : memref<10240x128xf32, #tpu.memory_space<vmem_shared>> -> memref<128x128xf32, #tpu.memory_space<vmem_shared>>
      %dma_start3A_38 = arith.constant 0 : i32
      %dma_start3A_39 = tpu.memref_slice %arg12[%add3A_12, %dma_start3A_38] : memref<10240x128xf32, #tpu.memory_space<vmem_shared>> -> memref<128x128xf32, #tpu.memory_space<vmem_shared>>
      tpu.enqueue_dma source(%arg11 : memref<128x128xf32, #tpu.memory_space<vmem>>) target(%dma_start3A_39 : memref<128x128xf32, #tpu.memory_space<vmem_shared>>) target_semaphore(%run_scoped3A : memref<!tpu.dma_semaphore, #tpu.memory_space<semaphore_mem>>)
      %dma_wait3A = arith.constant 0 : i32
      %dma_wait3A_40 = tpu.memref_slice %arg12[%add3A_12, %dma_wait3A] : memref<10240x128xf32, #tpu.memory_space<vmem_shared>> -> memref<128x128xf32, #tpu.memory_space<vmem_shared>>
      %dma_wait3A_41 = arith.constant 0 : i32
      %dma_wait3A_42 = tpu.memref_slice %arg12[%add3A_12, %dma_wait3A_41] : memref<10240x128xf32, #tpu.memory_space<vmem_shared>> -> memref<128x128xf32, #tpu.memory_space<vmem_shared>>
      tpu.wait_dma2 semaphore(%run_scoped3A : memref<!tpu.dma_semaphore, #tpu.memory_space<semaphore_mem>>) src(%arg11 : memref<128x128xf32, #tpu.memory_space<vmem>>) dst(%dma_wait3A_42 : memref<128x128xf32, #tpu.memory_space<vmem_shared>>)
      tpu.yield
    }) : () -> ()
    %mul3A_13 = arith.constant 640 : i32
    %mul3A_14 = arith.muli %arg1, %mul3A_13 : i32
    %add3A_15 = arith.constant 256 : i32
    %add3A_16 = arith.addi %mul3A_14, %add3A_15 : i32
    "tpu.region"() ({
      %run_scoped3A = tpu.sem_alloc : memref<!tpu.dma_semaphore, #tpu.memory_space<semaphore_mem>>
      %dma_start3A = arith.constant 0 : i32
      %dma_start3A_37 = tpu.memref_slice %arg12[%add3A_16, %dma_start3A] : memref<10240x128xf32, #tpu.memory_space<vmem_shared>> -> memref<128x128xf32, #tpu.memory_space<vmem_shared>>
      %dma_start3A_38 = arith.constant 0 : i32
      %dma_start3A_39 = tpu.memref_slice %arg12[%add3A_16, %dma_start3A_38] : memref<10240x128xf32, #tpu.memory_space<vmem_shared>> -> memref<128x128xf32, #tpu.memory_space<vmem_shared>>
      tpu.enqueue_dma source(%arg11 : memref<128x128xf32, #tpu.memory_space<vmem>>) target(%dma_start3A_39 : memref<128x128xf32, #tpu.memory_space<vmem_shared>>) target_semaphore(%run_scoped3A : memref<!tpu.dma_semaphore, #tpu.memory_space<semaphore_mem>>)
      %dma_wait3A = arith.constant 0 : i32
      %dma_wait3A_40 = tpu.memref_slice %arg12[%add3A_16, %dma_wait3A] : memref<10240x128xf32, #tpu.memory_space<vmem_shared>> -> memref<128x128xf32, #tpu.memory_space<vmem_shared>>
      %dma_wait3A_41 = arith.constant 0 : i32
      %dma_wait3A_42 = tpu.memref_slice %arg12[%add3A_16, %dma_wait3A_41] : memref<10240x128xf32, #tpu.memory_space<vmem_shared>> -> memref<128x128xf32, #tpu.memory_space<vmem_shared>>
      tpu.wait_dma2 semaphore(%run_scoped3A : memref<!tpu.dma_semaphore, #tpu.memory_space<semaphore_mem>>) src(%arg11 : memref<128x128xf32, #tpu.memory_space<vmem>>) dst(%dma_wait3A_42 : memref<128x128xf32, #tpu.memory_space<vmem_shared>>)
      tpu.yield
    }) : () -> ()
    %mul3A_17 = arith.constant 640 : i32
    %mul3A_18 = arith.muli %arg1, %mul3A_17 : i32
    %add3A_19 = arith.constant 384 : i32
    %add3A_20 = arith.addi %mul3A_18, %add3A_19 : i32
    "tpu.region"() ({
      %run_scoped3A = tpu.sem_alloc : memref<!tpu.dma_semaphore, #tpu.memory_space<semaphore_mem>>
      %dma_start3A = arith.constant 0 : i32
      %dma_start3A_37 = tpu.memref_slice %arg12[%add3A_20, %dma_start3A] : memref<10240x128xf32, #tpu.memory_space<vmem_shared>> -> memref<128x128xf32, #tpu.memory_space<vmem_shared>>
      %dma_start3A_38 = arith.constant 0 : i32
      %dma_start3A_39 = tpu.memref_slice %arg12[%add3A_20, %dma_start3A_38] : memref<10240x128xf32, #tpu.memory_space<vmem_shared>> -> memref<128x128xf32, #tpu.memory_space<vmem_shared>>
      tpu.enqueue_dma source(%arg11 : memref<128x128xf32, #tpu.memory_space<vmem>>) target(%dma_start3A_39 : memref<128x128xf32, #tpu.memory_space<vmem_shared>>) target_semaphore(%run_scoped3A : memref<!tpu.dma_semaphore, #tpu.memory_space<semaphore_mem>>)
      %dma_wait3A = arith.constant 0 : i32
      %dma_wait3A_40 = tpu.memref_slice %arg12[%add3A_20, %dma_wait3A] : memref<10240x128xf32, #tpu.memory_space<vmem_shared>> -> memref<128x128xf32, #tpu.memory_space<vmem_shared>>
      %dma_wait3A_41 = arith.constant 0 : i32
      %dma_wait3A_42 = tpu.memref_slice %arg12[%add3A_20, %dma_wait3A_41] : memref<10240x128xf32, #tpu.memory_space<vmem_shared>> -> memref<128x128xf32, #tpu.memory_space<vmem_shared>>
      tpu.wait_dma2 semaphore(%run_scoped3A : memref<!tpu.dma_semaphore, #tpu.memory_space<semaphore_mem>>) src(%arg11 : memref<128x128xf32, #tpu.memory_space<vmem>>) dst(%dma_wait3A_42 : memref<128x128xf32, #tpu.memory_space<vmem_shared>>)
      tpu.yield
    }) : () -> ()
    %mul3A_21 = arith.constant 640 : i32
    %mul3A_22 = arith.muli %arg1, %mul3A_21 : i32
    %add3A_23 = arith.constant 512 : i32
    %add3A_24 = arith.addi %mul3A_22, %add3A_23 : i32
    "tpu.region"() ({
      %run_scoped3A = tpu.sem_alloc : memref<!tpu.dma_semaphore, #tpu.memory_space<semaphore_mem>>
      %dma_start3A = arith.constant 0 : i32
      %dma_start3A_37 = tpu.memref_slice %arg12[%add3A_24, %dma_start3A] : memref<10240x128xf32, #tpu.memory_space<vmem_shared>> -> memref<128x128xf32, #tpu.memory_space<vmem_shared>>
      %dma_start3A_38 = arith.constant 0 : i32
      %dma_start3A_39 = tpu.memref_slice %arg12[%add3A_24, %dma_start3A_38] : memref<10240x128xf32, #tpu.memory_space<vmem_shared>> -> memref<128x128xf32, #tpu.memory_space<vmem_shared>>
      tpu.enqueue_dma source(%arg11 : memref<128x128xf32, #tpu.memory_space<vmem>>) target(%dma_start3A_39 : memref<128x128xf32, #tpu.memory_space<vmem_shared>>) target_semaphore(%run_scoped3A : memref<!tpu.dma_semaphore, #tpu.memory_space<semaphore_mem>>)
      %dma_wait3A = arith.constant 0 : i32
      %dma_wait3A_40 = tpu.memref_slice %arg12[%add3A_24, %dma_wait3A] : memref<10240x128xf32, #tpu.memory_space<vmem_shared>> -> memref<128x128xf32, #tpu.memory_space<vmem_shared>>
      %dma_wait3A_41 = arith.constant 0 : i32
      %dma_wait3A_42 = tpu.memref_slice %arg12[%add3A_24, %dma_wait3A_41] : memref<10240x128xf32, #tpu.memory_space<vmem_shared>> -> memref<128x128xf32, #tpu.memory_space<vmem_shared>>
      tpu.wait_dma2 semaphore(%run_scoped3A : memref<!tpu.dma_semaphore, #tpu.memory_space<semaphore_mem>>) src(%arg11 : memref<128x128xf32, #tpu.memory_space<vmem>>) dst(%dma_wait3A_42 : memref<128x128xf32, #tpu.memory_space<vmem_shared>>)
      tpu.yield
    }) : () -> ()
    %barrier3A = arith.constant 0 : index
    tpu.barrier barrier_id(%barrier3A)
    %mul3A_25 = arith.constant 10000 : i32
    %mul3A_26 = arith.muli %arg1, %mul3A_25 : i32
    %scan3A_27 = arith.constant 0 : i32
    %scan3A_28 = arith.constant 0 : i32
    %scan3A_29 = arith.constant 250 : i32
    %scan3A_30 = arith.addi %scan3A_28, %scan3A_29 : i32
    %scan3A_31 = arith.constant 1 : i32
    %scan3A_32 = scf.for %scan3A_37 = %scan3A_28 to %scan3A_30 step %scan3A_31 iter_args(%scan3A_38 = %scan3A_27) -> (i32)  : i32 {
      %mul3A_39 = arith.constant 40 : i32
      %mul3A_40 = arith.muli %scan3A_37, %mul3A_39 : i32
      %add3A_41 = arith.addi %mul3A_26, %mul3A_40 : i32
      "tpu.region"() ({
        %run_scoped3A = tpu.sem_alloc : memref<!tpu.dma_semaphore, #tpu.memory_space<semaphore_mem>>
        %dma_start3A_62 = tpu.memref_slice %arg3[%add3A_41] : memref<160000xi32, #tpu.memory_space<hbm>> -> memref<40xi32, #tpu.memory_space<hbm>>
        %dma_start3A_63 = tpu.memref_slice %arg3[%add3A_41] : memref<160000xi32, #tpu.memory_space<hbm>> -> memref<40xi32, #tpu.memory_space<hbm>>
        tpu.enqueue_dma source(%dma_start3A_63 : memref<40xi32, #tpu.memory_space<hbm>>) target(%arg7 : memref<40xi32, #tpu.memory_space<vmem>>) target_semaphore(%run_scoped3A : memref<!tpu.dma_semaphore, #tpu.memory_space<semaphore_mem>>)
        %dma_wait3A_64 = tpu.memref_slice %arg3[%add3A_41] : memref<160000xi32, #tpu.memory_space<hbm>> -> memref<40xi32, #tpu.memory_space<hbm>>
        %dma_wait3A_65 = tpu.memref_slice %arg3[%add3A_41] : memref<160000xi32, #tpu.memory_space<hbm>> -> memref<40xi32, #tpu.memory_space<hbm>>
        tpu.wait_dma2 semaphore(%run_scoped3A : memref<!tpu.dma_semaphore, #tpu.memory_space<semaphore_mem>>) src(%dma_wait3A_65 : memref<40xi32, #tpu.memory_space<hbm>>) dst(%arg7 : memref<40xi32, #tpu.memory_space<vmem>>)
        tpu.yield
      }) : () -> ()
      "tpu.region"() ({
        %run_scoped3A = tpu.sem_alloc : memref<!tpu.dma_semaphore, #tpu.memory_space<semaphore_mem>>
        %dma_start3A_62 = tpu.memref_slice %arg4[%add3A_41] : memref<160000xi32, #tpu.memory_space<hbm>> -> memref<40xi32, #tpu.memory_space<hbm>>
        %dma_start3A_63 = tpu.memref_slice %arg4[%add3A_41] : memref<160000xi32, #tpu.memory_space<hbm>> -> memref<40xi32, #tpu.memory_space<hbm>>
        tpu.enqueue_dma source(%dma_start3A_63 : memref<40xi32, #tpu.memory_space<hbm>>) target(%arg8 : memref<40xi32, #tpu.memory_space<vmem>>) target_semaphore(%run_scoped3A : memref<!tpu.dma_semaphore, #tpu.memory_space<semaphore_mem>>)
        %dma_wait3A_64 = tpu.memref_slice %arg4[%add3A_41] : memref<160000xi32, #tpu.memory_space<hbm>> -> memref<40xi32, #tpu.memory_space<hbm>>
        %dma_wait3A_65 = tpu.memref_slice %arg4[%add3A_41] : memref<160000xi32, #tpu.memory_space<hbm>> -> memref<40xi32, #tpu.memory_space<hbm>>
        tpu.wait_dma2 semaphore(%run_scoped3A : memref<!tpu.dma_semaphore, #tpu.memory_space<semaphore_mem>>) src(%dma_wait3A_65 : memref<40xi32, #tpu.memory_space<hbm>>) dst(%arg8 : memref<40xi32, #tpu.memory_space<vmem>>)
        tpu.yield
      }) : () -> ()
      "tpu.region"() ({
        %run_scoped3A = tpu.sem_alloc : memref<!tpu.dma_semaphore, #tpu.memory_space<semaphore_mem>>
        %dma_start3A_62 = tpu.memref_slice %arg5[%add3A_41] : memref<160000xf32, #tpu.memory_space<hbm>> -> memref<40xf32, #tpu.memory_space<hbm>>
        %dma_start3A_63 = tpu.memref_slice %arg5[%add3A_41] : memref<160000xf32, #tpu.memory_space<hbm>> -> memref<40xf32, #tpu.memory_space<hbm>>
        tpu.enqueue_dma source(%dma_start3A_63 : memref<40xf32, #tpu.memory_space<hbm>>) target(%arg9 : memref<40xf32, #tpu.memory_space<vmem>>) target_semaphore(%run_scoped3A : memref<!tpu.dma_semaphore, #tpu.memory_space<semaphore_mem>>)
        %dma_wait3A_64 = tpu.memref_slice %arg5[%add3A_41] : memref<160000xf32, #tpu.memory_space<hbm>> -> memref<40xf32, #tpu.memory_space<hbm>>
        %dma_wait3A_65 = tpu.memref_slice %arg5[%add3A_41] : memref<160000xf32, #tpu.memory_space<hbm>> -> memref<40xf32, #tpu.memory_space<hbm>>
        tpu.wait_dma2 semaphore(%run_scoped3A : memref<!tpu.dma_semaphore, #tpu.memory_space<semaphore_mem>>) src(%dma_wait3A_65 : memref<40xf32, #tpu.memory_space<hbm>>) dst(%arg9 : memref<40xf32, #tpu.memory_space<vmem>>)
        tpu.yield
      }) : () -> ()
      %dma_start3A = arith.constant 0 : i32
      %dma_start3A_42 = arith.constant 0 : i32
      %dma_start3A_43 = tpu.memref_slice %arg2[%arg0, %dma_start3A, %dma_start3A_42] : memref<2x10240x128xf32, #tpu.memory_space<hbm>> -> memref<1x10240x128xf32, #tpu.memory_space<hbm>>
      %dma_start3A_44 = tpu.memref_squeeze %dma_start3A_43 : memref<1x10240x128xf32, #tpu.memory_space<hbm>> -> memref<10240x128xf32, #tpu.memory_space<hbm>>
      %dma_start3A_45 = arith.constant 0 : i32
      %dma_start3A_46 = arith.constant 0 : i32
      %dma_start3A_47 = tpu.memref_slice %dma_start3A_44[%dma_start3A_45, %dma_start3A_46] : memref<10240x128xf32, #tpu.memory_space<hbm>> -> memref<10240x128xf32, #tpu.memory_space<hbm>>
      tpu.enqueue_indirect_dma source(%dma_start3A_47 : memref<10240x128xf32, #tpu.memory_space<hbm>>) target(%arg10 : memref<40x128xf32, #tpu.memory_space<vmem>>) offsets(%arg7 : memref<40xi32, #tpu.memory_space<vmem>>) semaphore(%arg13 : memref<!tpu.dma_semaphore, #tpu.memory_space<semaphore_mem>>)
      %dma_wait3A = arith.constant 0 : i32
      %dma_wait3A_48 = arith.constant 0 : i32
      %dma_wait3A_49 = tpu.memref_slice %arg2[%arg0, %dma_wait3A, %dma_wait3A_48] : memref<2x10240x128xf32, #tpu.memory_space<hbm>> -> memref<1x10240x128xf32, #tpu.memory_space<hbm>>
      %dma_wait3A_50 = tpu.memref_squeeze %dma_wait3A_49 : memref<1x10240x128xf32, #tpu.memory_space<hbm>> -> memref<10240x128xf32, #tpu.memory_space<hbm>>
      %dma_wait3A_51 = arith.constant 0 : i32
      %dma_wait3A_52 = arith.constant 0 : i32
      %dma_wait3A_53 = tpu.memref_slice %dma_wait3A_50[%dma_wait3A_51, %dma_wait3A_52] : memref<10240x128xf32, #tpu.memory_space<hbm>> -> memref<10240x128xf32, #tpu.memory_space<hbm>>
      tpu.wait_indirect_dma semaphore(%arg13 : memref<!tpu.dma_semaphore, #tpu.memory_space<semaphore_mem>>) src(%dma_wait3A_53 : memref<10240x128xf32, #tpu.memory_space<hbm>>) dst(%arg10 : memref<40x128xf32, #tpu.memory_space<vmem>>)
      %scan3A_54 = arith.constant 0 : i32
      %scan3A_55 = arith.constant 0 : i32
      %scan3A_56 = arith.constant 40 : i32
      %scan3A_57 = arith.addi %scan3A_55, %scan3A_56 : i32
      %scan3A_58 = arith.constant 1 : i32
      %scan3A_59 = scf.for %scan3A_62 = %scan3A_55 to %scan3A_57 step %scan3A_58 iter_args(%scan3A_63 = %scan3A_54) -> (i32)  : i32 {
        %broadcast_in_dim3A_64 = arith.constant 0 : i32
        %broadcast_in_dim3A_65 = vector.broadcast %broadcast_in_dim3A_64 : i32 to vector<16xi32>
        %add3A_66 = vector.broadcast %scan3A_62 : i32 to vector<16xi32>
        %add3A_67 = arith.addi %broadcast_in_dim3A_65, %add3A_66 : vector<16xi32>
        %gather3A = tpu.vector_load_idx %arg9[%add3A_67] : memref<40xf32, #tpu.memory_space<vmem>>[vector<16xi32>], vector<16xf32>,
        %get3A = arith.index_cast %scan3A_62 : i32 to index
        %get3A_68 = arith.constant 0 : index
        %get3A_69 = tpu.vector_load %arg10[%get3A, %get3A_68] {strides = array<i32>} : memref<40x128xf32, #tpu.memory_space<vmem>>, vector<16xf32>,
        %mul3A_70 = arith.mulf %get3A_69, %gather3A : vector<16xf32>
        %swap3A = arith.index_cast %scan3A_62 : i32 to index
        %swap3A_71 = arith.constant 0 : index
        %swap3A_72 = tpu.vector_load %arg10[%swap3A, %swap3A_71] {strides = array<i32>} : memref<40x128xf32, #tpu.memory_space<vmem>>, vector<16xf32>,
        tpu.vector_store %arg10[%swap3A, %swap3A_71], %mul3A_70 {strides = array<i32>} : memref<40x128xf32, #tpu.memory_space<vmem>>, vector<16xf32>,
        %get3A_73 = arith.index_cast %scan3A_62 : i32 to index
        %get3A_74 = arith.constant 16 : index
        %get3A_75 = tpu.vector_load %arg10[%get3A_73, %get3A_74] {strides = array<i32>} : memref<40x128xf32, #tpu.memory_space<vmem>>, vector<16xf32>,
        %mul3A_76 = arith.mulf %get3A_75, %gather3A : vector<16xf32>
        %swap3A_77 = arith.index_cast %scan3A_62 : i32 to index
        %swap3A_78 = arith.constant 16 : index
        %swap3A_79 = tpu.vector_load %arg10[%swap3A_77, %swap3A_78] {strides = array<i32>} : memref<40x128xf32, #tpu.memory_space<vmem>>, vector<16xf32>,
        tpu.vector_store %arg10[%swap3A_77, %swap3A_78], %mul3A_76 {strides = array<i32>} : memref<40x128xf32, #tpu.memory_space<vmem>>, vector<16xf32>,
        %get3A_80 = arith.index_cast %scan3A_62 : i32 to index
        %get3A_81 = arith.constant 32 : index
        %get3A_82 = tpu.vector_load %arg10[%get3A_80, %get3A_81] {strides = array<i32>} : memref<40x128xf32, #tpu.memory_space<vmem>>, vector<16xf32>,
        %mul3A_83 = arith.mulf %get3A_82, %gather3A : vector<16xf32>
        %swap3A_84 = arith.index_cast %scan3A_62 : i32 to index
        %swap3A_85 = arith.constant 32 : index
        %swap3A_86 = tpu.vector_load %arg10[%swap3A_84, %swap3A_85] {strides = array<i32>} : memref<40x128xf32, #tpu.memory_space<vmem>>, vector<16xf32>,
        tpu.vector_store %arg10[%swap3A_84, %swap3A_85], %mul3A_83 {strides = array<i32>} : memref<40x128xf32, #tpu.memory_space<vmem>>, vector<16xf32>,
        %get3A_87 = arith.index_cast %scan3A_62 : i32 to index
        %get3A_88 = arith.constant 48 : index
        %get3A_89 = tpu.vector_load %arg10[%get3A_87, %get3A_88] {strides = array<i32>} : memref<40x128xf32, #tpu.memory_space<vmem>>, vector<16xf32>,
        %mul3A_90 = arith.mulf %get3A_89, %gather3A : vector<16xf32>
        %swap3A_91 = arith.index_cast %scan3A_62 : i32 to index
        %swap3A_92 = arith.constant 48 : index
        %swap3A_93 = tpu.vector_load %arg10[%swap3A_91, %swap3A_92] {strides = array<i32>} : memref<40x128xf32, #tpu.memory_space<vmem>>, vector<16xf32>,
        tpu.vector_store %arg10[%swap3A_91, %swap3A_92], %mul3A_90 {strides = array<i32>} : memref<40x128xf32, #tpu.memory_space<vmem>>, vector<16xf32>,
        %get3A_94 = arith.index_cast %scan3A_62 : i32 to index
        %get3A_95 = arith.constant 64 : index
        %get3A_96 = tpu.vector_load %arg10[%get3A_94, %get3A_95] {strides = array<i32>} : memref<40x128xf32, #tpu.memory_space<vmem>>, vector<16xf32>,
        %mul3A_97 = arith.mulf %get3A_96, %gather3A : vector<16xf32>
        %swap3A_98 = arith.index_cast %scan3A_62 : i32 to index
        %swap3A_99 = arith.constant 64 : index
        %swap3A_100 = tpu.vector_load %arg10[%swap3A_98, %swap3A_99] {strides = array<i32>} : memref<40x128xf32, #tpu.memory_space<vmem>>, vector<16xf32>,
        tpu.vector_store %arg10[%swap3A_98, %swap3A_99], %mul3A_97 {strides = array<i32>} : memref<40x128xf32, #tpu.memory_space<vmem>>, vector<16xf32>,
        %get3A_101 = arith.index_cast %scan3A_62 : i32 to index
        %get3A_102 = arith.constant 80 : index
        %get3A_103 = tpu.vector_load %arg10[%get3A_101, %get3A_102] {strides = array<i32>} : memref<40x128xf32, #tpu.memory_space<vmem>>, vector<16xf32>,
        %mul3A_104 = arith.mulf %get3A_103, %gather3A : vector<16xf32>
        %swap3A_105 = arith.index_cast %scan3A_62 : i32 to index
        %swap3A_106 = arith.constant 80 : index
        %swap3A_107 = tpu.vector_load %arg10[%swap3A_105, %swap3A_106] {strides = array<i32>} : memref<40x128xf32, #tpu.memory_space<vmem>>, vector<16xf32>,
        tpu.vector_store %arg10[%swap3A_105, %swap3A_106], %mul3A_104 {strides = array<i32>} : memref<40x128xf32, #tpu.memory_space<vmem>>, vector<16xf32>,
        %get3A_108 = arith.index_cast %scan3A_62 : i32 to index
        %get3A_109 = arith.constant 96 : index
        %get3A_110 = tpu.vector_load %arg10[%get3A_108, %get3A_109] {strides = array<i32>} : memref<40x128xf32, #tpu.memory_space<vmem>>, vector<16xf32>,
        %mul3A_111 = arith.mulf %get3A_110, %gather3A : vector<16xf32>
        %swap3A_112 = arith.index_cast %scan3A_62 : i32 to index
        %swap3A_113 = arith.constant 96 : index
        %swap3A_114 = tpu.vector_load %arg10[%swap3A_112, %swap3A_113] {strides = array<i32>} : memref<40x128xf32, #tpu.memory_space<vmem>>, vector<16xf32>,
        tpu.vector_store %arg10[%swap3A_112, %swap3A_113], %mul3A_111 {strides = array<i32>} : memref<40x128xf32, #tpu.memory_space<vmem>>, vector<16xf32>,
        %get3A_115 = arith.index_cast %scan3A_62 : i32 to index
        %get3A_116 = arith.constant 112 : index
        %get3A_117 = tpu.vector_load %arg10[%get3A_115, %get3A_116] {strides = array<i32>} : memref<40x128xf32, #tpu.memory_space<vmem>>, vector<16xf32>,
        %mul3A_118 = arith.mulf %get3A_117, %gather3A : vector<16xf32>
        %swap3A_119 = arith.index_cast %scan3A_62 : i32 to index
        %swap3A_120 = arith.constant 112 : index
        %swap3A_121 = tpu.vector_load %arg10[%swap3A_119, %swap3A_120] {strides = array<i32>} : memref<40x128xf32, #tpu.memory_space<vmem>>, vector<16xf32>,
        tpu.vector_store %arg10[%swap3A_119, %swap3A_120], %mul3A_118 {strides = array<i32>} : memref<40x128xf32, #tpu.memory_space<vmem>>, vector<16xf32>,
        %scan3A_122 = arith.constant 0 : i32
        scf.yield %scan3A_122 : i32
      }
      %scan3A_60 = arith.constant 40 : i32
      "tpu.region"() ({
        %run_scoped3A = tpu.sem_alloc : memref<!tpu.dma_semaphore, #tpu.memory_space<semaphore_mem>>
        %dma_start3A_62 = arith.constant 0 : i32
        %dma_start3A_63 = arith.constant 0 : i32
        %dma_start3A_64 = tpu.memref_slice %arg12[%dma_start3A_62, %dma_start3A_63] : memref<10240x128xf32, #tpu.memory_space<vmem_shared>> -> memref<10240x128xf32, #tpu.memory_space<vmem_shared>>
        tpu.enqueue_indirect_dma source(%arg10 : memref<40x128xf32, #tpu.memory_space<vmem>>) target(%dma_start3A_64 : memref<10240x128xf32, #tpu.memory_space<vmem_shared>>) offsets(%arg8 : memref<40xi32, #tpu.memory_space<vmem>>) semaphore(%run_scoped3A : memref<!tpu.dma_semaphore, #tpu.memory_space<semaphore_mem>>) {add = true}
        %dma_wait3A_65 = arith.constant 0 : i32
        %dma_wait3A_66 = arith.constant 0 : i32
        %dma_wait3A_67 = tpu.memref_slice %arg12[%dma_wait3A_65, %dma_wait3A_66] : memref<10240x128xf32, #tpu.memory_space<vmem_shared>> -> memref<10240x128xf32, #tpu.memory_space<vmem_shared>>
        tpu.wait_indirect_dma semaphore(%run_scoped3A : memref<!tpu.dma_semaphore, #tpu.memory_space<semaphore_mem>>) src(%arg10 : memref<40x128xf32, #tpu.memory_space<vmem>>) dst(%dma_wait3A_67 : memref<10240x128xf32, #tpu.memory_space<vmem_shared>>)
        tpu.yield
      }) : () -> ()
      %scan3A_61 = arith.constant 0 : i32
      scf.yield %scan3A_61 : i32
    }
    %scan3A_33 = arith.constant 250 : i32
    %barrier3A_34 = arith.constant 0 : index
    tpu.barrier barrier_id(%barrier3A_34)
    %mul3A_35 = arith.constant 640 : i32
    %mul3A_36 = arith.muli %arg1, %mul3A_35 : i32
    "tpu.region"() ({
      %run_scoped3A = tpu.sem_alloc : memref<!tpu.dma_semaphore, #tpu.memory_space<semaphore_mem>>
      %dma_start3A = arith.constant 0 : i32
      %dma_start3A_37 = arith.constant 0 : i32
      %dma_start3A_38 = tpu.memref_slice %arg6[%arg0, %dma_start3A, %dma_start3A_37] : memref<2x10240x128xf32, #tpu.memory_space<hbm>> -> memref<1x10240x128xf32, #tpu.memory_space<hbm>>
      %dma_start3A_39 = tpu.memref_squeeze %dma_start3A_38 : memref<1x10240x128xf32, #tpu.memory_space<hbm>> -> memref<10240x128xf32, #tpu.memory_space<hbm>>
      %dma_start3A_40 = arith.constant 0 : i32
      %dma_start3A_41 = tpu.memref_slice %dma_start3A_39[%mul3A_36, %dma_start3A_40] : memref<10240x128xf32, #tpu.memory_space<hbm>> -> memref<640x128xf32, #tpu.memory_space<hbm>>
      %dma_start3A_42 = arith.constant 0 : i32
      %dma_start3A_43 = tpu.memref_slice %arg12[%mul3A_36, %dma_start3A_42] : memref<10240x128xf32, #tpu.memory_space<vmem_shared>> -> memref<640x128xf32, #tpu.memory_space<vmem_shared>>
      tpu.enqueue_dma source(%dma_start3A_43 : memref<640x128xf32, #tpu.memory_space<vmem_shared>>) target(%dma_start3A_41 : memref<640x128xf32, #tpu.memory_space<hbm>>) target_semaphore(%run_scoped3A : memref<!tpu.dma_semaphore, #tpu.memory_space<semaphore_mem>>)
      %dma_wait3A = arith.constant 0 : i32
      %dma_wait3A_44 = arith.constant 0 : i32
      %dma_wait3A_45 = tpu.memref_slice %arg6[%arg0, %dma_wait3A, %dma_wait3A_44] : memref<2x10240x128xf32, #tpu.memory_space<hbm>> -> memref<1x10240x128xf32, #tpu.memory_space<hbm>>
      %dma_wait3A_46 = tpu.memref_squeeze %dma_wait3A_45 : memref<1x10240x128xf32, #tpu.memory_space<hbm>> -> memref<10240x128xf32, #tpu.memory_space<hbm>>
      %dma_wait3A_47 = arith.constant 0 : i32
      %dma_wait3A_48 = tpu.memref_slice %dma_wait3A_46[%mul3A_36, %dma_wait3A_47] : memref<10240x128xf32, #tpu.memory_space<hbm>> -> memref<640x128xf32, #tpu.memory_space<hbm>>
      %dma_wait3A_49 = arith.constant 0 : i32
      %dma_wait3A_50 = tpu.memref_slice %arg12[%mul3A_36, %dma_wait3A_49] : memref<10240x128xf32, #tpu.memory_space<vmem_shared>> -> memref<640x128xf32, #tpu.memory_space<vmem_shared>>
      tpu.wait_dma2 semaphore(%run_scoped3A : memref<!tpu.dma_semaphore, #tpu.memory_space<semaphore_mem>>) src(%dma_wait3A_50 : memref<640x128xf32, #tpu.memory_space<vmem_shared>>) dst(%dma_wait3A_48 : memref<640x128xf32, #tpu.memory_space<hbm>>)
      tpu.yield
    }) : () -> ()
    return
  }
}

#map = affine_map<(d0, d1) -> (0)>
module attributes {stable_mosaic.version = 14 : i64} {
  func.func @_norm_body(%arg0: i32, %arg1: i32, %arg2: memref<160000xi32, #tpu.memory_space<hbm>>, %arg3: memref<160000xi32, #tpu.memory_space<hbm>>, %arg4: memref<160000xf32, #tpu.memory_space<hbm>>, %arg5: memref<160000xf32, #tpu.memory_space<hbm>>, %arg6: memref<10240xf32, #tpu.memory_space<hbm>>, %arg7: memref<80xi32, #tpu.memory_space<vmem>>, %arg8: memref<80xi32, #tpu.memory_space<vmem>>, %arg9: memref<80xf32, #tpu.memory_space<vmem>>, %arg10: memref<80xf32, #tpu.memory_space<vmem>>, %arg11: memref<640xf32, #tpu.memory_space<vmem>>, %arg12: memref<640xf32, #tpu.memory_space<vmem>>, %arg13: memref<10240xf32, #tpu.memory_space<vmem>>, %arg14: memref<10240xf32, #tpu.memory_space<vmem_shared>>, %arg15: memref<10240xf32, #tpu.memory_space<vmem_shared>>) attributes {dimension_semantics = [#tpu.dimension_semantics<core_parallel>, #tpu.dimension_semantics<subcore_parallel>], iteration_bounds = array<i64: 1, 16>, scalar_prefetch = 0 : i64, scratch_operands = 9 : i64, tpu.core_type = #tpu.core_type<sc_vector_subcore>, window_params = [{transform_indices = #map}, {transform_indices = #map}, {transform_indices = #map}, {transform_indices = #map}, {transform_indices = #map}]} {
    %broadcast_in_dim3A = arith.constant 0.000000e+00 : f32
    %broadcast_in_dim3A_0 = vector.broadcast %broadcast_in_dim3A : f32 to vector<16xf32>
    %scan3A = arith.constant 0 : i32
    %scan3A_1 = arith.constant 0 : i32
    %scan3A_2 = arith.constant 40 : i32
    %scan3A_3 = arith.addi %scan3A_1, %scan3A_2 : i32
    %scan3A_4 = arith.constant 1 : i32
    %scan3A_5 = scf.for %scan3A_37 = %scan3A_1 to %scan3A_3 step %scan3A_4 iter_args(%scan3A_38 = %scan3A) -> (i32)  : i32 {
      %mul3A_39 = arith.constant 16 : i32
      %mul3A_40 = arith.muli %scan3A_37, %mul3A_39 : i32
      %swap3A = arith.index_cast %mul3A_40 : i32 to index
      %swap3A_41 = tpu.vector_load %arg11[%swap3A] {strides = array<i32>} : memref<640xf32, #tpu.memory_space<vmem>>, vector<16xf32>,
      tpu.vector_store %arg11[%swap3A], %broadcast_in_dim3A_0 {strides = array<i32>} : memref<640xf32, #tpu.memory_space<vmem>>, vector<16xf32>,
      %scan3A_42 = arith.constant 0 : i32
      scf.yield %scan3A_42 : i32
    }
    %scan3A_6 = arith.constant 40 : i32
    %mul3A = arith.constant 640 : i32
    %mul3A_7 = arith.muli %arg1, %mul3A : i32
    "tpu.region"() ({
      %run_scoped3A = tpu.sem_alloc : memref<!tpu.dma_semaphore, #tpu.memory_space<semaphore_mem>>
      %dma_start3A = tpu.memref_slice %arg14[%mul3A_7] : memref<10240xf32, #tpu.memory_space<vmem_shared>> -> memref<640xf32, #tpu.memory_space<vmem_shared>>
      %dma_start3A_37 = tpu.memref_slice %arg14[%mul3A_7] : memref<10240xf32, #tpu.memory_space<vmem_shared>> -> memref<640xf32, #tpu.memory_space<vmem_shared>>
      tpu.enqueue_dma source(%arg11 : memref<640xf32, #tpu.memory_space<vmem>>) target(%dma_start3A_37 : memref<640xf32, #tpu.memory_space<vmem_shared>>) target_semaphore(%run_scoped3A : memref<!tpu.dma_semaphore, #tpu.memory_space<semaphore_mem>>)
      %dma_wait3A = tpu.memref_slice %arg14[%mul3A_7] : memref<10240xf32, #tpu.memory_space<vmem_shared>> -> memref<640xf32, #tpu.memory_space<vmem_shared>>
      %dma_wait3A_38 = tpu.memref_slice %arg14[%mul3A_7] : memref<10240xf32, #tpu.memory_space<vmem_shared>> -> memref<640xf32, #tpu.memory_space<vmem_shared>>
      tpu.wait_dma2 semaphore(%run_scoped3A : memref<!tpu.dma_semaphore, #tpu.memory_space<semaphore_mem>>) src(%arg11 : memref<640xf32, #tpu.memory_space<vmem>>) dst(%dma_wait3A_38 : memref<640xf32, #tpu.memory_space<vmem_shared>>)
      tpu.yield
    }) : () -> ()
    %barrier3A = arith.constant 0 : index
    tpu.barrier barrier_id(%barrier3A)
    %scan3A_8 = arith.constant 0 : i32
    %scan3A_9 = arith.constant 0 : i32
    %scan3A_10 = arith.constant 125 : i32
    %scan3A_11 = arith.addi %scan3A_9, %scan3A_10 : i32
    %scan3A_12 = arith.constant 1 : i32
    %scan3A_13 = scf.for %scan3A_37 = %scan3A_9 to %scan3A_11 step %scan3A_12 iter_args(%scan3A_38 = %scan3A_8) -> (i32)  : i32 {
      %mul3A_39 = arith.constant 10000 : i32
      %mul3A_40 = arith.muli %arg1, %mul3A_39 : i32
      %mul3A_41 = arith.constant 80 : i32
      %mul3A_42 = arith.muli %scan3A_37, %mul3A_41 : i32
      %add3A = arith.addi %mul3A_40, %mul3A_42 : i32
      "tpu.region"() ({
        %run_scoped3A = tpu.sem_alloc : memref<!tpu.dma_semaphore, #tpu.memory_space<semaphore_mem>>
        %dma_start3A = tpu.memref_slice %arg3[%add3A] : memref<160000xi32, #tpu.memory_space<hbm>> -> memref<80xi32, #tpu.memory_space<hbm>>
        %dma_start3A_44 = tpu.memref_slice %arg3[%add3A] : memref<160000xi32, #tpu.memory_space<hbm>> -> memref<80xi32, #tpu.memory_space<hbm>>
        tpu.enqueue_dma source(%dma_start3A_44 : memref<80xi32, #tpu.memory_space<hbm>>) target(%arg8 : memref<80xi32, #tpu.memory_space<vmem>>) target_semaphore(%run_scoped3A : memref<!tpu.dma_semaphore, #tpu.memory_space<semaphore_mem>>)
        %dma_wait3A = tpu.memref_slice %arg3[%add3A] : memref<160000xi32, #tpu.memory_space<hbm>> -> memref<80xi32, #tpu.memory_space<hbm>>
        %dma_wait3A_45 = tpu.memref_slice %arg3[%add3A] : memref<160000xi32, #tpu.memory_space<hbm>> -> memref<80xi32, #tpu.memory_space<hbm>>
        tpu.wait_dma2 semaphore(%run_scoped3A : memref<!tpu.dma_semaphore, #tpu.memory_space<semaphore_mem>>) src(%dma_wait3A_45 : memref<80xi32, #tpu.memory_space<hbm>>) dst(%arg8 : memref<80xi32, #tpu.memory_space<vmem>>)
        tpu.yield
      }) : () -> ()
      "tpu.region"() ({
        %run_scoped3A = tpu.sem_alloc : memref<!tpu.dma_semaphore, #tpu.memory_space<semaphore_mem>>
        %dma_start3A = tpu.memref_slice %arg4[%add3A] : memref<160000xf32, #tpu.memory_space<hbm>> -> memref<80xf32, #tpu.memory_space<hbm>>
        %dma_start3A_44 = tpu.memref_slice %arg4[%add3A] : memref<160000xf32, #tpu.memory_space<hbm>> -> memref<80xf32, #tpu.memory_space<hbm>>
        tpu.enqueue_dma source(%dma_start3A_44 : memref<80xf32, #tpu.memory_space<hbm>>) target(%arg9 : memref<80xf32, #tpu.memory_space<vmem>>) target_semaphore(%run_scoped3A : memref<!tpu.dma_semaphore, #tpu.memory_space<semaphore_mem>>)
        %dma_wait3A = tpu.memref_slice %arg4[%add3A] : memref<160000xf32, #tpu.memory_space<hbm>> -> memref<80xf32, #tpu.memory_space<hbm>>
        %dma_wait3A_45 = tpu.memref_slice %arg4[%add3A] : memref<160000xf32, #tpu.memory_space<hbm>> -> memref<80xf32, #tpu.memory_space<hbm>>
        tpu.wait_dma2 semaphore(%run_scoped3A : memref<!tpu.dma_semaphore, #tpu.memory_space<semaphore_mem>>) src(%dma_wait3A_45 : memref<80xf32, #tpu.memory_space<hbm>>) dst(%arg9 : memref<80xf32, #tpu.memory_space<vmem>>)
        tpu.yield
      }) : () -> ()
      "tpu.region"() ({
        %run_scoped3A = tpu.sem_alloc : memref<!tpu.dma_semaphore, #tpu.memory_space<semaphore_mem>>
        %dma_start3A = arith.constant 0 : i32
        %dma_start3A_44 = tpu.memref_slice %arg14[%dma_start3A] : memref<10240xf32, #tpu.memory_space<vmem_shared>> -> memref<10240xf32, #tpu.memory_space<vmem_shared>>
        tpu.enqueue_indirect_dma source(%arg9 : memref<80xf32, #tpu.memory_space<vmem>>) target(%dma_start3A_44 : memref<10240xf32, #tpu.memory_space<vmem_shared>>) offsets(%arg8 : memref<80xi32, #tpu.memory_space<vmem>>) semaphore(%run_scoped3A : memref<!tpu.dma_semaphore, #tpu.memory_space<semaphore_mem>>) {add = true}
        %dma_wait3A = arith.constant 0 : i32
        %dma_wait3A_45 = tpu.memref_slice %arg14[%dma_wait3A] : memref<10240xf32, #tpu.memory_space<vmem_shared>> -> memref<10240xf32, #tpu.memory_space<vmem_shared>>
        tpu.wait_indirect_dma semaphore(%run_scoped3A : memref<!tpu.dma_semaphore, #tpu.memory_space<semaphore_mem>>) src(%arg9 : memref<80xf32, #tpu.memory_space<vmem>>) dst(%dma_wait3A_45 : memref<10240xf32, #tpu.memory_space<vmem_shared>>)
        tpu.yield
      }) : () -> ()
      %scan3A_43 = arith.constant 0 : i32
      scf.yield %scan3A_43 : i32
    }
    %scan3A_14 = arith.constant 125 : i32
    %barrier3A_15 = arith.constant 0 : index
    tpu.barrier barrier_id(%barrier3A_15)
    %mul3A_16 = arith.constant 640 : i32
    %mul3A_17 = arith.muli %arg1, %mul3A_16 : i32
    "tpu.region"() ({
      %run_scoped3A = tpu.sem_alloc : memref<!tpu.dma_semaphore, #tpu.memory_space<semaphore_mem>>
      %dma_start3A = tpu.memref_slice %arg14[%mul3A_17] : memref<10240xf32, #tpu.memory_space<vmem_shared>> -> memref<640xf32, #tpu.memory_space<vmem_shared>>
      %dma_start3A_37 = tpu.memref_slice %arg14[%mul3A_17] : memref<10240xf32, #tpu.memory_space<vmem_shared>> -> memref<640xf32, #tpu.memory_space<vmem_shared>>
      tpu.enqueue_dma source(%dma_start3A_37 : memref<640xf32, #tpu.memory_space<vmem_shared>>) target(%arg11 : memref<640xf32, #tpu.memory_space<vmem>>) target_semaphore(%run_scoped3A : memref<!tpu.dma_semaphore, #tpu.memory_space<semaphore_mem>>)
      %dma_wait3A = tpu.memref_slice %arg14[%mul3A_17] : memref<10240xf32, #tpu.memory_space<vmem_shared>> -> memref<640xf32, #tpu.memory_space<vmem_shared>>
      %dma_wait3A_38 = tpu.memref_slice %arg14[%mul3A_17] : memref<10240xf32, #tpu.memory_space<vmem_shared>> -> memref<640xf32, #tpu.memory_space<vmem_shared>>
      tpu.wait_dma2 semaphore(%run_scoped3A : memref<!tpu.dma_semaphore, #tpu.memory_space<semaphore_mem>>) src(%dma_wait3A_38 : memref<640xf32, #tpu.memory_space<vmem_shared>>) dst(%arg11 : memref<640xf32, #tpu.memory_space<vmem>>)
      tpu.yield
    }) : () -> ()
    %scan3A_18 = arith.constant 0 : i32
    %scan3A_19 = arith.constant 0 : i32
    %scan3A_20 = arith.constant 40 : i32
    %scan3A_21 = arith.addi %scan3A_19, %scan3A_20 : i32
    %scan3A_22 = arith.constant 1 : i32
    %scan3A_23 = scf.for %scan3A_37 = %scan3A_19 to %scan3A_21 step %scan3A_22 iter_args(%scan3A_38 = %scan3A_18) -> (i32)  : i32 {
      %mul3A_39 = arith.constant 16 : i32
      %mul3A_40 = arith.muli %scan3A_37, %mul3A_39 : i32
      %get3A = arith.index_cast %mul3A_40 : i32 to index
      %get3A_41 = tpu.vector_load %arg11[%get3A] {strides = array<i32>} : memref<640xf32, #tpu.memory_space<vmem>>, vector<16xf32>,
      %add3A = arith.constant 1.000000e+00 : f32
      %add3A_42 = vector.broadcast %add3A : f32 to vector<16xf32>
      %add3A_43 = arith.addf %get3A_41, %add3A_42 : vector<16xf32>
      %bitcast_convert_type3A = tpu.bitcast %add3A_43 : vector<16xf32> -> vector<16xi32>
      %shift_right_arithmetic3A = arith.constant 1 : i32
      %shift_right_arithmetic3A_44 = vector.broadcast %shift_right_arithmetic3A : i32 to vector<16xi32>
      %shift_right_arithmetic3A_45 = arith.shrsi %bitcast_convert_type3A, %shift_right_arithmetic3A_44 : vector<16xi32>
      %sub3A = arith.constant 1597463007 : i32
      %sub3A_46 = vector.broadcast %sub3A : i32 to vector<16xi32>
      %sub3A_47 = arith.subi %sub3A_46, %shift_right_arithmetic3A_45 : vector<16xi32>
      %bitcast_convert_type3A_48 = tpu.bitcast %sub3A_47 : vector<16xi32> -> vector<16xf32>
      %mul3A_49 = arith.constant 5.000000e-01 : f32
      %mul3A_50 = vector.broadcast %mul3A_49 : f32 to vector<16xf32>
      %mul3A_51 = arith.mulf %mul3A_50, %add3A_43 : vector<16xf32>
      %mul3A_52 = arith.mulf %mul3A_51, %bitcast_convert_type3A_48 : vector<16xf32>
      %mul3A_53 = arith.mulf %mul3A_52, %bitcast_convert_type3A_48 : vector<16xf32>
      %sub3A_54 = arith.constant 1.500000e+00 : f32
      %sub3A_55 = vector.broadcast %sub3A_54 : f32 to vector<16xf32>
      %sub3A_56 = arith.subf %sub3A_55, %mul3A_53 : vector<16xf32>
      %mul3A_57 = arith.mulf %bitcast_convert_type3A_48, %sub3A_56 : vector<16xf32>
      %mul3A_58 = arith.mulf %mul3A_51, %mul3A_57 : vector<16xf32>
      %mul3A_59 = arith.mulf %mul3A_58, %mul3A_57 : vector<16xf32>
      %sub3A_60 = arith.constant 1.500000e+00 : f32
      %sub3A_61 = vector.broadcast %sub3A_60 : f32 to vector<16xf32>
      %sub3A_62 = arith.subf %sub3A_61, %mul3A_59 : vector<16xf32>
      %mul3A_63 = arith.mulf %mul3A_57, %sub3A_62 : vector<16xf32>
      %mul3A_64 = arith.mulf %mul3A_51, %mul3A_63 : vector<16xf32>
      %mul3A_65 = arith.mulf %mul3A_64, %mul3A_63 : vector<16xf32>
      %sub3A_66 = arith.constant 1.500000e+00 : f32
      %sub3A_67 = vector.broadcast %sub3A_66 : f32 to vector<16xf32>
      %sub3A_68 = arith.subf %sub3A_67, %mul3A_65 : vector<16xf32>
      %mul3A_69 = arith.mulf %mul3A_63, %sub3A_68 : vector<16xf32>
      %swap3A = arith.index_cast %mul3A_40 : i32 to index
      %swap3A_70 = tpu.vector_load %arg11[%swap3A] {strides = array<i32>} : memref<640xf32, #tpu.memory_space<vmem>>, vector<16xf32>,
      tpu.vector_store %arg11[%swap3A], %mul3A_69 {strides = array<i32>} : memref<640xf32, #tpu.memory_space<vmem>>, vector<16xf32>,
      %mul3A_71 = arith.mulf %mul3A_69, %mul3A_69 : vector<16xf32>
      %swap3A_72 = arith.index_cast %mul3A_40 : i32 to index
      %swap3A_73 = tpu.vector_load %arg12[%swap3A_72] {strides = array<i32>} : memref<640xf32, #tpu.memory_space<vmem>>, vector<16xf32>,
      tpu.vector_store %arg12[%swap3A_72], %mul3A_71 {strides = array<i32>} : memref<640xf32, #tpu.memory_space<vmem>>, vector<16xf32>,
      %scan3A_74 = arith.constant 0 : i32
      scf.yield %scan3A_74 : i32
    }
    %scan3A_24 = arith.constant 40 : i32
    %mul3A_25 = arith.constant 640 : i32
    %mul3A_26 = arith.muli %arg1, %mul3A_25 : i32
    "tpu.region"() ({
      %run_scoped3A = tpu.sem_alloc : memref<!tpu.dma_semaphore, #tpu.memory_space<semaphore_mem>>
      %dma_start3A = tpu.memref_slice %arg15[%mul3A_26] : memref<10240xf32, #tpu.memory_space<vmem_shared>> -> memref<640xf32, #tpu.memory_space<vmem_shared>>
      %dma_start3A_37 = tpu.memref_slice %arg15[%mul3A_26] : memref<10240xf32, #tpu.memory_space<vmem_shared>> -> memref<640xf32, #tpu.memory_space<vmem_shared>>
      tpu.enqueue_dma source(%arg11 : memref<640xf32, #tpu.memory_space<vmem>>) target(%dma_start3A_37 : memref<640xf32, #tpu.memory_space<vmem_shared>>) target_semaphore(%run_scoped3A : memref<!tpu.dma_semaphore, #tpu.memory_space<semaphore_mem>>)
      %dma_wait3A = tpu.memref_slice %arg15[%mul3A_26] : memref<10240xf32, #tpu.memory_space<vmem_shared>> -> memref<640xf32, #tpu.memory_space<vmem_shared>>
      %dma_wait3A_38 = tpu.memref_slice %arg15[%mul3A_26] : memref<10240xf32, #tpu.memory_space<vmem_shared>> -> memref<640xf32, #tpu.memory_space<vmem_shared>>
      tpu.wait_dma2 semaphore(%run_scoped3A : memref<!tpu.dma_semaphore, #tpu.memory_space<semaphore_mem>>) src(%arg11 : memref<640xf32, #tpu.memory_space<vmem>>) dst(%dma_wait3A_38 : memref<640xf32, #tpu.memory_space<vmem_shared>>)
      tpu.yield
    }) : () -> ()
    %mul3A_27 = arith.constant 640 : i32
    %mul3A_28 = arith.muli %arg1, %mul3A_27 : i32
    "tpu.region"() ({
      %run_scoped3A = tpu.sem_alloc : memref<!tpu.dma_semaphore, #tpu.memory_space<semaphore_mem>>
      %dma_start3A = tpu.memref_slice %arg6[%mul3A_28] : memref<10240xf32, #tpu.memory_space<hbm>> -> memref<640xf32, #tpu.memory_space<hbm>>
      %dma_start3A_37 = tpu.memref_slice %arg6[%mul3A_28] : memref<10240xf32, #tpu.memory_space<hbm>> -> memref<640xf32, #tpu.memory_space<hbm>>
      tpu.enqueue_dma source(%arg12 : memref<640xf32, #tpu.memory_space<vmem>>) target(%dma_start3A_37 : memref<640xf32, #tpu.memory_space<hbm>>) target_semaphore(%run_scoped3A : memref<!tpu.dma_semaphore, #tpu.memory_space<semaphore_mem>>)
      %dma_wait3A = tpu.memref_slice %arg6[%mul3A_28] : memref<10240xf32, #tpu.memory_space<hbm>> -> memref<640xf32, #tpu.memory_space<hbm>>
      %dma_wait3A_38 = tpu.memref_slice %arg6[%mul3A_28] : memref<10240xf32, #tpu.memory_space<hbm>> -> memref<640xf32, #tpu.memory_space<hbm>>
      tpu.wait_dma2 semaphore(%run_scoped3A : memref<!tpu.dma_semaphore, #tpu.memory_space<semaphore_mem>>) src(%arg12 : memref<640xf32, #tpu.memory_space<vmem>>) dst(%dma_wait3A_38 : memref<640xf32, #tpu.memory_space<hbm>>)
      tpu.yield
    }) : () -> ()
    %barrier3A_29 = arith.constant 0 : index
    tpu.barrier barrier_id(%barrier3A_29)
    "tpu.region"() ({
      %run_scoped3A = tpu.sem_alloc : memref<!tpu.dma_semaphore, #tpu.memory_space<semaphore_mem>>
      tpu.enqueue_dma source(%arg15 : memref<10240xf32, #tpu.memory_space<vmem_shared>>) target(%arg13 : memref<10240xf32, #tpu.memory_space<vmem>>) target_semaphore(%run_scoped3A : memref<!tpu.dma_semaphore, #tpu.memory_space<semaphore_mem>>)
      tpu.wait_dma2 semaphore(%run_scoped3A : memref<!tpu.dma_semaphore, #tpu.memory_space<semaphore_mem>>) src(%arg15 : memref<10240xf32, #tpu.memory_space<vmem_shared>>) dst(%arg13 : memref<10240xf32, #tpu.memory_space<vmem>>)
      tpu.yield
    }) : () -> ()
    %scan3A_30 = arith.constant 0 : i32
    %scan3A_31 = arith.constant 0 : i32
    %scan3A_32 = arith.constant 125 : i32
    %scan3A_33 = arith.addi %scan3A_31, %scan3A_32 : i32
    %scan3A_34 = arith.constant 1 : i32
    %scan3A_35 = scf.for %scan3A_37 = %scan3A_31 to %scan3A_33 step %scan3A_34 iter_args(%scan3A_38 = %scan3A_30) -> (i32)  : i32 {
      %mul3A_39 = arith.constant 10000 : i32
      %mul3A_40 = arith.muli %arg1, %mul3A_39 : i32
      %mul3A_41 = arith.constant 80 : i32
      %mul3A_42 = arith.muli %scan3A_37, %mul3A_41 : i32
      %add3A = arith.addi %mul3A_40, %mul3A_42 : i32
      "tpu.region"() ({
        %run_scoped3A = tpu.sem_alloc : memref<!tpu.dma_semaphore, #tpu.memory_space<semaphore_mem>>
        %dma_start3A = tpu.memref_slice %arg2[%add3A] : memref<160000xi32, #tpu.memory_space<hbm>> -> memref<80xi32, #tpu.memory_space<hbm>>
        %dma_start3A_101 = tpu.memref_slice %arg2[%add3A] : memref<160000xi32, #tpu.memory_space<hbm>> -> memref<80xi32, #tpu.memory_space<hbm>>
        tpu.enqueue_dma source(%dma_start3A_101 : memref<80xi32, #tpu.memory_space<hbm>>) target(%arg7 : memref<80xi32, #tpu.memory_space<vmem>>) target_semaphore(%run_scoped3A : memref<!tpu.dma_semaphore, #tpu.memory_space<semaphore_mem>>)
        %dma_wait3A = tpu.memref_slice %arg2[%add3A] : memref<160000xi32, #tpu.memory_space<hbm>> -> memref<80xi32, #tpu.memory_space<hbm>>
        %dma_wait3A_102 = tpu.memref_slice %arg2[%add3A] : memref<160000xi32, #tpu.memory_space<hbm>> -> memref<80xi32, #tpu.memory_space<hbm>>
        tpu.wait_dma2 semaphore(%run_scoped3A : memref<!tpu.dma_semaphore, #tpu.memory_space<semaphore_mem>>) src(%dma_wait3A_102 : memref<80xi32, #tpu.memory_space<hbm>>) dst(%arg7 : memref<80xi32, #tpu.memory_space<vmem>>)
        tpu.yield
      }) : () -> ()
      "tpu.region"() ({
        %run_scoped3A = tpu.sem_alloc : memref<!tpu.dma_semaphore, #tpu.memory_space<semaphore_mem>>
        %dma_start3A = tpu.memref_slice %arg3[%add3A] : memref<160000xi32, #tpu.memory_space<hbm>> -> memref<80xi32, #tpu.memory_space<hbm>>
        %dma_start3A_101 = tpu.memref_slice %arg3[%add3A] : memref<160000xi32, #tpu.memory_space<hbm>> -> memref<80xi32, #tpu.memory_space<hbm>>
        tpu.enqueue_dma source(%dma_start3A_101 : memref<80xi32, #tpu.memory_space<hbm>>) target(%arg8 : memref<80xi32, #tpu.memory_space<vmem>>) target_semaphore(%run_scoped3A : memref<!tpu.dma_semaphore, #tpu.memory_space<semaphore_mem>>)
        %dma_wait3A = tpu.memref_slice %arg3[%add3A] : memref<160000xi32, #tpu.memory_space<hbm>> -> memref<80xi32, #tpu.memory_space<hbm>>
        %dma_wait3A_102 = tpu.memref_slice %arg3[%add3A] : memref<160000xi32, #tpu.memory_space<hbm>> -> memref<80xi32, #tpu.memory_space<hbm>>
        tpu.wait_dma2 semaphore(%run_scoped3A : memref<!tpu.dma_semaphore, #tpu.memory_space<semaphore_mem>>) src(%dma_wait3A_102 : memref<80xi32, #tpu.memory_space<hbm>>) dst(%arg8 : memref<80xi32, #tpu.memory_space<vmem>>)
        tpu.yield
      }) : () -> ()
      "tpu.region"() ({
        %run_scoped3A = tpu.sem_alloc : memref<!tpu.dma_semaphore, #tpu.memory_space<semaphore_mem>>
        %dma_start3A = tpu.memref_slice %arg4[%add3A] : memref<160000xf32, #tpu.memory_space<hbm>> -> memref<80xf32, #tpu.memory_space<hbm>>
        %dma_start3A_101 = tpu.memref_slice %arg4[%add3A] : memref<160000xf32, #tpu.memory_space<hbm>> -> memref<80xf32, #tpu.memory_space<hbm>>
        tpu.enqueue_dma source(%dma_start3A_101 : memref<80xf32, #tpu.memory_space<hbm>>) target(%arg9 : memref<80xf32, #tpu.memory_space<vmem>>) target_semaphore(%run_scoped3A : memref<!tpu.dma_semaphore, #tpu.memory_space<semaphore_mem>>)
        %dma_wait3A = tpu.memref_slice %arg4[%add3A] : memref<160000xf32, #tpu.memory_space<hbm>> -> memref<80xf32, #tpu.memory_space<hbm>>
        %dma_wait3A_102 = tpu.memref_slice %arg4[%add3A] : memref<160000xf32, #tpu.memory_space<hbm>> -> memref<80xf32, #tpu.memory_space<hbm>>
        tpu.wait_dma2 semaphore(%run_scoped3A : memref<!tpu.dma_semaphore, #tpu.memory_space<semaphore_mem>>) src(%dma_wait3A_102 : memref<80xf32, #tpu.memory_space<hbm>>) dst(%arg9 : memref<80xf32, #tpu.memory_space<vmem>>)
        tpu.yield
      }) : () -> ()
      %get3A = arith.constant 0 : index
      %get3A_43 = tpu.vector_load %arg7[%get3A] {strides = array<i32>} : memref<80xi32, #tpu.memory_space<vmem>>, vector<16xi32>,
      %gather3A = tpu.vector_load_idx %arg13[%get3A_43] : memref<10240xf32, #tpu.memory_space<vmem>>[vector<16xi32>], vector<16xf32>,
      %get3A_44 = arith.constant 0 : index
      %get3A_45 = tpu.vector_load %arg8[%get3A_44] {strides = array<i32>} : memref<80xi32, #tpu.memory_space<vmem>>, vector<16xi32>,
      %gather3A_46 = tpu.vector_load_idx %arg13[%get3A_45] : memref<10240xf32, #tpu.memory_space<vmem>>[vector<16xi32>], vector<16xf32>,
      %get3A_47 = arith.constant 0 : index
      %get3A_48 = tpu.vector_load %arg9[%get3A_47] {strides = array<i32>} : memref<80xf32, #tpu.memory_space<vmem>>, vector<16xf32>,
      %mul3A_49 = arith.mulf %gather3A, %get3A_48 : vector<16xf32>
      %mul3A_50 = arith.mulf %mul3A_49, %gather3A_46 : vector<16xf32>
      %swap3A = arith.constant 0 : index
      %swap3A_51 = tpu.vector_load %arg10[%swap3A] {strides = array<i32>} : memref<80xf32, #tpu.memory_space<vmem>>, vector<16xf32>,
      tpu.vector_store %arg10[%swap3A], %mul3A_50 {strides = array<i32>} : memref<80xf32, #tpu.memory_space<vmem>>, vector<16xf32>,
      %get3A_52 = arith.constant 16 : index
      %get3A_53 = tpu.vector_load %arg7[%get3A_52] {strides = array<i32>} : memref<80xi32, #tpu.memory_space<vmem>>, vector<16xi32>,
      %gather3A_54 = tpu.vector_load_idx %arg13[%get3A_53] : memref<10240xf32, #tpu.memory_space<vmem>>[vector<16xi32>], vector<16xf32>,
      %get3A_55 = arith.constant 16 : index
      %get3A_56 = tpu.vector_load %arg8[%get3A_55] {strides = array<i32>} : memref<80xi32, #tpu.memory_space<vmem>>, vector<16xi32>,
      %gather3A_57 = tpu.vector_load_idx %arg13[%get3A_56] : memref<10240xf32, #tpu.memory_space<vmem>>[vector<16xi32>], vector<16xf32>,
      %get3A_58 = arith.constant 16 : index
      %get3A_59 = tpu.vector_load %arg9[%get3A_58] {strides = array<i32>} : memref<80xf32, #tpu.memory_space<vmem>>, vector<16xf32>,
      %mul3A_60 = arith.mulf %gather3A_54, %get3A_59 : vector<16xf32>
      %mul3A_61 = arith.mulf %mul3A_60, %gather3A_57 : vector<16xf32>
      %swap3A_62 = arith.constant 16 : index
      %swap3A_63 = tpu.vector_load %arg10[%swap3A_62] {strides = array<i32>} : memref<80xf32, #tpu.memory_space<vmem>>, vector<16xf32>,
      tpu.vector_store %arg10[%swap3A_62], %mul3A_61 {strides = array<i32>} : memref<80xf32, #tpu.memory_space<vmem>>, vector<16xf32>,
      %get3A_64 = arith.constant 32 : index
      %get3A_65 = tpu.vector_load %arg7[%get3A_64] {strides = array<i32>} : memref<80xi32, #tpu.memory_space<vmem>>, vector<16xi32>,
      %gather3A_66 = tpu.vector_load_idx %arg13[%get3A_65] : memref<10240xf32, #tpu.memory_space<vmem>>[vector<16xi32>], vector<16xf32>,
      %get3A_67 = arith.constant 32 : index
      %get3A_68 = tpu.vector_load %arg8[%get3A_67] {strides = array<i32>} : memref<80xi32, #tpu.memory_space<vmem>>, vector<16xi32>,
      %gather3A_69 = tpu.vector_load_idx %arg13[%get3A_68] : memref<10240xf32, #tpu.memory_space<vmem>>[vector<16xi32>], vector<16xf32>,
      %get3A_70 = arith.constant 32 : index
      %get3A_71 = tpu.vector_load %arg9[%get3A_70] {strides = array<i32>} : memref<80xf32, #tpu.memory_space<vmem>>, vector<16xf32>,
      %mul3A_72 = arith.mulf %gather3A_66, %get3A_71 : vector<16xf32>
      %mul3A_73 = arith.mulf %mul3A_72, %gather3A_69 : vector<16xf32>
      %swap3A_74 = arith.constant 32 : index
      %swap3A_75 = tpu.vector_load %arg10[%swap3A_74] {strides = array<i32>} : memref<80xf32, #tpu.memory_space<vmem>>, vector<16xf32>,
      tpu.vector_store %arg10[%swap3A_74], %mul3A_73 {strides = array<i32>} : memref<80xf32, #tpu.memory_space<vmem>>, vector<16xf32>,
      %get3A_76 = arith.constant 48 : index
      %get3A_77 = tpu.vector_load %arg7[%get3A_76] {strides = array<i32>} : memref<80xi32, #tpu.memory_space<vmem>>, vector<16xi32>,
      %gather3A_78 = tpu.vector_load_idx %arg13[%get3A_77] : memref<10240xf32, #tpu.memory_space<vmem>>[vector<16xi32>], vector<16xf32>,
      %get3A_79 = arith.constant 48 : index
      %get3A_80 = tpu.vector_load %arg8[%get3A_79] {strides = array<i32>} : memref<80xi32, #tpu.memory_space<vmem>>, vector<16xi32>,
      %gather3A_81 = tpu.vector_load_idx %arg13[%get3A_80] : memref<10240xf32, #tpu.memory_space<vmem>>[vector<16xi32>], vector<16xf32>,
      %get3A_82 = arith.constant 48 : index
      %get3A_83 = tpu.vector_load %arg9[%get3A_82] {strides = array<i32>} : memref<80xf32, #tpu.memory_space<vmem>>, vector<16xf32>,
      %mul3A_84 = arith.mulf %gather3A_78, %get3A_83 : vector<16xf32>
      %mul3A_85 = arith.mulf %mul3A_84, %gather3A_81 : vector<16xf32>
      %swap3A_86 = arith.constant 48 : index
      %swap3A_87 = tpu.vector_load %arg10[%swap3A_86] {strides = array<i32>} : memref<80xf32, #tpu.memory_space<vmem>>, vector<16xf32>,
      tpu.vector_store %arg10[%swap3A_86], %mul3A_85 {strides = array<i32>} : memref<80xf32, #tpu.memory_space<vmem>>, vector<16xf32>,
      %get3A_88 = arith.constant 64 : index
      %get3A_89 = tpu.vector_load %arg7[%get3A_88] {strides = array<i32>} : memref<80xi32, #tpu.memory_space<vmem>>, vector<16xi32>,
      %gather3A_90 = tpu.vector_load_idx %arg13[%get3A_89] : memref<10240xf32, #tpu.memory_space<vmem>>[vector<16xi32>], vector<16xf32>,
      %get3A_91 = arith.constant 64 : index
      %get3A_92 = tpu.vector_load %arg8[%get3A_91] {strides = array<i32>} : memref<80xi32, #tpu.memory_space<vmem>>, vector<16xi32>,
      %gather3A_93 = tpu.vector_load_idx %arg13[%get3A_92] : memref<10240xf32, #tpu.memory_space<vmem>>[vector<16xi32>], vector<16xf32>,
      %get3A_94 = arith.constant 64 : index
      %get3A_95 = tpu.vector_load %arg9[%get3A_94] {strides = array<i32>} : memref<80xf32, #tpu.memory_space<vmem>>, vector<16xf32>,
      %mul3A_96 = arith.mulf %gather3A_90, %get3A_95 : vector<16xf32>
      %mul3A_97 = arith.mulf %mul3A_96, %gather3A_93 : vector<16xf32>
      %swap3A_98 = arith.constant 64 : index
      %swap3A_99 = tpu.vector_load %arg10[%swap3A_98] {strides = array<i32>} : memref<80xf32, #tpu.memory_space<vmem>>, vector<16xf32>,
      tpu.vector_store %arg10[%swap3A_98], %mul3A_97 {strides = array<i32>} : memref<80xf32, #tpu.memory_space<vmem>>, vector<16xf32>,
      "tpu.region"() ({
        %run_scoped3A = tpu.sem_alloc : memref<!tpu.dma_semaphore, #tpu.memory_space<semaphore_mem>>
        %dma_start3A = tpu.memref_slice %arg5[%add3A] : memref<160000xf32, #tpu.memory_space<hbm>> -> memref<80xf32, #tpu.memory_space<hbm>>
        %dma_start3A_101 = tpu.memref_slice %arg5[%add3A] : memref<160000xf32, #tpu.memory_space<hbm>> -> memref<80xf32, #tpu.memory_space<hbm>>
        tpu.enqueue_dma source(%arg10 : memref<80xf32, #tpu.memory_space<vmem>>) target(%dma_start3A_101 : memref<80xf32, #tpu.memory_space<hbm>>) target_semaphore(%run_scoped3A : memref<!tpu.dma_semaphore, #tpu.memory_space<semaphore_mem>>)
        %dma_wait3A = tpu.memref_slice %arg5[%add3A] : memref<160000xf32, #tpu.memory_space<hbm>> -> memref<80xf32, #tpu.memory_space<hbm>>
        %dma_wait3A_102 = tpu.memref_slice %arg5[%add3A] : memref<160000xf32, #tpu.memory_space<hbm>> -> memref<80xf32, #tpu.memory_space<hbm>>
        tpu.wait_dma2 semaphore(%run_scoped3A : memref<!tpu.dma_semaphore, #tpu.memory_space<semaphore_mem>>) src(%arg10 : memref<80xf32, #tpu.memory_space<vmem>>) dst(%dma_wait3A_102 : memref<80xf32, #tpu.memory_space<hbm>>)
        tpu.yield
      }) : () -> ()
      %scan3A_100 = arith.constant 0 : i32
      scf.yield %scan3A_100 : i32
    }
    %scan3A_36 = arith.constant 125 : i32
    return
  }
}

#map = affine_map<(d0, d1) -> (0, 0)>
#map1 = affine_map<(d0, d1) -> (0)>
#map2 = affine_map<(d0, d1) -> (0, 0, 0)>
module attributes {stable_mosaic.version = 14 : i64} {
  func.func @_agg_body(%arg0: i32, %arg1: i32, %arg2: memref<10240x128xf32, #tpu.memory_space<hbm>>, %arg3: memref<160000xi32, #tpu.memory_space<hbm>>, %arg4: memref<160000xi32, #tpu.memory_space<hbm>>, %arg5: memref<160000xf32, #tpu.memory_space<hbm>>, %arg6: memref<2x10240x128xf32, #tpu.memory_space<hbm>>, %arg7: memref<40xi32, #tpu.memory_space<vmem>>, %arg8: memref<40xi32, #tpu.memory_space<vmem>>, %arg9: memref<40xf32, #tpu.memory_space<vmem>>, %arg10: memref<40x128xf32, #tpu.memory_space<vmem>>, %arg11: memref<128x128xf32, #tpu.memory_space<vmem>>, %arg12: memref<10240x128xf32, #tpu.memory_space<vmem_shared>>, %arg13: memref<!tpu.dma_semaphore, #tpu.memory_space<semaphore_mem>>) attributes {dimension_semantics = [#tpu.dimension_semantics<core_parallel>, #tpu.dimension_semantics<subcore_parallel>], iteration_bounds = array<i64: 2, 16>, scalar_prefetch = 0 : i64, scratch_operands = 7 : i64, tpu.core_type = #tpu.core_type<sc_vector_subcore>, window_params = [{transform_indices = #map}, {transform_indices = #map1}, {transform_indices = #map1}, {transform_indices = #map1}, {transform_indices = #map2}]} {
    %broadcast_in_dim3A = arith.constant 0.000000e+00 : f32
    %broadcast_in_dim3A_0 = vector.broadcast %broadcast_in_dim3A : f32 to vector<16xf32>
    %scan3A = arith.constant 0 : i32
    %scan3A_1 = arith.constant 0 : i32
    %scan3A_2 = arith.constant 128 : i32
    %scan3A_3 = arith.addi %scan3A_1, %scan3A_2 : i32
    %scan3A_4 = arith.constant 1 : i32
    %scan3A_5 = scf.for %scan3A_40 = %scan3A_1 to %scan3A_3 step %scan3A_4 iter_args(%scan3A_41 = %scan3A) -> (i32)  : i32 {
      %swap3A = arith.index_cast %scan3A_40 : i32 to index
      %swap3A_42 = arith.constant 0 : index
      %swap3A_43 = tpu.vector_load %arg11[%swap3A, %swap3A_42] {strides = array<i32>} : memref<128x128xf32, #tpu.memory_space<vmem>>, vector<16xf32>,
      tpu.vector_store %arg11[%swap3A, %swap3A_42], %broadcast_in_dim3A_0 {strides = array<i32>} : memref<128x128xf32, #tpu.memory_space<vmem>>, vector<16xf32>,
      %swap3A_44 = arith.index_cast %scan3A_40 : i32 to index
      %swap3A_45 = arith.constant 16 : index
      %swap3A_46 = tpu.vector_load %arg11[%swap3A_44, %swap3A_45] {strides = array<i32>} : memref<128x128xf32, #tpu.memory_space<vmem>>, vector<16xf32>,
      tpu.vector_store %arg11[%swap3A_44, %swap3A_45], %broadcast_in_dim3A_0 {strides = array<i32>} : memref<128x128xf32, #tpu.memory_space<vmem>>, vector<16xf32>,
      %swap3A_47 = arith.index_cast %scan3A_40 : i32 to index
      %swap3A_48 = arith.constant 32 : index
      %swap3A_49 = tpu.vector_load %arg11[%swap3A_47, %swap3A_48] {strides = array<i32>} : memref<128x128xf32, #tpu.memory_space<vmem>>, vector<16xf32>,
      tpu.vector_store %arg11[%swap3A_47, %swap3A_48], %broadcast_in_dim3A_0 {strides = array<i32>} : memref<128x128xf32, #tpu.memory_space<vmem>>, vector<16xf32>,
      %swap3A_50 = arith.index_cast %scan3A_40 : i32 to index
      %swap3A_51 = arith.constant 48 : index
      %swap3A_52 = tpu.vector_load %arg11[%swap3A_50, %swap3A_51] {strides = array<i32>} : memref<128x128xf32, #tpu.memory_space<vmem>>, vector<16xf32>,
      tpu.vector_store %arg11[%swap3A_50, %swap3A_51], %broadcast_in_dim3A_0 {strides = array<i32>} : memref<128x128xf32, #tpu.memory_space<vmem>>, vector<16xf32>,
      %swap3A_53 = arith.index_cast %scan3A_40 : i32 to index
      %swap3A_54 = arith.constant 64 : index
      %swap3A_55 = tpu.vector_load %arg11[%swap3A_53, %swap3A_54] {strides = array<i32>} : memref<128x128xf32, #tpu.memory_space<vmem>>, vector<16xf32>,
      tpu.vector_store %arg11[%swap3A_53, %swap3A_54], %broadcast_in_dim3A_0 {strides = array<i32>} : memref<128x128xf32, #tpu.memory_space<vmem>>, vector<16xf32>,
      %swap3A_56 = arith.index_cast %scan3A_40 : i32 to index
      %swap3A_57 = arith.constant 80 : index
      %swap3A_58 = tpu.vector_load %arg11[%swap3A_56, %swap3A_57] {strides = array<i32>} : memref<128x128xf32, #tpu.memory_space<vmem>>, vector<16xf32>,
      tpu.vector_store %arg11[%swap3A_56, %swap3A_57], %broadcast_in_dim3A_0 {strides = array<i32>} : memref<128x128xf32, #tpu.memory_space<vmem>>, vector<16xf32>,
      %swap3A_59 = arith.index_cast %scan3A_40 : i32 to index
      %swap3A_60 = arith.constant 96 : index
      %swap3A_61 = tpu.vector_load %arg11[%swap3A_59, %swap3A_60] {strides = array<i32>} : memref<128x128xf32, #tpu.memory_space<vmem>>, vector<16xf32>,
      tpu.vector_store %arg11[%swap3A_59, %swap3A_60], %broadcast_in_dim3A_0 {strides = array<i32>} : memref<128x128xf32, #tpu.memory_space<vmem>>, vector<16xf32>,
      %swap3A_62 = arith.index_cast %scan3A_40 : i32 to index
      %swap3A_63 = arith.constant 112 : index
      %swap3A_64 = tpu.vector_load %arg11[%swap3A_62, %swap3A_63] {strides = array<i32>} : memref<128x128xf32, #tpu.memory_space<vmem>>, vector<16xf32>,
      tpu.vector_store %arg11[%swap3A_62, %swap3A_63], %broadcast_in_dim3A_0 {strides = array<i32>} : memref<128x128xf32, #tpu.memory_space<vmem>>, vector<16xf32>,
      %scan3A_65 = arith.constant 0 : i32
      scf.yield %scan3A_65 : i32
    }
    %scan3A_6 = arith.constant 128 : i32
    %mul3A = arith.constant 640 : i32
    %mul3A_7 = arith.muli %arg1, %mul3A : i32
    %add3A = arith.constant 0 : i32
    %add3A_8 = arith.addi %mul3A_7, %add3A : i32
    "tpu.region"() ({
      %run_scoped3A = tpu.sem_alloc : memref<!tpu.dma_semaphore, #tpu.memory_space<semaphore_mem>>
      %dma_start3A = arith.constant 0 : i32
      %dma_start3A_40 = tpu.memref_slice %arg12[%add3A_8, %dma_start3A] : memref<10240x128xf32, #tpu.memory_space<vmem_shared>> -> memref<128x128xf32, #tpu.memory_space<vmem_shared>>
      %dma_start3A_41 = arith.constant 0 : i32
      %dma_start3A_42 = tpu.memref_slice %arg12[%add3A_8, %dma_start3A_41] : memref<10240x128xf32, #tpu.memory_space<vmem_shared>> -> memref<128x128xf32, #tpu.memory_space<vmem_shared>>
      tpu.enqueue_dma source(%arg11 : memref<128x128xf32, #tpu.memory_space<vmem>>) target(%dma_start3A_42 : memref<128x128xf32, #tpu.memory_space<vmem_shared>>) target_semaphore(%run_scoped3A : memref<!tpu.dma_semaphore, #tpu.memory_space<semaphore_mem>>)
      %dma_wait3A = arith.constant 0 : i32
      %dma_wait3A_43 = tpu.memref_slice %arg12[%add3A_8, %dma_wait3A] : memref<10240x128xf32, #tpu.memory_space<vmem_shared>> -> memref<128x128xf32, #tpu.memory_space<vmem_shared>>
      %dma_wait3A_44 = arith.constant 0 : i32
      %dma_wait3A_45 = tpu.memref_slice %arg12[%add3A_8, %dma_wait3A_44] : memref<10240x128xf32, #tpu.memory_space<vmem_shared>> -> memref<128x128xf32, #tpu.memory_space<vmem_shared>>
      tpu.wait_dma2 semaphore(%run_scoped3A : memref<!tpu.dma_semaphore, #tpu.memory_space<semaphore_mem>>) src(%arg11 : memref<128x128xf32, #tpu.memory_space<vmem>>) dst(%dma_wait3A_45 : memref<128x128xf32, #tpu.memory_space<vmem_shared>>)
      tpu.yield
    }) : () -> ()
    %mul3A_9 = arith.constant 640 : i32
    %mul3A_10 = arith.muli %arg1, %mul3A_9 : i32
    %add3A_11 = arith.constant 128 : i32
    %add3A_12 = arith.addi %mul3A_10, %add3A_11 : i32
    "tpu.region"() ({
      %run_scoped3A = tpu.sem_alloc : memref<!tpu.dma_semaphore, #tpu.memory_space<semaphore_mem>>
      %dma_start3A = arith.constant 0 : i32
      %dma_start3A_40 = tpu.memref_slice %arg12[%add3A_12, %dma_start3A] : memref<10240x128xf32, #tpu.memory_space<vmem_shared>> -> memref<128x128xf32, #tpu.memory_space<vmem_shared>>
      %dma_start3A_41 = arith.constant 0 : i32
      %dma_start3A_42 = tpu.memref_slice %arg12[%add3A_12, %dma_start3A_41] : memref<10240x128xf32, #tpu.memory_space<vmem_shared>> -> memref<128x128xf32, #tpu.memory_space<vmem_shared>>
      tpu.enqueue_dma source(%arg11 : memref<128x128xf32, #tpu.memory_space<vmem>>) target(%dma_start3A_42 : memref<128x128xf32, #tpu.memory_space<vmem_shared>>) target_semaphore(%run_scoped3A : memref<!tpu.dma_semaphore, #tpu.memory_space<semaphore_mem>>)
      %dma_wait3A = arith.constant 0 : i32
      %dma_wait3A_43 = tpu.memref_slice %arg12[%add3A_12, %dma_wait3A] : memref<10240x128xf32, #tpu.memory_space<vmem_shared>> -> memref<128x128xf32, #tpu.memory_space<vmem_shared>>
      %dma_wait3A_44 = arith.constant 0 : i32
      %dma_wait3A_45 = tpu.memref_slice %arg12[%add3A_12, %dma_wait3A_44] : memref<10240x128xf32, #tpu.memory_space<vmem_shared>> -> memref<128x128xf32, #tpu.memory_space<vmem_shared>>
      tpu.wait_dma2 semaphore(%run_scoped3A : memref<!tpu.dma_semaphore, #tpu.memory_space<semaphore_mem>>) src(%arg11 : memref<128x128xf32, #tpu.memory_space<vmem>>) dst(%dma_wait3A_45 : memref<128x128xf32, #tpu.memory_space<vmem_shared>>)
      tpu.yield
    }) : () -> ()
    %mul3A_13 = arith.constant 640 : i32
    %mul3A_14 = arith.muli %arg1, %mul3A_13 : i32
    %add3A_15 = arith.constant 256 : i32
    %add3A_16 = arith.addi %mul3A_14, %add3A_15 : i32
    "tpu.region"() ({
      %run_scoped3A = tpu.sem_alloc : memref<!tpu.dma_semaphore, #tpu.memory_space<semaphore_mem>>
      %dma_start3A = arith.constant 0 : i32
      %dma_start3A_40 = tpu.memref_slice %arg12[%add3A_16, %dma_start3A] : memref<10240x128xf32, #tpu.memory_space<vmem_shared>> -> memref<128x128xf32, #tpu.memory_space<vmem_shared>>
      %dma_start3A_41 = arith.constant 0 : i32
      %dma_start3A_42 = tpu.memref_slice %arg12[%add3A_16, %dma_start3A_41] : memref<10240x128xf32, #tpu.memory_space<vmem_shared>> -> memref<128x128xf32, #tpu.memory_space<vmem_shared>>
      tpu.enqueue_dma source(%arg11 : memref<128x128xf32, #tpu.memory_space<vmem>>) target(%dma_start3A_42 : memref<128x128xf32, #tpu.memory_space<vmem_shared>>) target_semaphore(%run_scoped3A : memref<!tpu.dma_semaphore, #tpu.memory_space<semaphore_mem>>)
      %dma_wait3A = arith.constant 0 : i32
      %dma_wait3A_43 = tpu.memref_slice %arg12[%add3A_16, %dma_wait3A] : memref<10240x128xf32, #tpu.memory_space<vmem_shared>> -> memref<128x128xf32, #tpu.memory_space<vmem_shared>>
      %dma_wait3A_44 = arith.constant 0 : i32
      %dma_wait3A_45 = tpu.memref_slice %arg12[%add3A_16, %dma_wait3A_44] : memref<10240x128xf32, #tpu.memory_space<vmem_shared>> -> memref<128x128xf32, #tpu.memory_space<vmem_shared>>
      tpu.wait_dma2 semaphore(%run_scoped3A : memref<!tpu.dma_semaphore, #tpu.memory_space<semaphore_mem>>) src(%arg11 : memref<128x128xf32, #tpu.memory_space<vmem>>) dst(%dma_wait3A_45 : memref<128x128xf32, #tpu.memory_space<vmem_shared>>)
      tpu.yield
    }) : () -> ()
    %mul3A_17 = arith.constant 640 : i32
    %mul3A_18 = arith.muli %arg1, %mul3A_17 : i32
    %add3A_19 = arith.constant 384 : i32
    %add3A_20 = arith.addi %mul3A_18, %add3A_19 : i32
    "tpu.region"() ({
      %run_scoped3A = tpu.sem_alloc : memref<!tpu.dma_semaphore, #tpu.memory_space<semaphore_mem>>
      %dma_start3A = arith.constant 0 : i32
      %dma_start3A_40 = tpu.memref_slice %arg12[%add3A_20, %dma_start3A] : memref<10240x128xf32, #tpu.memory_space<vmem_shared>> -> memref<128x128xf32, #tpu.memory_space<vmem_shared>>
      %dma_start3A_41 = arith.constant 0 : i32
      %dma_start3A_42 = tpu.memref_slice %arg12[%add3A_20, %dma_start3A_41] : memref<10240x128xf32, #tpu.memory_space<vmem_shared>> -> memref<128x128xf32, #tpu.memory_space<vmem_shared>>
      tpu.enqueue_dma source(%arg11 : memref<128x128xf32, #tpu.memory_space<vmem>>) target(%dma_start3A_42 : memref<128x128xf32, #tpu.memory_space<vmem_shared>>) target_semaphore(%run_scoped3A : memref<!tpu.dma_semaphore, #tpu.memory_space<semaphore_mem>>)
      %dma_wait3A = arith.constant 0 : i32
      %dma_wait3A_43 = tpu.memref_slice %arg12[%add3A_20, %dma_wait3A] : memref<10240x128xf32, #tpu.memory_space<vmem_shared>> -> memref<128x128xf32, #tpu.memory_space<vmem_shared>>
      %dma_wait3A_44 = arith.constant 0 : i32
      %dma_wait3A_45 = tpu.memref_slice %arg12[%add3A_20, %dma_wait3A_44] : memref<10240x128xf32, #tpu.memory_space<vmem_shared>> -> memref<128x128xf32, #tpu.memory_space<vmem_shared>>
      tpu.wait_dma2 semaphore(%run_scoped3A : memref<!tpu.dma_semaphore, #tpu.memory_space<semaphore_mem>>) src(%arg11 : memref<128x128xf32, #tpu.memory_space<vmem>>) dst(%dma_wait3A_45 : memref<128x128xf32, #tpu.memory_space<vmem_shared>>)
      tpu.yield
    }) : () -> ()
    %mul3A_21 = arith.constant 640 : i32
    %mul3A_22 = arith.muli %arg1, %mul3A_21 : i32
    %add3A_23 = arith.constant 512 : i32
    %add3A_24 = arith.addi %mul3A_22, %add3A_23 : i32
    "tpu.region"() ({
      %run_scoped3A = tpu.sem_alloc : memref<!tpu.dma_semaphore, #tpu.memory_space<semaphore_mem>>
      %dma_start3A = arith.constant 0 : i32
      %dma_start3A_40 = tpu.memref_slice %arg12[%add3A_24, %dma_start3A] : memref<10240x128xf32, #tpu.memory_space<vmem_shared>> -> memref<128x128xf32, #tpu.memory_space<vmem_shared>>
      %dma_start3A_41 = arith.constant 0 : i32
      %dma_start3A_42 = tpu.memref_slice %arg12[%add3A_24, %dma_start3A_41] : memref<10240x128xf32, #tpu.memory_space<vmem_shared>> -> memref<128x128xf32, #tpu.memory_space<vmem_shared>>
      tpu.enqueue_dma source(%arg11 : memref<128x128xf32, #tpu.memory_space<vmem>>) target(%dma_start3A_42 : memref<128x128xf32, #tpu.memory_space<vmem_shared>>) target_semaphore(%run_scoped3A : memref<!tpu.dma_semaphore, #tpu.memory_space<semaphore_mem>>)
      %dma_wait3A = arith.constant 0 : i32
      %dma_wait3A_43 = tpu.memref_slice %arg12[%add3A_24, %dma_wait3A] : memref<10240x128xf32, #tpu.memory_space<vmem_shared>> -> memref<128x128xf32, #tpu.memory_space<vmem_shared>>
      %dma_wait3A_44 = arith.constant 0 : i32
      %dma_wait3A_45 = tpu.memref_slice %arg12[%add3A_24, %dma_wait3A_44] : memref<10240x128xf32, #tpu.memory_space<vmem_shared>> -> memref<128x128xf32, #tpu.memory_space<vmem_shared>>
      tpu.wait_dma2 semaphore(%run_scoped3A : memref<!tpu.dma_semaphore, #tpu.memory_space<semaphore_mem>>) src(%arg11 : memref<128x128xf32, #tpu.memory_space<vmem>>) dst(%dma_wait3A_45 : memref<128x128xf32, #tpu.memory_space<vmem_shared>>)
      tpu.yield
    }) : () -> ()
    %barrier3A = arith.constant 0 : index
    tpu.barrier barrier_id(%barrier3A)
    %mul3A_25 = arith.constant 16 : i32
    %mul3A_26 = arith.muli %arg0, %mul3A_25 : i32
    %add3A_27 = arith.addi %mul3A_26, %arg1 : i32
    %mul3A_28 = arith.constant 5000 : i32
    %mul3A_29 = arith.muli %add3A_27, %mul3A_28 : i32
    %scan3A_30 = arith.constant 0 : i32
    %scan3A_31 = arith.constant 0 : i32
    %scan3A_32 = arith.constant 125 : i32
    %scan3A_33 = arith.addi %scan3A_31, %scan3A_32 : i32
    %scan3A_34 = arith.constant 1 : i32
    %scan3A_35 = scf.for %scan3A_40 = %scan3A_31 to %scan3A_33 step %scan3A_34 iter_args(%scan3A_41 = %scan3A_30) -> (i32)  : i32 {
      %mul3A_42 = arith.constant 40 : i32
      %mul3A_43 = arith.muli %scan3A_40, %mul3A_42 : i32
      %add3A_44 = arith.addi %mul3A_29, %mul3A_43 : i32
      "tpu.region"() ({
        %run_scoped3A = tpu.sem_alloc : memref<!tpu.dma_semaphore, #tpu.memory_space<semaphore_mem>>
        %dma_start3A_57 = tpu.memref_slice %arg3[%add3A_44] : memref<160000xi32, #tpu.memory_space<hbm>> -> memref<40xi32, #tpu.memory_space<hbm>>
        %dma_start3A_58 = tpu.memref_slice %arg3[%add3A_44] : memref<160000xi32, #tpu.memory_space<hbm>> -> memref<40xi32, #tpu.memory_space<hbm>>
        tpu.enqueue_dma source(%dma_start3A_58 : memref<40xi32, #tpu.memory_space<hbm>>) target(%arg7 : memref<40xi32, #tpu.memory_space<vmem>>) target_semaphore(%run_scoped3A : memref<!tpu.dma_semaphore, #tpu.memory_space<semaphore_mem>>)
        %dma_wait3A_59 = tpu.memref_slice %arg3[%add3A_44] : memref<160000xi32, #tpu.memory_space<hbm>> -> memref<40xi32, #tpu.memory_space<hbm>>
        %dma_wait3A_60 = tpu.memref_slice %arg3[%add3A_44] : memref<160000xi32, #tpu.memory_space<hbm>> -> memref<40xi32, #tpu.memory_space<hbm>>
        tpu.wait_dma2 semaphore(%run_scoped3A : memref<!tpu.dma_semaphore, #tpu.memory_space<semaphore_mem>>) src(%dma_wait3A_60 : memref<40xi32, #tpu.memory_space<hbm>>) dst(%arg7 : memref<40xi32, #tpu.memory_space<vmem>>)
        tpu.yield
      }) : () -> ()
      "tpu.region"() ({
        %run_scoped3A = tpu.sem_alloc : memref<!tpu.dma_semaphore, #tpu.memory_space<semaphore_mem>>
        %dma_start3A_57 = tpu.memref_slice %arg4[%add3A_44] : memref<160000xi32, #tpu.memory_space<hbm>> -> memref<40xi32, #tpu.memory_space<hbm>>
        %dma_start3A_58 = tpu.memref_slice %arg4[%add3A_44] : memref<160000xi32, #tpu.memory_space<hbm>> -> memref<40xi32, #tpu.memory_space<hbm>>
        tpu.enqueue_dma source(%dma_start3A_58 : memref<40xi32, #tpu.memory_space<hbm>>) target(%arg8 : memref<40xi32, #tpu.memory_space<vmem>>) target_semaphore(%run_scoped3A : memref<!tpu.dma_semaphore, #tpu.memory_space<semaphore_mem>>)
        %dma_wait3A_59 = tpu.memref_slice %arg4[%add3A_44] : memref<160000xi32, #tpu.memory_space<hbm>> -> memref<40xi32, #tpu.memory_space<hbm>>
        %dma_wait3A_60 = tpu.memref_slice %arg4[%add3A_44] : memref<160000xi32, #tpu.memory_space<hbm>> -> memref<40xi32, #tpu.memory_space<hbm>>
        tpu.wait_dma2 semaphore(%run_scoped3A : memref<!tpu.dma_semaphore, #tpu.memory_space<semaphore_mem>>) src(%dma_wait3A_60 : memref<40xi32, #tpu.memory_space<hbm>>) dst(%arg8 : memref<40xi32, #tpu.memory_space<vmem>>)
        tpu.yield
      }) : () -> ()
      "tpu.region"() ({
        %run_scoped3A = tpu.sem_alloc : memref<!tpu.dma_semaphore, #tpu.memory_space<semaphore_mem>>
        %dma_start3A_57 = tpu.memref_slice %arg5[%add3A_44] : memref<160000xf32, #tpu.memory_space<hbm>> -> memref<40xf32, #tpu.memory_space<hbm>>
        %dma_start3A_58 = tpu.memref_slice %arg5[%add3A_44] : memref<160000xf32, #tpu.memory_space<hbm>> -> memref<40xf32, #tpu.memory_space<hbm>>
        tpu.enqueue_dma source(%dma_start3A_58 : memref<40xf32, #tpu.memory_space<hbm>>) target(%arg9 : memref<40xf32, #tpu.memory_space<vmem>>) target_semaphore(%run_scoped3A : memref<!tpu.dma_semaphore, #tpu.memory_space<semaphore_mem>>)
        %dma_wait3A_59 = tpu.memref_slice %arg5[%add3A_44] : memref<160000xf32, #tpu.memory_space<hbm>> -> memref<40xf32, #tpu.memory_space<hbm>>
        %dma_wait3A_60 = tpu.memref_slice %arg5[%add3A_44] : memref<160000xf32, #tpu.memory_space<hbm>> -> memref<40xf32, #tpu.memory_space<hbm>>
        tpu.wait_dma2 semaphore(%run_scoped3A : memref<!tpu.dma_semaphore, #tpu.memory_space<semaphore_mem>>) src(%dma_wait3A_60 : memref<40xf32, #tpu.memory_space<hbm>>) dst(%arg9 : memref<40xf32, #tpu.memory_space<vmem>>)
        tpu.yield
      }) : () -> ()
      %dma_start3A = arith.constant 0 : i32
      %dma_start3A_45 = arith.constant 0 : i32
      %dma_start3A_46 = tpu.memref_slice %arg2[%dma_start3A, %dma_start3A_45] : memref<10240x128xf32, #tpu.memory_space<hbm>> -> memref<10240x128xf32, #tpu.memory_space<hbm>>
      tpu.enqueue_indirect_dma source(%dma_start3A_46 : memref<10240x128xf32, #tpu.memory_space<hbm>>) target(%arg10 : memref<40x128xf32, #tpu.memory_space<vmem>>) offsets(%arg7 : memref<40xi32, #tpu.memory_space<vmem>>) semaphore(%arg13 : memref<!tpu.dma_semaphore, #tpu.memory_space<semaphore_mem>>)
      %dma_wait3A = arith.constant 0 : i32
      %dma_wait3A_47 = arith.constant 0 : i32
      %dma_wait3A_48 = tpu.memref_slice %arg2[%dma_wait3A, %dma_wait3A_47] : memref<10240x128xf32, #tpu.memory_space<hbm>> -> memref<10240x128xf32, #tpu.memory_space<hbm>>
      tpu.wait_indirect_dma semaphore(%arg13 : memref<!tpu.dma_semaphore, #tpu.memory_space<semaphore_mem>>) src(%dma_wait3A_48 : memref<10240x128xf32, #tpu.memory_space<hbm>>) dst(%arg10 : memref<40x128xf32, #tpu.memory_space<vmem>>)
      %scan3A_49 = arith.constant 0 : i32
      %scan3A_50 = arith.constant 0 : i32
      %scan3A_51 = arith.constant 40 : i32
      %scan3A_52 = arith.addi %scan3A_50, %scan3A_51 : i32
      %scan3A_53 = arith.constant 1 : i32
      %scan3A_54 = scf.for %scan3A_57 = %scan3A_50 to %scan3A_52 step %scan3A_53 iter_args(%scan3A_58 = %scan3A_49) -> (i32)  : i32 {
        %broadcast_in_dim3A_59 = arith.constant 0 : i32
        %broadcast_in_dim3A_60 = vector.broadcast %broadcast_in_dim3A_59 : i32 to vector<16xi32>
        %add3A_61 = vector.broadcast %scan3A_57 : i32 to vector<16xi32>
        %add3A_62 = arith.addi %broadcast_in_dim3A_60, %add3A_61 : vector<16xi32>
        %gather3A = tpu.vector_load_idx %arg9[%add3A_62] : memref<40xf32, #tpu.memory_space<vmem>>[vector<16xi32>], vector<16xf32>,
        %get3A = arith.index_cast %scan3A_57 : i32 to index
        %get3A_63 = arith.constant 0 : index
        %get3A_64 = tpu.vector_load %arg10[%get3A, %get3A_63] {strides = array<i32>} : memref<40x128xf32, #tpu.memory_space<vmem>>, vector<16xf32>,
        %mul3A_65 = arith.mulf %get3A_64, %gather3A : vector<16xf32>
        %swap3A = arith.index_cast %scan3A_57 : i32 to index
        %swap3A_66 = arith.constant 0 : index
        %swap3A_67 = tpu.vector_load %arg10[%swap3A, %swap3A_66] {strides = array<i32>} : memref<40x128xf32, #tpu.memory_space<vmem>>, vector<16xf32>,
        tpu.vector_store %arg10[%swap3A, %swap3A_66], %mul3A_65 {strides = array<i32>} : memref<40x128xf32, #tpu.memory_space<vmem>>, vector<16xf32>,
        %get3A_68 = arith.index_cast %scan3A_57 : i32 to index
        %get3A_69 = arith.constant 16 : index
        %get3A_70 = tpu.vector_load %arg10[%get3A_68, %get3A_69] {strides = array<i32>} : memref<40x128xf32, #tpu.memory_space<vmem>>, vector<16xf32>,
        %mul3A_71 = arith.mulf %get3A_70, %gather3A : vector<16xf32>
        %swap3A_72 = arith.index_cast %scan3A_57 : i32 to index
        %swap3A_73 = arith.constant 16 : index
        %swap3A_74 = tpu.vector_load %arg10[%swap3A_72, %swap3A_73] {strides = array<i32>} : memref<40x128xf32, #tpu.memory_space<vmem>>, vector<16xf32>,
        tpu.vector_store %arg10[%swap3A_72, %swap3A_73], %mul3A_71 {strides = array<i32>} : memref<40x128xf32, #tpu.memory_space<vmem>>, vector<16xf32>,
        %get3A_75 = arith.index_cast %scan3A_57 : i32 to index
        %get3A_76 = arith.constant 32 : index
        %get3A_77 = tpu.vector_load %arg10[%get3A_75, %get3A_76] {strides = array<i32>} : memref<40x128xf32, #tpu.memory_space<vmem>>, vector<16xf32>,
        %mul3A_78 = arith.mulf %get3A_77, %gather3A : vector<16xf32>
        %swap3A_79 = arith.index_cast %scan3A_57 : i32 to index
        %swap3A_80 = arith.constant 32 : index
        %swap3A_81 = tpu.vector_load %arg10[%swap3A_79, %swap3A_80] {strides = array<i32>} : memref<40x128xf32, #tpu.memory_space<vmem>>, vector<16xf32>,
        tpu.vector_store %arg10[%swap3A_79, %swap3A_80], %mul3A_78 {strides = array<i32>} : memref<40x128xf32, #tpu.memory_space<vmem>>, vector<16xf32>,
        %get3A_82 = arith.index_cast %scan3A_57 : i32 to index
        %get3A_83 = arith.constant 48 : index
        %get3A_84 = tpu.vector_load %arg10[%get3A_82, %get3A_83] {strides = array<i32>} : memref<40x128xf32, #tpu.memory_space<vmem>>, vector<16xf32>,
        %mul3A_85 = arith.mulf %get3A_84, %gather3A : vector<16xf32>
        %swap3A_86 = arith.index_cast %scan3A_57 : i32 to index
        %swap3A_87 = arith.constant 48 : index
        %swap3A_88 = tpu.vector_load %arg10[%swap3A_86, %swap3A_87] {strides = array<i32>} : memref<40x128xf32, #tpu.memory_space<vmem>>, vector<16xf32>,
        tpu.vector_store %arg10[%swap3A_86, %swap3A_87], %mul3A_85 {strides = array<i32>} : memref<40x128xf32, #tpu.memory_space<vmem>>, vector<16xf32>,
        %get3A_89 = arith.index_cast %scan3A_57 : i32 to index
        %get3A_90 = arith.constant 64 : index
        %get3A_91 = tpu.vector_load %arg10[%get3A_89, %get3A_90] {strides = array<i32>} : memref<40x128xf32, #tpu.memory_space<vmem>>, vector<16xf32>,
        %mul3A_92 = arith.mulf %get3A_91, %gather3A : vector<16xf32>
        %swap3A_93 = arith.index_cast %scan3A_57 : i32 to index
        %swap3A_94 = arith.constant 64 : index
        %swap3A_95 = tpu.vector_load %arg10[%swap3A_93, %swap3A_94] {strides = array<i32>} : memref<40x128xf32, #tpu.memory_space<vmem>>, vector<16xf32>,
        tpu.vector_store %arg10[%swap3A_93, %swap3A_94], %mul3A_92 {strides = array<i32>} : memref<40x128xf32, #tpu.memory_space<vmem>>, vector<16xf32>,
        %get3A_96 = arith.index_cast %scan3A_57 : i32 to index
        %get3A_97 = arith.constant 80 : index
        %get3A_98 = tpu.vector_load %arg10[%get3A_96, %get3A_97] {strides = array<i32>} : memref<40x128xf32, #tpu.memory_space<vmem>>, vector<16xf32>,
        %mul3A_99 = arith.mulf %get3A_98, %gather3A : vector<16xf32>
        %swap3A_100 = arith.index_cast %scan3A_57 : i32 to index
        %swap3A_101 = arith.constant 80 : index
        %swap3A_102 = tpu.vector_load %arg10[%swap3A_100, %swap3A_101] {strides = array<i32>} : memref<40x128xf32, #tpu.memory_space<vmem>>, vector<16xf32>,
        tpu.vector_store %arg10[%swap3A_100, %swap3A_101], %mul3A_99 {strides = array<i32>} : memref<40x128xf32, #tpu.memory_space<vmem>>, vector<16xf32>,
        %get3A_103 = arith.index_cast %scan3A_57 : i32 to index
        %get3A_104 = arith.constant 96 : index
        %get3A_105 = tpu.vector_load %arg10[%get3A_103, %get3A_104] {strides = array<i32>} : memref<40x128xf32, #tpu.memory_space<vmem>>, vector<16xf32>,
        %mul3A_106 = arith.mulf %get3A_105, %gather3A : vector<16xf32>
        %swap3A_107 = arith.index_cast %scan3A_57 : i32 to index
        %swap3A_108 = arith.constant 96 : index
        %swap3A_109 = tpu.vector_load %arg10[%swap3A_107, %swap3A_108] {strides = array<i32>} : memref<40x128xf32, #tpu.memory_space<vmem>>, vector<16xf32>,
        tpu.vector_store %arg10[%swap3A_107, %swap3A_108], %mul3A_106 {strides = array<i32>} : memref<40x128xf32, #tpu.memory_space<vmem>>, vector<16xf32>,
        %get3A_110 = arith.index_cast %scan3A_57 : i32 to index
        %get3A_111 = arith.constant 112 : index
        %get3A_112 = tpu.vector_load %arg10[%get3A_110, %get3A_111] {strides = array<i32>} : memref<40x128xf32, #tpu.memory_space<vmem>>, vector<16xf32>,
        %mul3A_113 = arith.mulf %get3A_112, %gather3A : vector<16xf32>
        %swap3A_114 = arith.index_cast %scan3A_57 : i32 to index
        %swap3A_115 = arith.constant 112 : index
        %swap3A_116 = tpu.vector_load %arg10[%swap3A_114, %swap3A_115] {strides = array<i32>} : memref<40x128xf32, #tpu.memory_space<vmem>>, vector<16xf32>,
        tpu.vector_store %arg10[%swap3A_114, %swap3A_115], %mul3A_113 {strides = array<i32>} : memref<40x128xf32, #tpu.memory_space<vmem>>, vector<16xf32>,
        %scan3A_117 = arith.constant 0 : i32
        scf.yield %scan3A_117 : i32
      }
      %scan3A_55 = arith.constant 40 : i32
      "tpu.region"() ({
        %run_scoped3A = tpu.sem_alloc : memref<!tpu.dma_semaphore, #tpu.memory_space<semaphore_mem>>
        %dma_start3A_57 = arith.constant 0 : i32
        %dma_start3A_58 = arith.constant 0 : i32
        %dma_start3A_59 = tpu.memref_slice %arg12[%dma_start3A_57, %dma_start3A_58] : memref<10240x128xf32, #tpu.memory_space<vmem_shared>> -> memref<10240x128xf32, #tpu.memory_space<vmem_shared>>
        tpu.enqueue_indirect_dma source(%arg10 : memref<40x128xf32, #tpu.memory_space<vmem>>) target(%dma_start3A_59 : memref<10240x128xf32, #tpu.memory_space<vmem_shared>>) offsets(%arg8 : memref<40xi32, #tpu.memory_space<vmem>>) semaphore(%run_scoped3A : memref<!tpu.dma_semaphore, #tpu.memory_space<semaphore_mem>>) {add = true}
        %dma_wait3A_60 = arith.constant 0 : i32
        %dma_wait3A_61 = arith.constant 0 : i32
        %dma_wait3A_62 = tpu.memref_slice %arg12[%dma_wait3A_60, %dma_wait3A_61] : memref<10240x128xf32, #tpu.memory_space<vmem_shared>> -> memref<10240x128xf32, #tpu.memory_space<vmem_shared>>
        tpu.wait_indirect_dma semaphore(%run_scoped3A : memref<!tpu.dma_semaphore, #tpu.memory_space<semaphore_mem>>) src(%arg10 : memref<40x128xf32, #tpu.memory_space<vmem>>) dst(%dma_wait3A_62 : memref<10240x128xf32, #tpu.memory_space<vmem_shared>>)
        tpu.yield
      }) : () -> ()
      %scan3A_56 = arith.constant 0 : i32
      scf.yield %scan3A_56 : i32
    }
    %scan3A_36 = arith.constant 125 : i32
    %barrier3A_37 = arith.constant 0 : index
    tpu.barrier barrier_id(%barrier3A_37)
    %mul3A_38 = arith.constant 640 : i32
    %mul3A_39 = arith.muli %arg1, %mul3A_38 : i32
    "tpu.region"() ({
      %run_scoped3A = tpu.sem_alloc : memref<!tpu.dma_semaphore, #tpu.memory_space<semaphore_mem>>
      %dma_start3A = arith.constant 0 : i32
      %dma_start3A_40 = arith.constant 0 : i32
      %dma_start3A_41 = tpu.memref_slice %arg6[%arg0, %dma_start3A, %dma_start3A_40] : memref<2x10240x128xf32, #tpu.memory_space<hbm>> -> memref<1x10240x128xf32, #tpu.memory_space<hbm>>
      %dma_start3A_42 = tpu.memref_squeeze %dma_start3A_41 : memref<1x10240x128xf32, #tpu.memory_space<hbm>> -> memref<10240x128xf32, #tpu.memory_space<hbm>>
      %dma_start3A_43 = arith.constant 0 : i32
      %dma_start3A_44 = tpu.memref_slice %dma_start3A_42[%mul3A_39, %dma_start3A_43] : memref<10240x128xf32, #tpu.memory_space<hbm>> -> memref<640x128xf32, #tpu.memory_space<hbm>>
      %dma_start3A_45 = arith.constant 0 : i32
      %dma_start3A_46 = tpu.memref_slice %arg12[%mul3A_39, %dma_start3A_45] : memref<10240x128xf32, #tpu.memory_space<vmem_shared>> -> memref<640x128xf32, #tpu.memory_space<vmem_shared>>
      tpu.enqueue_dma source(%dma_start3A_46 : memref<640x128xf32, #tpu.memory_space<vmem_shared>>) target(%dma_start3A_44 : memref<640x128xf32, #tpu.memory_space<hbm>>) target_semaphore(%run_scoped3A : memref<!tpu.dma_semaphore, #tpu.memory_space<semaphore_mem>>)
      %dma_wait3A = arith.constant 0 : i32
      %dma_wait3A_47 = arith.constant 0 : i32
      %dma_wait3A_48 = tpu.memref_slice %arg6[%arg0, %dma_wait3A, %dma_wait3A_47] : memref<2x10240x128xf32, #tpu.memory_space<hbm>> -> memref<1x10240x128xf32, #tpu.memory_space<hbm>>
      %dma_wait3A_49 = tpu.memref_squeeze %dma_wait3A_48 : memref<1x10240x128xf32, #tpu.memory_space<hbm>> -> memref<10240x128xf32, #tpu.memory_space<hbm>>
      %dma_wait3A_50 = arith.constant 0 : i32
      %dma_wait3A_51 = tpu.memref_slice %dma_wait3A_49[%mul3A_39, %dma_wait3A_50] : memref<10240x128xf32, #tpu.memory_space<hbm>> -> memref<640x128xf32, #tpu.memory_space<hbm>>
      %dma_wait3A_52 = arith.constant 0 : i32
      %dma_wait3A_53 = tpu.memref_slice %arg12[%mul3A_39, %dma_wait3A_52] : memref<10240x128xf32, #tpu.memory_space<vmem_shared>> -> memref<640x128xf32, #tpu.memory_space<vmem_shared>>
      tpu.wait_dma2 semaphore(%run_scoped3A : memref<!tpu.dma_semaphore, #tpu.memory_space<semaphore_mem>>) src(%dma_wait3A_53 : memref<640x128xf32, #tpu.memory_space<vmem_shared>>) dst(%dma_wait3A_51 : memref<640x128xf32, #tpu.memory_space<hbm>>)
      tpu.yield
    }) : () -> ()
    return
  }
}

#map = affine_map<(d0, d1) -> (0, 0, 0)>
#map1 = affine_map<(d0, d1) -> (0, 0)>
#map2 = affine_map<(d0, d1) -> (0)>
module attributes {stable_mosaic.version = 14 : i64} {
  func.func @_mask_body(%arg0: i32, %arg1: i32, %arg2: memref<2x10240x128xf32, #tpu.memory_space<hbm>>, %arg3: memref<10240x128xf32, #tpu.memory_space<hbm>>, %arg4: memref<10240xf32, #tpu.memory_space<hbm>>, %arg5: memref<10000xi32, #tpu.memory_space<hbm>>, %arg6: memref<1024xi32, #tpu.memory_space<hbm>>, %arg7: memref<2x1024x128xf32, #tpu.memory_space<hbm>>, %arg8: memref<1024x128xf32, #tpu.memory_space<hbm>>, %arg9: memref<1024xf32, #tpu.memory_space<hbm>>, %arg10: memref<1024xi32, #tpu.memory_space<hbm>>, %arg11: memref<32xi32, #tpu.memory_space<vmem>>, %arg12: memref<32x128xf32, #tpu.memory_space<vmem>>, %arg13: memref<32xf32, #tpu.memory_space<vmem>>, %arg14: memref<32xi32, #tpu.memory_space<vmem>>, %arg15: memref<!tpu.dma_semaphore, #tpu.memory_space<semaphore_mem>>) attributes {dimension_semantics = [#tpu.dimension_semantics<core_parallel>, #tpu.dimension_semantics<subcore_parallel>], iteration_bounds = array<i64: 2, 16>, scalar_prefetch = 0 : i64, scratch_operands = 5 : i64, tpu.core_type = #tpu.core_type<sc_vector_subcore>, window_params = [{transform_indices = #map}, {transform_indices = #map1}, {transform_indices = #map2}, {transform_indices = #map2}, {transform_indices = #map2}, {transform_indices = #map}, {transform_indices = #map1}, {transform_indices = #map2}, {transform_indices = #map2}]} {
    %mul3A = arith.constant 2 : i32
    %mul3A_0 = arith.muli %arg1, %mul3A : i32
    %add3A = arith.addi %mul3A_0, %arg0 : i32
    %mul3A_1 = arith.constant 32 : i32
    %mul3A_2 = arith.muli %add3A, %mul3A_1 : i32
    "tpu.region"() ({
      %run_scoped3A_48 = tpu.sem_alloc : memref<!tpu.dma_semaphore, #tpu.memory_space<semaphore_mem>>
      %dma_start3A_49 = tpu.memref_slice %arg6[%mul3A_2] : memref<1024xi32, #tpu.memory_space<hbm>> -> memref<32xi32, #tpu.memory_space<hbm>>
      %dma_start3A_50 = tpu.memref_slice %arg6[%mul3A_2] : memref<1024xi32, #tpu.memory_space<hbm>> -> memref<32xi32, #tpu.memory_space<hbm>>
      tpu.enqueue_dma source(%dma_start3A_50 : memref<32xi32, #tpu.memory_space<hbm>>) target(%arg11 : memref<32xi32, #tpu.memory_space<vmem>>) target_semaphore(%run_scoped3A_48 : memref<!tpu.dma_semaphore, #tpu.memory_space<semaphore_mem>>)
      %dma_wait3A_51 = tpu.memref_slice %arg6[%mul3A_2] : memref<1024xi32, #tpu.memory_space<hbm>> -> memref<32xi32, #tpu.memory_space<hbm>>
      %dma_wait3A_52 = tpu.memref_slice %arg6[%mul3A_2] : memref<1024xi32, #tpu.memory_space<hbm>> -> memref<32xi32, #tpu.memory_space<hbm>>
      tpu.wait_dma2 semaphore(%run_scoped3A_48 : memref<!tpu.dma_semaphore, #tpu.memory_space<semaphore_mem>>) src(%dma_wait3A_52 : memref<32xi32, #tpu.memory_space<hbm>>) dst(%arg11 : memref<32xi32, #tpu.memory_space<vmem>>)
      tpu.yield
    }) : () -> ()
    %dma_start3A = arith.constant 0 : i32
    %dma_start3A_3 = arith.constant 0 : i32
    %dma_start3A_4 = arith.constant 0 : i32
    %dma_start3A_5 = tpu.memref_slice %arg2[%dma_start3A, %dma_start3A_3, %dma_start3A_4] : memref<2x10240x128xf32, #tpu.memory_space<hbm>> -> memref<1x10240x128xf32, #tpu.memory_space<hbm>>
    %dma_start3A_6 = tpu.memref_squeeze %dma_start3A_5 : memref<1x10240x128xf32, #tpu.memory_space<hbm>> -> memref<10240x128xf32, #tpu.memory_space<hbm>>
    %dma_start3A_7 = arith.constant 0 : i32
    %dma_start3A_8 = arith.constant 0 : i32
    %dma_start3A_9 = tpu.memref_slice %dma_start3A_6[%dma_start3A_7, %dma_start3A_8] : memref<10240x128xf32, #tpu.memory_space<hbm>> -> memref<10240x128xf32, #tpu.memory_space<hbm>>
    tpu.enqueue_indirect_dma source(%dma_start3A_9 : memref<10240x128xf32, #tpu.memory_space<hbm>>) target(%arg12 : memref<32x128xf32, #tpu.memory_space<vmem>>) offsets(%arg11 : memref<32xi32, #tpu.memory_space<vmem>>) semaphore(%arg15 : memref<!tpu.dma_semaphore, #tpu.memory_space<semaphore_mem>>)
    %dma_wait3A = arith.constant 0 : i32
    %dma_wait3A_10 = arith.constant 0 : i32
    %dma_wait3A_11 = arith.constant 0 : i32
    %dma_wait3A_12 = tpu.memref_slice %arg2[%dma_wait3A, %dma_wait3A_10, %dma_wait3A_11] : memref<2x10240x128xf32, #tpu.memory_space<hbm>> -> memref<1x10240x128xf32, #tpu.memory_space<hbm>>
    %dma_wait3A_13 = tpu.memref_squeeze %dma_wait3A_12 : memref<1x10240x128xf32, #tpu.memory_space<hbm>> -> memref<10240x128xf32, #tpu.memory_space<hbm>>
    %dma_wait3A_14 = arith.constant 0 : i32
    %dma_wait3A_15 = arith.constant 0 : i32
    %dma_wait3A_16 = tpu.memref_slice %dma_wait3A_13[%dma_wait3A_14, %dma_wait3A_15] : memref<10240x128xf32, #tpu.memory_space<hbm>> -> memref<10240x128xf32, #tpu.memory_space<hbm>>
    tpu.wait_indirect_dma semaphore(%arg15 : memref<!tpu.dma_semaphore, #tpu.memory_space<semaphore_mem>>) src(%dma_wait3A_16 : memref<10240x128xf32, #tpu.memory_space<hbm>>) dst(%arg12 : memref<32x128xf32, #tpu.memory_space<vmem>>)
    %run_scoped3A = arith.constant 0 : i32
    "tpu.region"() ({
      %run_scoped3A_48 = tpu.sem_alloc : memref<!tpu.dma_semaphore, #tpu.memory_space<semaphore_mem>>
      %dma_start3A_49 = arith.constant 0 : i32
      %dma_start3A_50 = arith.constant 0 : i32
      %dma_start3A_51 = tpu.memref_slice %arg7[%run_scoped3A, %dma_start3A_49, %dma_start3A_50] : memref<2x1024x128xf32, #tpu.memory_space<hbm>> -> memref<1x1024x128xf32, #tpu.memory_space<hbm>>
      %dma_start3A_52 = tpu.memref_squeeze %dma_start3A_51 : memref<1x1024x128xf32, #tpu.memory_space<hbm>> -> memref<1024x128xf32, #tpu.memory_space<hbm>>
      %dma_start3A_53 = arith.constant 0 : i32
      %dma_start3A_54 = tpu.memref_slice %dma_start3A_52[%mul3A_2, %dma_start3A_53] : memref<1024x128xf32, #tpu.memory_space<hbm>> -> memref<32x128xf32, #tpu.memory_space<hbm>>
      %dma_start3A_55 = arith.constant 0 : i32
      %dma_start3A_56 = arith.constant 0 : i32
      %dma_start3A_57 = tpu.memref_slice %arg7[%run_scoped3A, %dma_start3A_55, %dma_start3A_56] : memref<2x1024x128xf32, #tpu.memory_space<hbm>> -> memref<1x1024x128xf32, #tpu.memory_space<hbm>>
      %dma_start3A_58 = tpu.memref_squeeze %dma_start3A_57 : memref<1x1024x128xf32, #tpu.memory_space<hbm>> -> memref<1024x128xf32, #tpu.memory_space<hbm>>
      %dma_start3A_59 = arith.constant 0 : i32
      %dma_start3A_60 = tpu.memref_slice %dma_start3A_58[%mul3A_2, %dma_start3A_59] : memref<1024x128xf32, #tpu.memory_space<hbm>> -> memref<32x128xf32, #tpu.memory_space<hbm>>
      tpu.enqueue_dma source(%arg12 : memref<32x128xf32, #tpu.memory_space<vmem>>) target(%dma_start3A_60 : memref<32x128xf32, #tpu.memory_space<hbm>>) target_semaphore(%run_scoped3A_48 : memref<!tpu.dma_semaphore, #tpu.memory_space<semaphore_mem>>)
      %dma_wait3A_61 = arith.constant 0 : i32
      %dma_wait3A_62 = arith.constant 0 : i32
      %dma_wait3A_63 = tpu.memref_slice %arg7[%run_scoped3A, %dma_wait3A_61, %dma_wait3A_62] : memref<2x1024x128xf32, #tpu.memory_space<hbm>> -> memref<1x1024x128xf32, #tpu.memory_space<hbm>>
      %dma_wait3A_64 = tpu.memref_squeeze %dma_wait3A_63 : memref<1x1024x128xf32, #tpu.memory_space<hbm>> -> memref<1024x128xf32, #tpu.memory_space<hbm>>
      %dma_wait3A_65 = arith.constant 0 : i32
      %dma_wait3A_66 = tpu.memref_slice %dma_wait3A_64[%mul3A_2, %dma_wait3A_65] : memref<1024x128xf32, #tpu.memory_space<hbm>> -> memref<32x128xf32, #tpu.memory_space<hbm>>
      %dma_wait3A_67 = arith.constant 0 : i32
      %dma_wait3A_68 = arith.constant 0 : i32
      %dma_wait3A_69 = tpu.memref_slice %arg7[%run_scoped3A, %dma_wait3A_67, %dma_wait3A_68] : memref<2x1024x128xf32, #tpu.memory_space<hbm>> -> memref<1x1024x128xf32, #tpu.memory_space<hbm>>
      %dma_wait3A_70 = tpu.memref_squeeze %dma_wait3A_69 : memref<1x1024x128xf32, #tpu.memory_space<hbm>> -> memref<1024x128xf32, #tpu.memory_space<hbm>>
      %dma_wait3A_71 = arith.constant 0 : i32
      %dma_wait3A_72 = tpu.memref_slice %dma_wait3A_70[%mul3A_2, %dma_wait3A_71] : memref<1024x128xf32, #tpu.memory_space<hbm>> -> memref<32x128xf32, #tpu.memory_space<hbm>>
      tpu.wait_dma2 semaphore(%run_scoped3A_48 : memref<!tpu.dma_semaphore, #tpu.memory_space<semaphore_mem>>) src(%arg12 : memref<32x128xf32, #tpu.memory_space<vmem>>) dst(%dma_wait3A_72 : memref<32x128xf32, #tpu.memory_space<hbm>>)
      tpu.yield
    }) : () -> ()
    %dma_start3A_17 = arith.constant 1 : i32
    %dma_start3A_18 = arith.constant 0 : i32
    %dma_start3A_19 = arith.constant 0 : i32
    %dma_start3A_20 = tpu.memref_slice %arg2[%dma_start3A_17, %dma_start3A_18, %dma_start3A_19] : memref<2x10240x128xf32, #tpu.memory_space<hbm>> -> memref<1x10240x128xf32, #tpu.memory_space<hbm>>
    %dma_start3A_21 = tpu.memref_squeeze %dma_start3A_20 : memref<1x10240x128xf32, #tpu.memory_space<hbm>> -> memref<10240x128xf32, #tpu.memory_space<hbm>>
    %dma_start3A_22 = arith.constant 0 : i32
    %dma_start3A_23 = arith.constant 0 : i32
    %dma_start3A_24 = tpu.memref_slice %dma_start3A_21[%dma_start3A_22, %dma_start3A_23] : memref<10240x128xf32, #tpu.memory_space<hbm>> -> memref<10240x128xf32, #tpu.memory_space<hbm>>
    tpu.enqueue_indirect_dma source(%dma_start3A_24 : memref<10240x128xf32, #tpu.memory_space<hbm>>) target(%arg12 : memref<32x128xf32, #tpu.memory_space<vmem>>) offsets(%arg11 : memref<32xi32, #tpu.memory_space<vmem>>) semaphore(%arg15 : memref<!tpu.dma_semaphore, #tpu.memory_space<semaphore_mem>>)
    %dma_wait3A_25 = arith.constant 1 : i32
    %dma_wait3A_26 = arith.constant 0 : i32
    %dma_wait3A_27 = arith.constant 0 : i32
    %dma_wait3A_28 = tpu.memref_slice %arg2[%dma_wait3A_25, %dma_wait3A_26, %dma_wait3A_27] : memref<2x10240x128xf32, #tpu.memory_space<hbm>> -> memref<1x10240x128xf32, #tpu.memory_space<hbm>>
    %dma_wait3A_29 = tpu.memref_squeeze %dma_wait3A_28 : memref<1x10240x128xf32, #tpu.memory_space<hbm>> -> memref<10240x128xf32, #tpu.memory_space<hbm>>
    %dma_wait3A_30 = arith.constant 0 : i32
    %dma_wait3A_31 = arith.constant 0 : i32
    %dma_wait3A_32 = tpu.memref_slice %dma_wait3A_29[%dma_wait3A_30, %dma_wait3A_31] : memref<10240x128xf32, #tpu.memory_space<hbm>> -> memref<10240x128xf32, #tpu.memory_space<hbm>>
    tpu.wait_indirect_dma semaphore(%arg15 : memref<!tpu.dma_semaphore, #tpu.memory_space<semaphore_mem>>) src(%dma_wait3A_32 : memref<10240x128xf32, #tpu.memory_space<hbm>>) dst(%arg12 : memref<32x128xf32, #tpu.memory_space<vmem>>)
    %run_scoped3A_33 = arith.constant 1 : i32
    "tpu.region"() ({
      %run_scoped3A_48 = tpu.sem_alloc : memref<!tpu.dma_semaphore, #tpu.memory_space<semaphore_mem>>
      %dma_start3A_49 = arith.constant 0 : i32
      %dma_start3A_50 = arith.constant 0 : i32
      %dma_start3A_51 = tpu.memref_slice %arg7[%run_scoped3A_33, %dma_start3A_49, %dma_start3A_50] : memref<2x1024x128xf32, #tpu.memory_space<hbm>> -> memref<1x1024x128xf32, #tpu.memory_space<hbm>>
      %dma_start3A_52 = tpu.memref_squeeze %dma_start3A_51 : memref<1x1024x128xf32, #tpu.memory_space<hbm>> -> memref<1024x128xf32, #tpu.memory_space<hbm>>
      %dma_start3A_53 = arith.constant 0 : i32
      %dma_start3A_54 = tpu.memref_slice %dma_start3A_52[%mul3A_2, %dma_start3A_53] : memref<1024x128xf32, #tpu.memory_space<hbm>> -> memref<32x128xf32, #tpu.memory_space<hbm>>
      %dma_start3A_55 = arith.constant 0 : i32
      %dma_start3A_56 = arith.constant 0 : i32
      %dma_start3A_57 = tpu.memref_slice %arg7[%run_scoped3A_33, %dma_start3A_55, %dma_start3A_56] : memref<2x1024x128xf32, #tpu.memory_space<hbm>> -> memref<1x1024x128xf32, #tpu.memory_space<hbm>>
      %dma_start3A_58 = tpu.memref_squeeze %dma_start3A_57 : memref<1x1024x128xf32, #tpu.memory_space<hbm>> -> memref<1024x128xf32, #tpu.memory_space<hbm>>
      %dma_start3A_59 = arith.constant 0 : i32
      %dma_start3A_60 = tpu.memref_slice %dma_start3A_58[%mul3A_2, %dma_start3A_59] : memref<1024x128xf32, #tpu.memory_space<hbm>> -> memref<32x128xf32, #tpu.memory_space<hbm>>
      tpu.enqueue_dma source(%arg12 : memref<32x128xf32, #tpu.memory_space<vmem>>) target(%dma_start3A_60 : memref<32x128xf32, #tpu.memory_space<hbm>>) target_semaphore(%run_scoped3A_48 : memref<!tpu.dma_semaphore, #tpu.memory_space<semaphore_mem>>)
      %dma_wait3A_61 = arith.constant 0 : i32
      %dma_wait3A_62 = arith.constant 0 : i32
      %dma_wait3A_63 = tpu.memref_slice %arg7[%run_scoped3A_33, %dma_wait3A_61, %dma_wait3A_62] : memref<2x1024x128xf32, #tpu.memory_space<hbm>> -> memref<1x1024x128xf32, #tpu.memory_space<hbm>>
      %dma_wait3A_64 = tpu.memref_squeeze %dma_wait3A_63 : memref<1x1024x128xf32, #tpu.memory_space<hbm>> -> memref<1024x128xf32, #tpu.memory_space<hbm>>
      %dma_wait3A_65 = arith.constant 0 : i32
      %dma_wait3A_66 = tpu.memref_slice %dma_wait3A_64[%mul3A_2, %dma_wait3A_65] : memref<1024x128xf32, #tpu.memory_space<hbm>> -> memref<32x128xf32, #tpu.memory_space<hbm>>
      %dma_wait3A_67 = arith.constant 0 : i32
      %dma_wait3A_68 = arith.constant 0 : i32
      %dma_wait3A_69 = tpu.memref_slice %arg7[%run_scoped3A_33, %dma_wait3A_67, %dma_wait3A_68] : memref<2x1024x128xf32, #tpu.memory_space<hbm>> -> memref<1x1024x128xf32, #tpu.memory_space<hbm>>
      %dma_wait3A_70 = tpu.memref_squeeze %dma_wait3A_69 : memref<1x1024x128xf32, #tpu.memory_space<hbm>> -> memref<1024x128xf32, #tpu.memory_space<hbm>>
      %dma_wait3A_71 = arith.constant 0 : i32
      %dma_wait3A_72 = tpu.memref_slice %dma_wait3A_70[%mul3A_2, %dma_wait3A_71] : memref<1024x128xf32, #tpu.memory_space<hbm>> -> memref<32x128xf32, #tpu.memory_space<hbm>>
      tpu.wait_dma2 semaphore(%run_scoped3A_48 : memref<!tpu.dma_semaphore, #tpu.memory_space<semaphore_mem>>) src(%arg12 : memref<32x128xf32, #tpu.memory_space<vmem>>) dst(%dma_wait3A_72 : memref<32x128xf32, #tpu.memory_space<hbm>>)
      tpu.yield
    }) : () -> ()
    %dma_start3A_34 = arith.constant 0 : i32
    %dma_start3A_35 = arith.constant 0 : i32
    %dma_start3A_36 = tpu.memref_slice %arg3[%dma_start3A_34, %dma_start3A_35] : memref<10240x128xf32, #tpu.memory_space<hbm>> -> memref<10240x128xf32, #tpu.memory_space<hbm>>
    tpu.enqueue_indirect_dma source(%dma_start3A_36 : memref<10240x128xf32, #tpu.memory_space<hbm>>) target(%arg12 : memref<32x128xf32, #tpu.memory_space<vmem>>) offsets(%arg11 : memref<32xi32, #tpu.memory_space<vmem>>) semaphore(%arg15 : memref<!tpu.dma_semaphore, #tpu.memory_space<semaphore_mem>>)
    %dma_wait3A_37 = arith.constant 0 : i32
    %dma_wait3A_38 = arith.constant 0 : i32
    %dma_wait3A_39 = tpu.memref_slice %arg3[%dma_wait3A_37, %dma_wait3A_38] : memref<10240x128xf32, #tpu.memory_space<hbm>> -> memref<10240x128xf32, #tpu.memory_space<hbm>>
    tpu.wait_indirect_dma semaphore(%arg15 : memref<!tpu.dma_semaphore, #tpu.memory_space<semaphore_mem>>) src(%dma_wait3A_39 : memref<10240x128xf32, #tpu.memory_space<hbm>>) dst(%arg12 : memref<32x128xf32, #tpu.memory_space<vmem>>)
    "tpu.region"() ({
      %run_scoped3A_48 = tpu.sem_alloc : memref<!tpu.dma_semaphore, #tpu.memory_space<semaphore_mem>>
      %dma_start3A_49 = arith.constant 0 : i32
      %dma_start3A_50 = tpu.memref_slice %arg8[%mul3A_2, %dma_start3A_49] : memref<1024x128xf32, #tpu.memory_space<hbm>> -> memref<32x128xf32, #tpu.memory_space<hbm>>
      %dma_start3A_51 = arith.constant 0 : i32
      %dma_start3A_52 = tpu.memref_slice %arg8[%mul3A_2, %dma_start3A_51] : memref<1024x128xf32, #tpu.memory_space<hbm>> -> memref<32x128xf32, #tpu.memory_space<hbm>>
      tpu.enqueue_dma source(%arg12 : memref<32x128xf32, #tpu.memory_space<vmem>>) target(%dma_start3A_52 : memref<32x128xf32, #tpu.memory_space<hbm>>) target_semaphore(%run_scoped3A_48 : memref<!tpu.dma_semaphore, #tpu.memory_space<semaphore_mem>>)
      %dma_wait3A_53 = arith.constant 0 : i32
      %dma_wait3A_54 = tpu.memref_slice %arg8[%mul3A_2, %dma_wait3A_53] : memref<1024x128xf32, #tpu.memory_space<hbm>> -> memref<32x128xf32, #tpu.memory_space<hbm>>
      %dma_wait3A_55 = arith.constant 0 : i32
      %dma_wait3A_56 = tpu.memref_slice %arg8[%mul3A_2, %dma_wait3A_55] : memref<1024x128xf32, #tpu.memory_space<hbm>> -> memref<32x128xf32, #tpu.memory_space<hbm>>
      tpu.wait_dma2 semaphore(%run_scoped3A_48 : memref<!tpu.dma_semaphore, #tpu.memory_space<semaphore_mem>>) src(%arg12 : memref<32x128xf32, #tpu.memory_space<vmem>>) dst(%dma_wait3A_56 : memref<32x128xf32, #tpu.memory_space<hbm>>)
      tpu.yield
    }) : () -> ()
    %dma_start3A_40 = arith.constant 0 : i32
    %dma_start3A_41 = tpu.memref_slice %arg4[%dma_start3A_40] : memref<10240xf32, #tpu.memory_space<hbm>> -> memref<10240xf32, #tpu.memory_space<hbm>>
    tpu.enqueue_indirect_dma source(%dma_start3A_41 : memref<10240xf32, #tpu.memory_space<hbm>>) target(%arg13 : memref<32xf32, #tpu.memory_space<vmem>>) offsets(%arg11 : memref<32xi32, #tpu.memory_space<vmem>>) semaphore(%arg15 : memref<!tpu.dma_semaphore, #tpu.memory_space<semaphore_mem>>)
    %dma_wait3A_42 = arith.constant 0 : i32
    %dma_wait3A_43 = tpu.memref_slice %arg4[%dma_wait3A_42] : memref<10240xf32, #tpu.memory_space<hbm>> -> memref<10240xf32, #tpu.memory_space<hbm>>
    tpu.wait_indirect_dma semaphore(%arg15 : memref<!tpu.dma_semaphore, #tpu.memory_space<semaphore_mem>>) src(%dma_wait3A_43 : memref<10240xf32, #tpu.memory_space<hbm>>) dst(%arg13 : memref<32xf32, #tpu.memory_space<vmem>>)
    "tpu.region"() ({
      %run_scoped3A_48 = tpu.sem_alloc : memref<!tpu.dma_semaphore, #tpu.memory_space<semaphore_mem>>
      %dma_start3A_49 = tpu.memref_slice %arg9[%mul3A_2] : memref<1024xf32, #tpu.memory_space<hbm>> -> memref<32xf32, #tpu.memory_space<hbm>>
      %dma_start3A_50 = tpu.memref_slice %arg9[%mul3A_2] : memref<1024xf32, #tpu.memory_space<hbm>> -> memref<32xf32, #tpu.memory_space<hbm>>
      tpu.enqueue_dma source(%arg13 : memref<32xf32, #tpu.memory_space<vmem>>) target(%dma_start3A_50 : memref<32xf32, #tpu.memory_space<hbm>>) target_semaphore(%run_scoped3A_48 : memref<!tpu.dma_semaphore, #tpu.memory_space<semaphore_mem>>)
      %dma_wait3A_51 = tpu.memref_slice %arg9[%mul3A_2] : memref<1024xf32, #tpu.memory_space<hbm>> -> memref<32xf32, #tpu.memory_space<hbm>>
      %dma_wait3A_52 = tpu.memref_slice %arg9[%mul3A_2] : memref<1024xf32, #tpu.memory_space<hbm>> -> memref<32xf32, #tpu.memory_space<hbm>>
      tpu.wait_dma2 semaphore(%run_scoped3A_48 : memref<!tpu.dma_semaphore, #tpu.memory_space<semaphore_mem>>) src(%arg13 : memref<32xf32, #tpu.memory_space<vmem>>) dst(%dma_wait3A_52 : memref<32xf32, #tpu.memory_space<hbm>>)
      tpu.yield
    }) : () -> ()
    %dma_start3A_44 = arith.constant 0 : i32
    %dma_start3A_45 = tpu.memref_slice %arg5[%dma_start3A_44] : memref<10000xi32, #tpu.memory_space<hbm>> -> memref<10000xi32, #tpu.memory_space<hbm>>
    tpu.enqueue_indirect_dma source(%dma_start3A_45 : memref<10000xi32, #tpu.memory_space<hbm>>) target(%arg14 : memref<32xi32, #tpu.memory_space<vmem>>) offsets(%arg11 : memref<32xi32, #tpu.memory_space<vmem>>) semaphore(%arg15 : memref<!tpu.dma_semaphore, #tpu.memory_space<semaphore_mem>>)
    %dma_wait3A_46 = arith.constant 0 : i32
    %dma_wait3A_47 = tpu.memref_slice %arg5[%dma_wait3A_46] : memref<10000xi32, #tpu.memory_space<hbm>> -> memref<10000xi32, #tpu.memory_space<hbm>>
    tpu.wait_indirect_dma semaphore(%arg15 : memref<!tpu.dma_semaphore, #tpu.memory_space<semaphore_mem>>) src(%dma_wait3A_47 : memref<10000xi32, #tpu.memory_space<hbm>>) dst(%arg14 : memref<32xi32, #tpu.memory_space<vmem>>)
    "tpu.region"() ({
      %run_scoped3A_48 = tpu.sem_alloc : memref<!tpu.dma_semaphore, #tpu.memory_space<semaphore_mem>>
      %dma_start3A_49 = tpu.memref_slice %arg10[%mul3A_2] : memref<1024xi32, #tpu.memory_space<hbm>> -> memref<32xi32, #tpu.memory_space<hbm>>
      %dma_start3A_50 = tpu.memref_slice %arg10[%mul3A_2] : memref<1024xi32, #tpu.memory_space<hbm>> -> memref<32xi32, #tpu.memory_space<hbm>>
      tpu.enqueue_dma source(%arg14 : memref<32xi32, #tpu.memory_space<vmem>>) target(%dma_start3A_50 : memref<32xi32, #tpu.memory_space<hbm>>) target_semaphore(%run_scoped3A_48 : memref<!tpu.dma_semaphore, #tpu.memory_space<semaphore_mem>>)
      %dma_wait3A_51 = tpu.memref_slice %arg10[%mul3A_2] : memref<1024xi32, #tpu.memory_space<hbm>> -> memref<32xi32, #tpu.memory_space<hbm>>
      %dma_wait3A_52 = tpu.memref_slice %arg10[%mul3A_2] : memref<1024xi32, #tpu.memory_space<hbm>> -> memref<32xi32, #tpu.memory_space<hbm>>
      tpu.wait_dma2 semaphore(%run_scoped3A_48 : memref<!tpu.dma_semaphore, #tpu.memory_space<semaphore_mem>>) src(%arg14 : memref<32xi32, #tpu.memory_space<vmem>>) dst(%dma_wait3A_52 : memref<32xi32, #tpu.memory_space<hbm>>)
      tpu.yield
    }) : () -> ()
    return
  }
}

module attributes {stable_mosaic.version = 14 : i64} {
  func.func @_lin_block(%arg0: i32, %arg1: memref<1000x300xf32, #tpu.memory_space<vmem>>, %arg2: memref<300x768xf32, #tpu.memory_space<vmem>>, %arg3: memref<1x768xf32, #tpu.memory_space<vmem>>, %arg4: memref<1000x768xf32, #tpu.memory_space<vmem>>) attributes {dimension_semantics = [#tpu.dimension_semantics<arbitrary>], iteration_bounds = array<i64: 8>, scalar_prefetch = 0 : i64, scratch_operands = 0 : i64, tpu.core_type = #tpu.core_type<tc>, window_params = [{transform_indices = @transform_0, window_bounds = array<i64: 1000, 300>}, {pipeline_mode = #tpu.pipeline_mode<synchronous>, transform_indices = @transform_1, window_bounds = array<i64: 300, 768>}, {pipeline_mode = #tpu.pipeline_mode<synchronous>, transform_indices = @transform_2, window_bounds = array<i64: 1, 768>}, {transform_indices = @transform_3, window_bounds = array<i64: 1000, 768>}]} {
    %get3A = arith.constant 0 : index
    %get3A_0 = arith.constant 0 : index
    %get3A_1 = vector.load %arg1[%get3A, %get3A_0] : memref<1000x300xf32, #tpu.memory_space<vmem>>, vector<1000x300xf32>
    %get3A_2 = arith.constant 0 : index
    %get3A_3 = arith.constant 0 : index
    %get3A_4 = vector.load %arg2[%get3A_2, %get3A_3] : memref<300x768xf32, #tpu.memory_space<vmem>>, vector<300x768xf32>
    %dot_general3A = arith.constant dense<0.000000e+00> : vector<1000x768xf32>
    %dot_general3A_5 = tpu.matmul %get3A_1, %get3A_4, %dot_general3A {dimension_numbers = #tpu.dot_dimension_numbers<[1], [0], [0], [1], [0, 0, 1, 1], [], []>, transpose_lhs_hint = false} : vector<1000x300xf32>, vector<300x768xf32>, vector<1000x768xf32> -> vector<1000x768xf32>
    %get3A_6 = arith.constant 0 : index
    %get3A_7 = arith.constant 0 : index
    %get3A_8 = vector.load %arg3[%get3A_6, %get3A_7] : memref<1x768xf32, #tpu.memory_space<vmem>>, vector<1x768xf32>
    %add3A = vector.broadcast %get3A_8 : vector<1x768xf32> to vector<1000x768xf32>
    %add3A_9 = arith.addf %dot_general3A_5, %add3A : vector<1000x768xf32>
    %swap3A = arith.constant 0 : index
    %swap3A_10 = arith.constant 0 : index
    %swap3A_11 = vector.load %arg4[%swap3A, %swap3A_10] : memref<1000x768xf32, #tpu.memory_space<vmem>>, vector<1000x768xf32>
    tpu.vector_store %arg4[%swap3A, %swap3A_10], %add3A_9 {strides = array<i32>} : memref<1000x768xf32, #tpu.memory_space<vmem>>, vector<1000x768xf32>,
    return
  }
  func.func @transform_0(%arg0: i32) -> (i32, i32) {
    %c0_i32 = arith.constant 0 : i32
    %c0_i32_0 = arith.constant 0 : i32
    return %arg0, %c0_i32 : i32, i32
  }
  func.func @transform_1(%arg0: i32) -> (i32, i32) {
    %c0_i32 = arith.constant 0 : i32
    %c0_i32_0 = arith.constant 0 : i32
    %c0_i32_1 = arith.constant 0 : i32
    return %c0_i32, %c0_i32_0 : i32, i32
  }
  func.func @transform_2(%arg0: i32) -> (i32, i32) {
    %c0_i32 = arith.constant 0 : i32
    %c0_i32_0 = arith.constant 0 : i32
    %c0_i32_1 = arith.constant 0 : i32
    return %c0_i32, %c0_i32_0 : i32, i32
  }
  func.func @transform_3(%arg0: i32) -> (i32, i32) {
    %c0_i32 = arith.constant 0 : i32
    %c0_i32_0 = arith.constant 0 : i32
    return %arg0, %c0_i32 : i32, i32
  }
}

module attributes {stable_mosaic.version = 14 : i64} {
  func.func @_xw1_block(%arg0: i32, %arg1: i32, %arg2: memref<1024x768xf32, #tpu.memory_space<vmem>>, %arg3: memref<1x768x128xf32, #tpu.memory_space<vmem>>, %arg4: memref<1x1024x128xf32, #tpu.memory_space<vmem>>) attributes {dimension_semantics = [#tpu.dimension_semantics<arbitrary>, #tpu.dimension_semantics<arbitrary>], iteration_bounds = array<i64: 10, 2>, scalar_prefetch = 0 : i64, scratch_operands = 0 : i64, tpu.core_type = #tpu.core_type<tc>, window_params = [{transform_indices = @transform_0, window_bounds = array<i64: 1024, 768>}, {transform_indices = @transform_1, window_bounds = array<i64: 1, 768, 128>}, {transform_indices = @transform_2, window_bounds = array<i64: 1, 1024, 128>}]} {
    %get3A = arith.constant 0 : index
    %get3A_0 = arith.constant 0 : index
    %get3A_1 = vector.load %arg2[%get3A, %get3A_0] : memref<1024x768xf32, #tpu.memory_space<vmem>>, vector<1024x768xf32>
    %get3A_2 = arith.constant 0 : index
    %get3A_3 = arith.constant 0 : index
    %get3A_4 = arith.constant 0 : index
    %get3A_5 = vector.load %arg3[%get3A_2, %get3A_3, %get3A_4] : memref<1x768x128xf32, #tpu.memory_space<vmem>>, vector<1x768x128xf32>
    %get3A_6 = vector.shape_cast %get3A_5 : vector<1x768x128xf32> to vector<768x128xf32>
    %dot_general3A = arith.constant dense<0.000000e+00> : vector<1024x128xf32>
    %dot_general3A_7 = tpu.matmul %get3A_1, %get3A_6, %dot_general3A {dimension_numbers = #tpu.dot_dimension_numbers<[1], [0], [0], [1], [0, 0, 1, 1], [], []>, transpose_lhs_hint = false} : vector<1024x768xf32>, vector<768x128xf32>, vector<1024x128xf32> -> vector<1024x128xf32>
    %swap3A = arith.constant 0 : index
    %swap3A_8 = arith.constant 0 : index
    %swap3A_9 = arith.constant 0 : index
    %swap3A_10 = vector.load %arg4[%swap3A, %swap3A_8, %swap3A_9] : memref<1x1024x128xf32, #tpu.memory_space<vmem>>, vector<1x1024x128xf32>
    %swap3A_11 = vector.shape_cast %swap3A_10 : vector<1x1024x128xf32> to vector<1024x128xf32>
    %swap3A_12 = vector.shape_cast %dot_general3A_7 : vector<1024x128xf32> to vector<1x1024x128xf32>
    tpu.vector_store %arg4[%swap3A, %swap3A_8, %swap3A_9], %swap3A_12 {strides = array<i32>} : memref<1x1024x128xf32, #tpu.memory_space<vmem>>, vector<1x1024x128xf32>,
    return
  }
  func.func @transform_0(%arg0: i32, %arg1: i32) -> (i32, i32) {
    %c0_i32 = arith.constant 0 : i32
    %c0_i32_0 = arith.constant 0 : i32
    return %arg0, %c0_i32 : i32, i32
  }
  func.func @transform_1(%arg0: i32, %arg1: i32) -> (i32, i32, i32) {
    %c0_i32 = arith.constant 0 : i32
    %c0_i32_0 = arith.constant 0 : i32
    %c0_i32_1 = arith.constant 0 : i32
    return %arg1, %c0_i32, %c0_i32_0 : i32, i32, i32
  }
  func.func @transform_2(%arg0: i32, %arg1: i32) -> (i32, i32, i32) {
    %c0_i32 = arith.constant 0 : i32
    %c0_i32_0 = arith.constant 0 : i32
    return %arg1, %arg0, %c0_i32 : i32, i32, i32
  }
}

module attributes {stable_mosaic.version = 14 : i64} {
  func.func @_mid_block(%arg0: i32, %arg1: memref<2x1024x128xf32, #tpu.memory_space<vmem>>, %arg2: memref<2x1024x128xf32, #tpu.memory_space<vmem>>, %arg3: memref<1024x1xf32, #tpu.memory_space<vmem>>, %arg4: memref<2x1x128xf32, #tpu.memory_space<vmem>>, %arg5: memref<256x128xf32, #tpu.memory_space<vmem>>, %arg6: memref<1024x128xf32, #tpu.memory_space<vmem>>) attributes {dimension_semantics = [#tpu.dimension_semantics<arbitrary>], iteration_bounds = array<i64: 10>, scalar_prefetch = 0 : i64, scratch_operands = 0 : i64, tpu.core_type = #tpu.core_type<tc>, window_params = [{transform_indices = @transform_0, window_bounds = array<i64: 2, 1024, 128>}, {transform_indices = @transform_1, window_bounds = array<i64: 2, 1024, 128>}, {transform_indices = @transform_2, window_bounds = array<i64: 1024, 1>}, {pipeline_mode = #tpu.pipeline_mode<synchronous>, transform_indices = @transform_3, window_bounds = array<i64: 2, 1, 128>}, {pipeline_mode = #tpu.pipeline_mode<synchronous>, transform_indices = @transform_4, window_bounds = array<i64: 256, 128>}, {transform_indices = @transform_5, window_bounds = array<i64: 1024, 128>}]} {
    %get3A = arith.constant 0 : index
    %get3A_0 = arith.constant 0 : index
    %get3A_1 = vector.load %arg3[%get3A, %get3A_0] : memref<1024x1xf32, #tpu.memory_space<vmem>>, vector<1024x1xf32>
    %get3A_2 = arith.constant 0 : index
    %get3A_3 = arith.constant 0 : index
    %get3A_4 = arith.constant 0 : index
    %get3A_5 = vector.load %arg1[%get3A_2, %get3A_3, %get3A_4] : memref<2x1024x128xf32, #tpu.memory_space<vmem>>, vector<1x1024x128xf32>
    %get3A_6 = vector.shape_cast %get3A_5 : vector<1x1024x128xf32> to vector<1024x128xf32>
    %get3A_7 = arith.constant 0 : index
    %get3A_8 = arith.constant 0 : index
    %get3A_9 = arith.constant 0 : index
    %get3A_10 = vector.load %arg2[%get3A_7, %get3A_8, %get3A_9] : memref<2x1024x128xf32, #tpu.memory_space<vmem>>, vector<1x1024x128xf32>
    %get3A_11 = vector.shape_cast %get3A_10 : vector<1x1024x128xf32> to vector<1024x128xf32>
    %mul3A = vector.broadcast %get3A_1 : vector<1024x1xf32> to vector<1024x128xf32>
    %mul3A_12 = arith.mulf %mul3A, %get3A_11 : vector<1024x128xf32>
    %add3A = arith.addf %get3A_6, %mul3A_12 : vector<1024x128xf32>
    %get3A_13 = arith.constant 0 : index
    %get3A_14 = arith.constant 0 : index
    %get3A_15 = arith.constant 0 : index
    %get3A_16 = vector.load %arg4[%get3A_13, %get3A_14, %get3A_15] : memref<2x1x128xf32, #tpu.memory_space<vmem>>, vector<1x1x128xf32>
    %get3A_17 = vector.shape_cast %get3A_16 : vector<1x1x128xf32> to vector<1x128xf32>
    %add3A_18 = vector.broadcast %get3A_17 : vector<1x128xf32> to vector<1024x128xf32>
    %add3A_19 = arith.addf %add3A, %add3A_18 : vector<1024x128xf32>
    %max3A = arith.constant 0.000000e+00 : f32
    %max3A_20 = vector.broadcast %max3A : f32 to vector<1024x128xf32>
    %max3A_21 = arith.maximumf %add3A_19, %max3A_20 : vector<1024x128xf32>
    %get3A_22 = arith.constant 1 : index
    %get3A_23 = arith.constant 0 : index
    %get3A_24 = arith.constant 0 : index
    %get3A_25 = vector.load %arg1[%get3A_22, %get3A_23, %get3A_24] : memref<2x1024x128xf32, #tpu.memory_space<vmem>>, vector<1x1024x128xf32>
    %get3A_26 = vector.shape_cast %get3A_25 : vector<1x1024x128xf32> to vector<1024x128xf32>
    %get3A_27 = arith.constant 1 : index
    %get3A_28 = arith.constant 0 : index
    %get3A_29 = arith.constant 0 : index
    %get3A_30 = vector.load %arg2[%get3A_27, %get3A_28, %get3A_29] : memref<2x1024x128xf32, #tpu.memory_space<vmem>>, vector<1x1024x128xf32>
    %get3A_31 = vector.shape_cast %get3A_30 : vector<1x1024x128xf32> to vector<1024x128xf32>
    %mul3A_32 = vector.broadcast %get3A_1 : vector<1024x1xf32> to vector<1024x128xf32>
    %mul3A_33 = arith.mulf %mul3A_32, %get3A_31 : vector<1024x128xf32>
    %add3A_34 = arith.addf %get3A_26, %mul3A_33 : vector<1024x128xf32>
    %get3A_35 = arith.constant 1 : index
    %get3A_36 = arith.constant 0 : index
    %get3A_37 = arith.constant 0 : index
    %get3A_38 = vector.load %arg4[%get3A_35, %get3A_36, %get3A_37] : memref<2x1x128xf32, #tpu.memory_space<vmem>>, vector<1x1x128xf32>
    %get3A_39 = vector.shape_cast %get3A_38 : vector<1x1x128xf32> to vector<1x128xf32>
    %add3A_40 = vector.broadcast %get3A_39 : vector<1x128xf32> to vector<1024x128xf32>
    %add3A_41 = arith.addf %add3A_34, %add3A_40 : vector<1024x128xf32>
    %max3A_42 = arith.constant 0.000000e+00 : f32
    %max3A_43 = vector.broadcast %max3A_42 : f32 to vector<1024x128xf32>
    %max3A_44 = arith.maximumf %add3A_41, %max3A_43 : vector<1024x128xf32>
    %concatenate3A = tpu.concatenate %max3A_21, %max3A_44 in 1 : vector<1024x128xf32>, vector<1024x128xf32> -> vector<1024x256xf32>
    %get3A_45 = arith.constant 0 : index
    %get3A_46 = arith.constant 0 : index
    %get3A_47 = vector.load %arg5[%get3A_45, %get3A_46] : memref<256x128xf32, #tpu.memory_space<vmem>>, vector<256x128xf32>
    %dot_general3A = arith.constant dense<0.000000e+00> : vector<1024x128xf32>
    %dot_general3A_48 = tpu.matmul %concatenate3A, %get3A_47, %dot_general3A {dimension_numbers = #tpu.dot_dimension_numbers<[1], [0], [0], [1], [0, 0, 1, 1], [], []>, transpose_lhs_hint = false} : vector<1024x256xf32>, vector<256x128xf32>, vector<1024x128xf32> -> vector<1024x128xf32>
    %swap3A = arith.constant 0 : index
    %swap3A_49 = arith.constant 0 : index
    %swap3A_50 = vector.load %arg6[%swap3A, %swap3A_49] : memref<1024x128xf32, #tpu.memory_space<vmem>>, vector<1024x128xf32>
    tpu.vector_store %arg6[%swap3A, %swap3A_49], %dot_general3A_48 {strides = array<i32>} : memref<1024x128xf32, #tpu.memory_space<vmem>>, vector<1024x128xf32>,
    return
  }
  func.func @transform_0(%arg0: i32) -> (i32, i32, i32) {
    %c0_i32 = arith.constant 0 : i32
    %c0_i32_0 = arith.constant 0 : i32
    %c0_i32_1 = arith.constant 0 : i32
    return %c0_i32, %arg0, %c0_i32_0 : i32, i32, i32
  }
  func.func @transform_1(%arg0: i32) -> (i32, i32, i32) {
    %c0_i32 = arith.constant 0 : i32
    %c0_i32_0 = arith.constant 0 : i32
    %c0_i32_1 = arith.constant 0 : i32
    return %c0_i32, %arg0, %c0_i32_0 : i32, i32, i32
  }
  func.func @transform_2(%arg0: i32) -> (i32, i32) {
    %c0_i32 = arith.constant 0 : i32
    %c0_i32_0 = arith.constant 0 : i32
    return %arg0, %c0_i32 : i32, i32
  }
  func.func @transform_3(%arg0: i32) -> (i32, i32, i32) {
    %c0_i32 = arith.constant 0 : i32
    %c0_i32_0 = arith.constant 0 : i32
    %c0_i32_1 = arith.constant 0 : i32
    %c0_i32_2 = arith.constant 0 : i32
    return %c0_i32, %c0_i32_0, %c0_i32_1 : i32, i32, i32
  }
  func.func @transform_4(%arg0: i32) -> (i32, i32) {
    %c0_i32 = arith.constant 0 : i32
    %c0_i32_0 = arith.constant 0 : i32
    %c0_i32_1 = arith.constant 0 : i32
    return %c0_i32, %c0_i32_0 : i32, i32
  }
  func.func @transform_5(%arg0: i32) -> (i32, i32) {
    %c0_i32 = arith.constant 0 : i32
    %c0_i32_0 = arith.constant 0 : i32
    return %arg0, %c0_i32 : i32, i32
  }
}

module attributes {stable_mosaic.version = 14 : i64} {
  func.func @_cls_block(%arg0: memref<2x1024x128xf32, #tpu.memory_space<vmem>>, %arg1: memref<1024x128xf32, #tpu.memory_space<vmem>>, %arg2: memref<1024x1xf32, #tpu.memory_space<vmem>>, %arg3: memref<1x128xf32, #tpu.memory_space<vmem>>, %arg4: memref<128x256xf32, #tpu.memory_space<vmem>>, %arg5: memref<1x256xf32, #tpu.memory_space<vmem>>, %arg6: memref<256x8xf32, #tpu.memory_space<vmem>>, %arg7: memref<1x8xf32, #tpu.memory_space<vmem>>, %arg8: memref<1024x8xf32, #tpu.memory_space<vmem>>) attributes {dimension_semantics = [], scalar_prefetch = 0 : i64, scratch_operands = 0 : i64, tpu.core_type = #tpu.core_type<tc>} {
    %get3A = arith.constant 0 : index
    %get3A_0 = arith.constant 0 : index
    %get3A_1 = arith.constant 0 : index
    %get3A_2 = vector.load %arg0[%get3A, %get3A_0, %get3A_1] : memref<2x1024x128xf32, #tpu.memory_space<vmem>>, vector<1x1024x128xf32>
    %get3A_3 = vector.shape_cast %get3A_2 : vector<1x1024x128xf32> to vector<1024x128xf32>
    %get3A_4 = arith.constant 1 : index
    %get3A_5 = arith.constant 0 : index
    %get3A_6 = arith.constant 0 : index
    %get3A_7 = vector.load %arg0[%get3A_4, %get3A_5, %get3A_6] : memref<2x1024x128xf32, #tpu.memory_space<vmem>>, vector<1x1024x128xf32>
    %get3A_8 = vector.shape_cast %get3A_7 : vector<1x1024x128xf32> to vector<1024x128xf32>
    %add3A = arith.addf %get3A_3, %get3A_8 : vector<1024x128xf32>
    %get3A_9 = arith.constant 0 : index
    %get3A_10 = arith.constant 0 : index
    %get3A_11 = vector.load %arg2[%get3A_9, %get3A_10] : memref<1024x1xf32, #tpu.memory_space<vmem>>, vector<1024x1xf32>
    %get3A_12 = arith.constant 0 : index
    %get3A_13 = arith.constant 0 : index
    %get3A_14 = vector.load %arg1[%get3A_12, %get3A_13] : memref<1024x128xf32, #tpu.memory_space<vmem>>, vector<1024x128xf32>
    %mul3A = vector.broadcast %get3A_11 : vector<1024x1xf32> to vector<1024x128xf32>
    %mul3A_15 = arith.mulf %mul3A, %get3A_14 : vector<1024x128xf32>
    %add3A_16 = arith.addf %add3A, %mul3A_15 : vector<1024x128xf32>
    %get3A_17 = arith.constant 0 : index
    %get3A_18 = arith.constant 0 : index
    %get3A_19 = vector.load %arg3[%get3A_17, %get3A_18] : memref<1x128xf32, #tpu.memory_space<vmem>>, vector<1x128xf32>
    %add3A_20 = vector.broadcast %get3A_19 : vector<1x128xf32> to vector<1024x128xf32>
    %add3A_21 = arith.addf %add3A_16, %add3A_20 : vector<1024x128xf32>
    %get3A_22 = arith.constant 0 : index
    %get3A_23 = arith.constant 0 : index
    %get3A_24 = vector.load %arg4[%get3A_22, %get3A_23] : memref<128x256xf32, #tpu.memory_space<vmem>>, vector<128x256xf32>
    %dot_general3A = arith.constant dense<0.000000e+00> : vector<1024x256xf32>
    %dot_general3A_25 = tpu.matmul %add3A_21, %get3A_24, %dot_general3A {dimension_numbers = #tpu.dot_dimension_numbers<[1], [0], [0], [1], [0, 0, 1, 1], [], []>, transpose_lhs_hint = false} : vector<1024x128xf32>, vector<128x256xf32>, vector<1024x256xf32> -> vector<1024x256xf32>
    %get3A_26 = arith.constant 0 : index
    %get3A_27 = arith.constant 0 : index
    %get3A_28 = vector.load %arg5[%get3A_26, %get3A_27] : memref<1x256xf32, #tpu.memory_space<vmem>>, vector<1x256xf32>
    %add3A_29 = vector.broadcast %get3A_28 : vector<1x256xf32> to vector<1024x256xf32>
    %add3A_30 = arith.addf %dot_general3A_25, %add3A_29 : vector<1024x256xf32>
    %max3A = arith.constant 0.000000e+00 : f32
    %max3A_31 = vector.broadcast %max3A : f32 to vector<1024x256xf32>
    %max3A_32 = arith.maximumf %add3A_30, %max3A_31 : vector<1024x256xf32>
    %get3A_33 = arith.constant 0 : index
    %get3A_34 = arith.constant 0 : index
    %get3A_35 = vector.load %arg6[%get3A_33, %get3A_34] : memref<256x8xf32, #tpu.memory_space<vmem>>, vector<256x8xf32>
    %dot_general3A_36 = arith.constant dense<0.000000e+00> : vector<1024x8xf32>
    %dot_general3A_37 = tpu.matmul %max3A_32, %get3A_35, %dot_general3A_36 {dimension_numbers = #tpu.dot_dimension_numbers<[1], [0], [0], [1], [0, 0, 1, 1], [], []>, transpose_lhs_hint = false} : vector<1024x256xf32>, vector<256x8xf32>, vector<1024x8xf32> -> vector<1024x8xf32>
    %get3A_38 = arith.constant 0 : index
    %get3A_39 = arith.constant 0 : index
    %get3A_40 = vector.load %arg7[%get3A_38, %get3A_39] : memref<1x8xf32, #tpu.memory_space<vmem>>, vector<1x8xf32>
    %add3A_41 = vector.broadcast %get3A_40 : vector<1x8xf32> to vector<1024x8xf32>
    %add3A_42 = arith.addf %dot_general3A_37, %add3A_41 : vector<1024x8xf32>
    %swap3A = arith.constant 0 : index
    %swap3A_43 = arith.constant 0 : index
    %swap3A_44 = vector.load %arg8[%swap3A, %swap3A_43] : memref<1024x8xf32, #tpu.memory_space<vmem>>, vector<1024x8xf32>
    tpu.vector_store %arg8[%swap3A, %swap3A_43], %add3A_42 {strides = array<i32>} : memref<1024x8xf32, #tpu.memory_space<vmem>>, vector<1024x8xf32>,
    return
  }
}

</mosaic_0001>

<sc_bundles>
// kernel: kernel.10.cloned.1.call-start
scs
__scs_entry_jumppad:
0x0: {  	(pc) =	sbr.rel $0x88, $3  }
0x1: {  	(tag) =	ssettag $0x0;
	lr =	simm.s32 $0x1  }
0x2: {  	[smem:$0x3F91] =	sst lr;
	_ =	strace $0xD0000000  }
0x3: {  	_ = 	snop  }
0x4: {  	_ = 	snop  }
0x5: {  	_ = 	snop  }
0x6: {  	_ = 	snop  }
0x7: {  	_ = 	snop  }
__scs_overlays_trampoline_lowered:
0x8: {  	[smem:$0x3FA0] =	sst s0  }
0x9: {  	[smem:$0x3FA1] =	sst s1  }
0xa: {  	[smem:$0x3FA2] =	sst s2  }
0xb: {  	[smem:$0x3FA3] =	sst s3  }
0xc: {  	[smem:$0x3FA4] =	sst s4  }
0xd: {  	[smem:$0x3FA5] =	sst s5  }
0xe: {  	[smem:$0x3FA6] =	sst s6  }
0xf: {  	[smem:$0x3FA7] =	sst s7  }
0x10: {  	[smem:$0x3FA8] =	sst s8  }
0x11: {  	[smem:$0x3FA9] =	sst s9;
	s0 =	simm.s32 @!p0 $0x0  }
0x12: {  	s1 =	sld [smem:$0x3F8F];
	s0 =	simm.s32 @p0 $0x1  }
0x13: {  	[smem:$0x3FAA] =	sst s0;
	s0 =	simm.s32 @!p1 $0x0  }
0x14: {  	s2 =	sld [smem:$0x3F8E];
	s0 =	simm.s32 @p1 $0x1  }
0x15: {  	[smem:$0x3FAB] =	sst s0;
	s0 =	simm.s32 @!p2 $0x0  }
0x16: {  	s3 =	sld [smem:$0x3FDB];
	s0 =	simm.s32 @p2 $0x1  }
0x17: {  	s4 =	simm.s32 $0x1BF5;
	[smem:$0x3FAD] =	sst s0  }
0x18: {  	s0 =	sld [smem:$0x3F90];
	_ =	swait.ge [sflag:s4], $0x0  }
0x19: {  	s7 =	sld [smem:$0x3F91]  }
0x1a: {  	s8 =	sadd.s32 $0xFFFFE003, lr  }
0x1b: {  	s9 =	sadd.s32 $0xFFFFFEF7, lr;
	s5 =	simm.s32 $0xFFFFFFFF;
	p2 =	slt.u32 s8, $0xFFFFF086  }
0x1c: {  	p1 =	slt.u32 s9, $0xF7A;
	s5 =	simm.s32 @!p2 $0x0  }
0x1d: {  	s5 =	simm.s32 @p1 $0x1;
	p0 =	seq.s32 s7, s2  }
0x1e: {  	s7 =	smul.u32 @!p0 $0xF7A, s2;
	p2 =	seq.s32 @!p0 s5, $0x0  }
0x1f: {  	s9 =	smul.u32 $0xF7A, s1;
	s8 =	simm.s32 @!p0 $0x1BF5;
	p2 =	por !p2, p0  }
0x20: {  	[sflag:s8] =	ssyncset.s32 @!p0 $0xFFFFF086;
	s6 =	sadd.s32 @!p0 s3, s7;
	s7 =	simm.s32 @!p0 $0x108  }
0x21: {  	s3 =	sadd.s32 s3, s9;
	s6 =	sadd.s32 @!p0 $0x88, s6;
	s7 =	simm.s32 @p2 $0x1082  }
0x22: {  	[simem:s7], [sflag:s8] =	dma.local @!p0 [hbm:s6], $0xF7A  }
0x23: {  	s9 =	sor.u32 $0xD0000000, s2;
	s6 =	simm.s32 $0x108;
	_ =	swait.ge @!p0 [sflag:s8], $0x0  }
0x24: {  	s3 =	sadd.s32 $0x88, s3;
	s6 =	simm.s32 @!p1 $0x1082;
	[sflag:s4] =	ssyncset.s32 $0xFFFFF086  }
0x25: {  	[simem:s6], [sflag:s4] =	dma.local [hbm:s3], $0xF7A  }
0x26: {  	[smem:$0x3F91] =	sst s1;
	(tag) =	ssettag s2;
	_ =	strace s9  }
0x27: {  	s1 =	sld [smem:$0x3FA1]  }
0x28: {  	s2 =	sld [smem:$0x3FA2]  }
0x29: {  	s4 =	sld [smem:$0x3FA4]  }
0x2a: {  	p0 =	seq.s32 s5, $0x0;
	s5 =	sld [smem:$0x3FA5]  }
0x2b: {  	s6 =	sld [smem:$0x3FA6]  }
0x2c: {  	s7 =	sld [smem:$0x3FA7]  }
0x2d: {  	s3 =	simm.s32 $0x108;
	s8 =	sld [smem:$0x3FA8]  }
0x2e: {  	s3 =	simm.s32 @!p0 $0x1082;
	s9 =	sld [smem:$0x3FA9]  }
0x2f: {  	lr =	sadd.s32 s0, s3;
	s0 =	sld [smem:$0x3FA0]  }
0x30: {  	s3 =	sld [smem:$0x3FA3]  }
0x31: {  	[smem:$0x3FAC] =	sst s10  }
0x32: {  	s10 =	sld [smem:$0x3FAA];
	_ =	sdelay $0x3  }
0x33: {  	p0 =	seq.s32 s10, $0x1;
	s10 =	sld [smem:$0x3FAC];
	_ =	sdelay $0x3  }
0x34: {  	[smem:$0x3FAC] =	sst s10  }
0x35: {  	s10 =	sld [smem:$0x3FAB];
	_ =	sdelay $0x3  }
0x36: {  	p1 =	seq.s32 s10, $0x1;
	s10 =	sld [smem:$0x3FAC];
	_ =	sdelay $0x3  }
0x37: {  	[smem:$0x3FAC] =	sst s10  }
0x38: {  	s10 =	sld [smem:$0x3FAD]  }
0x39: {  	_ = 	snop;
	(pc) =	sbr.ind lr, $3  }
0x3a: {  	_ = 	snop  }
0x3b: {  	_ = 	snop  }
0x3c: {  	p2 =	seq.s32 s10, $0x1;
	s10 =	sld [smem:$0x3FAC]  }
0x3d: {  	_ =	shalt  }
0x3e: {  	_ =	shalt  }
0x3f: {  	_ =	shalt  }
0x40: {  	_ =	shalt  }
0x41: {  	_ =	shalt  }
0x42: {  	_ =	shalt  }
0x43: {  	_ =	shalt  }
0x44: {  	_ =	shalt  }
0x45: {  	_ =	shalt  }
0x46: {  	_ =	shalt  }
0x47: {  	_ =	shalt  }
0x48: {  	_ =	shalt  }
0x49: {  	_ =	shalt  }
0x4a: {  	_ =	shalt  }
0x4b: {  	_ =	shalt  }
0x4c: {  	_ =	shalt  }
0x4d: {  	_ =	shalt  }
0x4e: {  	_ =	shalt  }
0x4f: {  	_ =	shalt  }
0x50: {  	_ =	shalt  }
0x51: {  	_ =	shalt  }
0x52: {  	_ =	shalt  }
0x53: {  	_ =	shalt  }
0x54: {  	_ =	shalt  }
0x55: {  	_ =	shalt  }
0x56: {  	_ =	shalt  }
0x57: {  	_ =	shalt  }
0x58: {  	_ =	shalt  }
0x59: {  	_ =	shalt  }
0x5a: {  	_ =	shalt  }
0x5b: {  	_ =	shalt  }
0x5c: {  	_ =	shalt  }
0x5d: {  	_ =	shalt  }
0x5e: {  	_ =	shalt  }
0x5f: {  	_ =	shalt  }
0x60: {  	_ =	shalt  }
0x61: {  	_ =	shalt  }
0x62: {  	_ =	shalt  }
0x63: {  	_ =	shalt  }
0x64: {  	_ =	shalt  }
0x65: {  	_ =	shalt  }
0x66: {  	_ =	shalt  }
0x67: {  	_ =	shalt  }
0x68: {  	_ =	shalt  }
0x69: {  	_ =	shalt  }
0x6a: {  	_ =	shalt  }
0x6b: {  	_ =	shalt  }
0x6c: {  	_ =	shalt  }
0x6d: {  	_ =	shalt  }
0x6e: {  	_ =	shalt  }
0x6f: {  	_ =	shalt  }
0x70: {  	_ =	shalt  }
0x71: {  	_ =	shalt  }
0x72: {  	_ =	shalt  }
0x73: {  	_ =	shalt  }
0x74: {  	_ =	shalt  }
0x75: {  	_ =	shalt  }
0x76: {  	_ =	shalt  }
0x77: {  	_ =	shalt  }
0x78: {  	_ =	shalt  }
0x79: {  	_ =	shalt  }
0x7a: {  	_ =	shalt  }
0x7b: {  	_ =	shalt  }
0x7c: {  	_ =	shalt  }
0x7d: {  	_ =	shalt  }
0x7e: {  	_ =	shalt  }
0x7f: {  	_ =	shalt  }
0x80: {  	_ =	shalt  }
0x81: {  	_ =	shalt  }
0x82: {  	_ =	shalt  }
0x83: {  	_ =	shalt  }
0x84: {  	_ =	shalt  }
0x85: {  	_ =	shalt  }
0x86: {  	_ =	shalt  }
0x87: {  	_ =	shalt  }
.Lfunc_end0:
.L_simem_size_0:
called_computation_lowered:
.L_overlay_start_0:
0x88: {  	s0 =	sld [smem:$0x3FD9]  }
0x89: {  	s1 =	sld [smem:$0x3FFE];
	_ =	sdelay $0x3  }
0x8a: {  	s0 =	sadd.s32 s1, s0  }
0x8b: {  	[smem:$0x3FB8] =	sst s0  }
0x8c: {  	_ = 	snop  }
0x8d: {  	s0 =	sld [smem:$0x3FC6];
	(tm) =	ssettm $0x1  }
0x8e: {  	s16 =	sld [smem:$0x3FFB];
	_ =	sdelay $0x3  }
0x8f: {  	_ =	strace s16  }
0x90: {  	s1 =	sld [smem:$0x3FFC];
	_ =	sdelay $0x3  }
0x91: {  	_ =	strace s1  }
0x92: {  	s1 =	sld [smem:$0x3FFD];
	_ =	sdelay $0x3  }
0x93: {  	_ =	strace s1  }
0x94: {  	_ =	strace $0x8FFFFFFF  }
0x95: {  	s17 =	sld [smem:$0x3FDB];
	_ =	sdelay $0x1  }
0x96: {  	s2 =	simm.s32 $_scs_section_size  }
0x97: {  	s3 =	simm.s32 $_size__tile_overlayer_lowered;
	s4 =	simm.s32 $_tile_overlayer_lowered  }
0x98: {  	s20 =	simm.s32 $0x1BFF;
	s19 =	sshll.u32 s4, $0x1;
	s1 =	sadd.s32 s2, s17  }
0x99: {  	s5 =	simm.s32 $0x0;
	s18 =	sshll.u32 s3, $0x1;
	s3 =	sadd.s32 s19, s1  }
0x9a: {  	[timem:s5], [sflag:s20] =	dma.local [hbm:s3], s18  }
0x9b: {  	_ =	swait.ge [sflag:s20], s18  }
0x9c: {  	s2 =	ssub.s32 $0x0, s18;
	[sflag:s20] =	ssyncset.done $0x0  }
0x9d: {  	[sflag:s20] =	ssyncadd.s32 s2;
	_ =	sdelay $0x1  }
0x9e: {  	s21 =	simm.s32 $0x1B8B  }
0x9f: {  	_ =	swait.ge [sflag:s21], $0x1  }
0xa0: {  	[sflag:s21] =	ssyncset.done $0x0  }
0xa1: {  	s23 =	simm.s32 $0x1B8E;
	s22 =	sld [smem:$0x3FFE];
	[sflag:s21] =	ssyncadd.s32 $0xFFFFFFFF  }
0xa2: {  	s24 =	simm.s32 $execute0_lowered;
	[smem:$0x3FD2] =	sst s23  }
0xa3: {  	s3 =	sshll.u32 s24, $0x1;
	_ =	strace $0x80000046;
	[dreg:$0x1] =	wrdreg $0xFFFFFFFF  }
0xa4: {  	s25 =	simm.s32 $_size_execute0_lowered;
	s1 =	sadd.s32 s1, s3;
	[dreg:$0x0] =	wrdreg $0x0  }
0xa5: {  	s3 =	sshll.u32 s25, $0x1;
	[dreg:$0x2] =	wrdreg s1  }
0xa6: {  	[dreg:$0x3] =	wrdreg s3  }
0xa7: {  	[dreg:$0x4] =	wrdreg $0xC0  }
0xa8: {  	_ =	task [dreg:s5], $0x5FFFF  }
0xa9: {  	[dreg:$0x1] =	wrdreg $0xFFFFFFFF  }
0xaa: {  	[dreg:$0x0] =	wrdreg $0x60  }
0xab: {  	[dreg:$0x2] =	wrdreg s22  }
0xac: {  	[dreg:$0x3] =	wrdreg s0  }
0xad: {  	[dreg:$0x4] =	wrdreg $0x2F000  }
0xae: {  	[dreg:$0x5] =	wrdreg $0x31800  }
0xaf: {  	[dreg:$0x6] =	wrdreg $0x9  }
0xb0: {  	_ =	task.clear_ibuf [dreg:s5], $0x7FFFF;
	_ =	strace $0x90000046  }
0xb1: {  	s26 =	simm.s32 $0x9;
	_ =	strace $0x80000048  }
0xb2: {  	_ =	swait.ge [sflag:s26], $0x1  }
0xb3: {  	[sflag:s26] =	ssyncadd.s32 $0xFFFFFFFF  }
0xb4: {  	_ =	strace $0x90000048  }
0xb5: {  	_ =	sfence  }
0xb6: {  	s28 =	sld [smem:$0x0];
	_ =	sdelay $0x1  }
0xb7: {  	s29 =	srdreg.scid  }
0xb8: {  	s30 =	sshll.u32 s29, $0xD;
	s31 =	sshrl.u32 s29, $0x2  }
0xb9: {  	s2 =	sand.u32 $0x4000, s30;
	s1 =	sand.u32 $0x1, s29;
	s0 =	sadd.s32 s31, s28  }
0xba: {  	s1 =	sor.u32 s2, s1;
	s0 =	sshll.u32 s0, $0x11  }
0xbb: {  	s0 =	sor.u32 s0, s1  }
0xbc: {  	s0 =	sadd.s32 $0x8F2B, s0  }
0xbd: {  	[sflag:s0] =	ssyncadd.remote.s32 $0x1  }
0xbe: {  	_ =	sfence.sel $0xFFFF  }
0xbf: {  	[dreg:$0x0] =	wrdreg $0xFFFFFFFF;
	(pc) =	sbr.abs _section_cstart, $3  }
0xc0: {  	[dreg:$0x1] =	wrdreg $0xFFFFFFFF  }
0xc1: {  	_ =	task.clear_ibuf [dreg:s5], $0x2FFFF;
	_ =	strace $0x9FFFFFFF  }
0xc2: {  	(tm) =	ssettm $0x7FFFFFFF  }
0xc3: {  	_ =	shalt  }
tec
execute0_lowered:
.L_overlay_start_1:
0x0: {  	(tag) =	ssettag $0x1  }
0x1: {  	s6 =	rddreg [dreg:$0x0]  }
0x2: {  	s3 =	rddreg [dreg:$0x1]  }
0x3: {  	s4 =	rddreg [dreg:$0x2]  }
0x4: {  	s8 =	rddreg [dreg:$0x3];
	s11 =	simm.s32 $0x0  }
0x5: {  	v0 =	vimm.f32 $0.0e+00;
	[smem:$0x7FF] =	sst s11  }
0x6: {  	s0 =	rddreg [dreg:$0x4];
	_ =	strace $0x80000047;
	[tilespmem:$0x200] =	vst v0  }
0x7: {  	[tilespmem:$0x210] =	vst v0  }
0x8: {  	[tilespmem:$0x220] =	vst v0  }
0x9: {  	[tilespmem:$0x230] =	vst v0  }
0xa: {  	[tilespmem:$0x240] =	vst v0  }
0xb: {  	[tilespmem:$0x250] =	vst v0  }
0xc: {  	[tilespmem:$0x260] =	vst v0  }
0xd: {  	[tilespmem:$0x270] =	vst v0  }
0xe: {  	[tilespmem:$0x280] =	vst v0  }
0xf: {  	[tilespmem:$0x290] =	vst v0  }
0x10: {  	[tilespmem:$0x2A0] =	vst v0  }
0x11: {  	[tilespmem:$0x2B0] =	vst v0  }
0x12: {  	[tilespmem:$0x2C0] =	vst v0  }
0x13: {  	[tilespmem:$0x2D0] =	vst v0  }
0x14: {  	[tilespmem:$0x2E0] =	vst v0  }
0x15: {  	[tilespmem:$0x2F0] =	vst v0  }
0x16: {  	[tilespmem:$0x300] =	vst v0  }
0x17: {  	[tilespmem:$0x310] =	vst v0  }
0x18: {  	[tilespmem:$0x320] =	vst v0  }
0x19: {  	[tilespmem:$0x330] =	vst v0  }
0x1a: {  	[tilespmem:$0x340] =	vst v0  }
0x1b: {  	[tilespmem:$0x350] =	vst v0  }
0x1c: {  	[tilespmem:$0x360] =	vst v0  }
0x1d: {  	[tilespmem:$0x370] =	vst v0  }
0x1e: {  	[tilespmem:$0x380] =	vst v0  }
0x1f: {  	[tilespmem:$0x390] =	vst v0  }
0x20: {  	[tilespmem:$0x3A0] =	vst v0  }
0x21: {  	[tilespmem:$0x3B0] =	vst v0  }
0x22: {  	[tilespmem:$0x3C0] =	vst v0  }
0x23: {  	[tilespmem:$0x3D0] =	vst v0  }
0x24: {  	[tilespmem:$0x3E0] =	vst v0  }
0x25: {  	[tilespmem:$0x3F0] =	vst v0  }
0x26: {  	[tilespmem:$0x400] =	vst v0  }
0x27: {  	[tilespmem:$0x410] =	vst v0  }
0x28: {  	[tilespmem:$0x420] =	vst v0  }
0x29: {  	[tilespmem:$0x430] =	vst v0  }
0x2a: {  	s1 =	stileid.u32;
	[tilespmem:$0x440] =	vst v0  }
0x2b: {  	s5 =	smul.u32 $0x280, s1;
	[tilespmem:$0x450] =	vst v0  }
0x2c: {  	[tilespmem:$0x460] =	vst v0  }
0x2d: {  	s2 =	simm.s32 $0x200;
	s13 =	simm.s32 $0x1;
	[tilespmem:$0x470] =	vst v0;
	s12 =	sadd.s32 s5, s4  }
0x2e: {  	[spmem:s12] =	stream.linear.scatter [tilespmem:s2], [sflag:$0x1], $0x280, $0x38;
	[tilespmem:$0x3400] =	vst v63  }
0x2f: {  	s7 =	smul.u32 $0x4E2, s1;
	_ =	swait.ge [sflag:s13], $0x280  }
0x30: {  	s30 =	sadd.s32 $0x3C00, s6;
	[sflag:s13] =	ssyncset.done $0x0  }
0x31: {  	s2 =	sadd.s32 s7, s30;
	[sflag:s13] =	ssyncadd.s32 $0xFFFFFD80  }
0x32: {  	s14 =	simm.s32 $0x80;
	s9 =	sadd.s32 $0x0, s2;
	[bflag:$0x0] =	sbarrier.arrive $0xFFFF  }
0x33: {  	[tilespmem:s14], [sflag:$0x1] =	stream.linear.gather [hbm4b:s9+s11], $0x50, $0x38;
	[tilespmem:$0x3400] =	vst v63  }
0x34: {  	_ =	swait.ge [sflag:s13], $0x50  }
0x35: {  	s3 =	sadd.s32 s7, s3;
	[sflag:s13] =	ssyncset.done $0x0  }
0x36: {  	s15 =	simm.s32 $0x100;
	s31 =	sadd.s32 $0x0, s3;
	[sflag:s13] =	ssyncadd.s32 $0xFFFFFFB0  }
0x37: {  	[tilespmem:s15], [sflag:$0x1] =	stream.linear.gather [hbm4b:s31+s11], $0x50, $0x38;
	[tilespmem:$0x3400] =	vst v63  }
0x38: {  	_ =	swait.ge [sflag:s13], $0x50  }
0x39: {  	[sflag:s13] =	ssyncset.done $0x0  }
0x3a: {  	s16 =	simm.s32 $0x50;
	s17 =	simm.s32 $0xA;
	[sflag:s13] =	ssyncadd.s32 $0xFFFFFFB0  }
0x3b: {  	[spmem:s4] =	stream.indirect.scatter.add.f32 [tilespmem:s15], [sflag:$0x1], $0x1, s14, s16, $0xb8;
	[tilespmem:$0x3400] =	vst v63  }
0x3c: {  	s18 =	simm.s32 $0x14;
	s10 =	sadd.s32 $0x8C00, s6;
	_ =	swait.ge [sflag:s13], $0x50  }
0x3d: {  	s9 =	sadd.s32 $0xDC00, s6;
	s6 =	sadd.s32 $0x12C00, s6;
	[sflag:s13] =	ssyncset.done $0x0  }
.LBB2_1:
0x3e: {  	s19 =	sadd.s32 s17, s2  }
0x3f: {  	[sflag:s13] =	ssyncadd.s32 $0xFFFFFFB0;
	s20 =	smov.u32 s18;
	s21 =	sadd.s32 $0xA, s18  }
0x40: {  	[tilespmem:s14], [sflag:$0x1] =	stream.linear.gather [hbm4b:s19+s11], $0x50, $0x38;
	[tilespmem:$0x3400] =	vst v63  }
0x41: {  	p0 =	sne.s32 s18, $0x4D8;
	_ =	swait.ge [sflag:s13], $0x50  }
0x42: {  	[sflag:s13] =	ssyncset.done $0x0  }
0x43: {  	s18 =	sadd.s32 s17, s3;
	s17 =	smov.u32 s20;
	[sflag:s13] =	ssyncadd.s32 $0xFFFFFFB0  }
0x44: {  	[tilespmem:s15], [sflag:$0x1] =	stream.linear.gather [hbm4b:s18+s11], $0x50, $0x38;
	[tilespmem:$0x3400] =	vst v63  }
0x45: {  	_ =	swait.ge [sflag:s13], $0x50  }
.Ltmp0:
0x46: {  	[sflag:s13] =	ssyncset.done $0x0;
	(pc) =	sbr.rel @p0 .LBB2_1-.Ltmp0, $4  }
0x47: {  	[sflag:s13] =	ssyncadd.s32 $0xFFFFFFB0  }
0x48: {  	[spmem:s4] =	stream.indirect.scatter.add.f32 [tilespmem:s15], [sflag:$0x1], $0x1, s14, s16, $0xb8;
	[tilespmem:$0x3400] =	vst v63  }
0x49: {  	_ =	swait.ge [sflag:s13], $0x50  }
0x4a: {  	s18 =	smov.u32 s21;
	[sflag:s13] =	ssyncset.done $0x0  }
0x4b: {  	s18 =	sadd.s32 s17, s2;
	[sflag:s13] =	ssyncadd.s32 $0xFFFFFFB0  }
0x4c: {  	[tilespmem:s14], [sflag:$0x1] =	stream.linear.gather [hbm4b:s18+s11], $0x50, $0x38;
	[tilespmem:$0x3400] =	vst v63  }
0x4d: {  	_ =	swait.ge [sflag:s13], $0x50  }
0x4e: {  	[sflag:s13] =	ssyncset.done $0x0  }
0x4f: {  	s29 =	sadd.s32 s17, s3;
	[sflag:s13] =	ssyncadd.s32 $0xFFFFFFB0  }
0x50: {  	[tilespmem:s15], [sflag:$0x1] =	stream.linear.gather [hbm4b:s29+s11], $0x50, $0x38;
	[tilespmem:$0x3400] =	vst v63  }
0x51: {  	_ =	swait.ge [sflag:s13], $0x50  }
0x52: {  	[sflag:s13] =	ssyncset.done $0x0  }
0x53: {  	[sflag:s13] =	ssyncadd.s32 $0xFFFFFFB0  }
0x54: {  	[spmem:s4] =	stream.indirect.scatter.add.f32 [tilespmem:s15], [sflag:$0x1], $0x1, s14, s16, $0xb8;
	[tilespmem:$0x3400] =	vst v63  }
0x55: {  	_ =	swait.ge [sflag:s13], $0x50  }
0x56: {  	[sflag:s13] =	ssyncset.done $0x0  }
0x57: {  	[sflag:s13] =	ssyncadd.s32 $0xFFFFFFB0  }
0x58: {  	s30 =	simm.s32 $0x200;
	s31 =	simm.s32 $0x1;
	[bflag:$0x0] =	sbarrier.arrive $0xFFFF  }
0x59: {  	[tilespmem:s30], [sflag:$0x1] =	stream.linear.gather [spmem:s12], $0x280, $0x38;
	[tilespmem:$0x3400] =	vst v63  }
0x5a: {  	_ =	swait.ge [sflag:s31], $0x280  }
0x5b: {  	[sflag:s31] =	ssyncset.done $0x0  }
0x5c: {  	s4 =	simm.s32 $0x0;
	[sflag:s31] =	ssyncadd.s32 $0xFFFFFD80  }
0x5d: {  	v0 =	vld [tilespmem:s4+$0x200];
	_ =	sdelay $0x4  }
0x5e: {  	v0 =	vadd.f32 $1.000000000e+00, v0;
	_ =	sdelay $0x1  }
0x5f: {  	v1 =	vshra.s32 v0, $0x1;
	v0 =	vmul.f32 $5.000000000e-01, v0  }
0x60: {  	v1 =	vsub.s32 $0x5F3759DF, v1  }
0x61: {  	v2 =	vmul.f32 v1, v0;
	_ =	sdelay $0x1  }
0x62: {  	v2 =	vmul.f32 v1, v2;
	_ =	sdelay $0x1  }
0x63: {  	v2 =	vsub.f32 $1.500000000e+00, v2;
	_ =	sdelay $0x1  }
0x64: {  	v1 =	vmul.f32 v1, v2;
	_ =	sdelay $0x1  }
0x65: {  	v2 =	vmul.f32 v1, v0;
	_ =	sdelay $0x1  }
0x66: {  	v2 =	vmul.f32 v2, v1;
	_ =	sdelay $0x1  }
0x67: {  	v2 =	vsub.f32 $1.500000000e+00, v2;
	_ =	sdelay $0x1  }
0x68: {  	v1 =	vmul.f32 v2, v1;
	_ =	sdelay $0x1  }
0x69: {  	v0 =	vmul.f32 v1, v0;
	_ =	sdelay $0x1  }
0x6a: {  	v0 =	vmul.f32 v0, v1;
	_ =	sdelay $0x1  }
0x6b: {  	v0 =	vsub.f32 $1.500000000e+00, v0;
	_ =	sdelay $0x1  }
0x6c: {  	s11 =	simm.s32 $0x80;
	s12 =	simm.s32 $0x40;
	v0 =	vmul.f32 v0, v1  }
.LBB2_3:
0x6d: {  	p0 =	sne.s32 s11, $0x9C0  }
0x6e: {  	s13 =	sshra.s32 s12, $0x2;
	s12 =	smov.u32 s11;
	[tilespmem:s4+$0x200] =	vst v0;
	v0 =	vmul.f32 v0, v0  }
0x6f: {  	v1 =	vld [tilespmem:s13+$0x200]  }
0x70: {  	[tilespmem:s4+$0x480] =	vst v0;
	s4 =	smov.u32 s13;
	_ =	sdelay $0x3  }
0x71: {  	v0 =	vadd.f32 $1.000000000e+00, v1;
	_ =	sdelay $0x1  }
0x72: {  	v1 =	vshra.s32 v0, $0x1;
	v0 =	vmul.f32 $5.000000000e-01, v0  }
0x73: {  	v1 =	vsub.s32 $0x5F3759DF, v1  }
0x74: {  	v2 =	vmul.f32 v1, v0;
	_ =	sdelay $0x1  }
0x75: {  	v2 =	vmul.f32 v1, v2;
	_ =	sdelay $0x1  }
0x76: {  	v2 =	vsub.f32 $1.500000000e+00, v2;
	_ =	sdelay $0x1  }
0x77: {  	v1 =	vmul.f32 v1, v2;
	_ =	sdelay $0x1  }
0x78: {  	v2 =	vmul.f32 v1, v0;
	_ =	sdelay $0x1  }
0x79: {  	v2 =	vmul.f32 v2, v1;
	_ =	sdelay $0x1  }
0x7a: {  	v2 =	vsub.f32 $1.500000000e+00, v2;
	_ =	sdelay $0x1  }
0x7b: {  	v1 =	vmul.f32 v2, v1;
	_ =	sdelay $0x1  }
0x7c: {  	v0 =	vmul.f32 v1, v0;
	_ =	sdelay $0x1  }
.Ltmp1:
0x7d: {  	v0 =	vmul.f32 v0, v1;
	(pc) =	sbr.rel @p0 .LBB2_3-.Ltmp1, $3  }
0x7e: {  	_ = 	snop  }
0x7f: {  	v0 =	vsub.f32 $1.500000000e+00, v0;
	_ =	sdelay $0x1  }
0x80: {  	s11 =	sadd.s32 $0x40, s11;
	v0 =	vmul.f32 v0, v1  }
0x81: {  	_ = 	snop  }
0x82: {  	s11 =	sshra.s32 s12, $0x2;
	[tilespmem:s4+$0x200] =	vst v0  }
0x83: {  	v1 =	vld [tilespmem:s11+$0x200];
	_ =	sdelay $0x4  }
0x84: {  	v1 =	vadd.f32 $1.000000000e+00, v1;
	_ =	sdelay $0x1  }
0x85: {  	v2 =	vshra.s32 v1, $0x1;
	v1 =	vmul.f32 $5.000000000e-01, v1  }
0x86: {  	v2 =	vsub.s32 $0x5F3759DF, v2  }
0x87: {  	v3 =	vmul.f32 v2, v1;
	_ =	sdelay $0x1  }
0x88: {  	v3 =	vmul.f32 v2, v3;
	_ =	sdelay $0x1  }
0x89: {  	v3 =	vsub.f32 $1.500000000e+00, v3;
	_ =	sdelay $0x1  }
0x8a: {  	v2 =	vmul.f32 v2, v3;
	_ =	sdelay $0x1  }
0x8b: {  	v3 =	vmul.f32 v2, v1;
	_ =	sdelay $0x1  }
0x8c: {  	v3 =	vmul.f32 v3, v2;
	_ =	sdelay $0x1  }
0x8d: {  	v3 =	vsub.f32 $1.500000000e+00, v3;
	_ =	sdelay $0x1  }
0x8e: {  	v2 =	vmul.f32 v3, v2;
	_ =	sdelay $0x1  }
0x8f: {  	v1 =	vmul.f32 v2, v1;
	_ =	sdelay $0x1  }
0x90: {  	v1 =	vmul.f32 v1, v2;
	_ =	sdelay $0x1  }
0x91: {  	v1 =	vsub.f32 $1.500000000e+00, v1;
	_ =	sdelay $0x1  }
0x92: {  	v42 =	vmul.f32 v0, v0;
	v1 =	vmul.f32 v1, v2;
	_ =	sdelay $0x1  }
0x93: {  	[tilespmem:s4+$0x480] =	vst v42;
	v43 =	vmul.f32 v1, v1  }
0x94: {  	[tilespmem:s11+$0x200] =	vst v1  }
0x95: {  	s23 =	sadd.s32 s5, s8;
	s24 =	simm.s32 $0x200;
	s4 =	simm.s32 $0x1;
	[tilespmem:s11+$0x480] =	vst v43  }
0x96: {  	[spmem:s23] =	stream.linear.scatter [tilespmem:s24], [sflag:$0x1], $0x280, $0x38;
	[tilespmem:$0x3400] =	vst v63  }
0x97: {  	_ =	swait.ge [sflag:s4], $0x280  }
0x98: {  	s25 =	sshrl.u32 s5, $0x3;
	s5 =	simm.s32 $0x0;
	[sflag:s4] =	ssyncset.done $0x0  }
0x99: {  	s26 =	simm.s32 $0x480;
	s6 =	sadd.s32 s6, s25;
	[sflag:s4] =	ssyncadd.s32 $0xFFFFFD80  }
0x9a: {  	[hbm4b:s6+s5] =	stream.linear.scatter [tilespmem:s26], [sflag:$0x1], $0x280, $0x38;
	[tilespmem:$0x3400] =	vst v63  }
0x9b: {  	_ =	swait.ge [sflag:s4], $0x280  }
0x9c: {  	[sflag:s4] =	ssyncset.done $0x0  }
0x9d: {  	[sflag:s4] =	ssyncadd.s32 $0xFFFFFD80  }
0x9e: {  	s6 =	simm.s32 $0x700;
	[bflag:$0x0] =	sbarrier.arrive $0xFFFF  }
0x9f: {  	[tilespmem:s6], [sflag:$0x1] =	stream.linear.gather [spmem:s8], $0x2800, $0x38;
	[tilespmem:$0x3400] =	vst v63  }
0xa0: {  	_ =	swait.ge [sflag:s4], $0x2800  }
0xa1: {  	s10 =	sadd.s32 s7, s10;
	[sflag:s4] =	ssyncset.done $0x0  }
0xa2: {  	s28 =	sadd.s32 $0x0, s10;
	[sflag:s4] =	ssyncadd.s32 $0xFFFFD800  }
0xa3: {  	[tilespmem:s5], [sflag:$0x1] =	stream.linear.gather [hbm4b:s28+s5], $0x50, $0x38;
	[tilespmem:$0x3400] =	vst v63  }
0xa4: {  	_ =	swait.ge [sflag:s4], $0x50  }
0xa5: {  	[sflag:s4] =	ssyncset.done $0x0  }
0xa6: {  	s29 =	sadd.s32 $0x0, s2;
	s8 =	simm.s32 $0x80;
	[sflag:s4] =	ssyncadd.s32 $0xFFFFFFB0  }
0xa7: {  	[tilespmem:s8], [sflag:$0x1] =	stream.linear.gather [hbm4b:s29+s5], $0x50, $0x38;
	[tilespmem:$0x3400] =	vst v63  }
0xa8: {  	_ =	swait.ge [sflag:s4], $0x50  }
0xa9: {  	[sflag:s4] =	ssyncset.done $0x0  }
0xaa: {  	s30 =	sadd.s32 $0x0, s3;
	s11 =	simm.s32 $0x100;
	[sflag:s4] =	ssyncadd.s32 $0xFFFFFFB0  }
0xab: {  	[tilespmem:s11], [sflag:$0x1] =	stream.linear.gather [hbm4b:s30+s5], $0x50, $0x38;
	[tilespmem:$0x3400] =	vst v63  }
0xac: {  	_ =	swait.ge [sflag:s4], $0x50  }
0xad: {  	[sflag:s4] =	ssyncset.done $0x0  }
0xae: {  	[sflag:s4] =	ssyncadd.s32 $0xFFFFFFB0  }
0xaf: {  	v44 =	vld [tilespmem:$0x0];
	_ =	sdelay $0x1  }
0xb0: {  	v45 =	vld [tilespmem:$0x80];
	_ =	sdelay $0x4  }
0xb1: {  	v46 =	vld [tilespmem:$0x100]  }
0xb2: {  	v0 =	vld.idx.msk [tilespmem:v44+s6+$0x0], $0xffff  }
0xb3: {  	v47 =	vld [tilespmem:$0x10]  }
0xb4: {  	v1 =	vld.idx.msk [tilespmem:v45+s6+$0x0], $0xffff;
	_ =	sdelay $0x1  }
0xb5: {  	v4 =	vld [tilespmem:$0x90]  }
0xb6: {  	v0 =	vmul.f32 v46, v0;
	_ =	sdelay $0x1  }
0xb7: {  	v0 =	vmul.f32 v0, v1;
	_ =	sdelay $0x1  }
0xb8: {  	v48 =	vld [tilespmem:$0x110];
	[tilespmem:$0x180] =	vst v0  }
0xb9: {  	v0 =	vld.idx.msk [tilespmem:v47+s6+$0x0], $0xffff  }
0xba: {  	v50 =	vld [tilespmem:$0x20]  }
0xbb: {  	v49 =	vld.idx.msk [tilespmem:v4+s6+$0x0], $0xffff;
	_ =	sdelay $0x1  }
0xbc: {  	v51 =	vld [tilespmem:$0xA0]  }
0xbd: {  	v0 =	vmul.f32 v48, v0;
	_ =	sdelay $0x1  }
0xbe: {  	v0 =	vmul.f32 v0, v49;
	_ =	sdelay $0x1  }
0xbf: {  	v52 =	vld [tilespmem:$0x120];
	[tilespmem:$0x190] =	vst v0  }
0xc0: {  	v0 =	vld.idx.msk [tilespmem:v50+s6+$0x0], $0xffff  }
0xc1: {  	v54 =	vld [tilespmem:$0x30]  }
0xc2: {  	v53 =	vld.idx.msk [tilespmem:v51+s6+$0x0], $0xffff;
	_ =	sdelay $0x1  }
0xc3: {  	v55 =	vld [tilespmem:$0xB0]  }
0xc4: {  	v0 =	vmul.f32 v52, v0;
	_ =	sdelay $0x1  }
0xc5: {  	v0 =	vmul.f32 v0, v53;
	_ =	sdelay $0x1  }
0xc6: {  	v56 =	vld [tilespmem:$0x130];
	[tilespmem:$0x1A0] =	vst v0  }
0xc7: {  	v57 =	vld.idx.msk [tilespmem:v54+s6+$0x0], $0xffff  }
0xc8: {  	v59 =	vld [tilespmem:$0x40]  }
0xc9: {  	v58 =	vld.idx.msk [tilespmem:v55+s6+$0x0], $0xffff;
	_ =	sdelay $0x1  }
0xca: {  	v60 =	vld [tilespmem:$0xC0]  }
0xcb: {  	v0 =	vmul.f32 v56, v57;
	_ =	sdelay $0x1  }
0xcc: {  	v0 =	vmul.f32 v0, v58;
	_ =	sdelay $0x1  }
0xcd: {  	v61 =	vld [tilespmem:$0x140];
	[tilespmem:$0x1B0] =	vst v0  }
0xce: {  	v62 =	vld.idx.msk [tilespmem:v59+s6+$0x0], $0xffff;
	_ =	sdelay $0x1  }
0xcf: {  	v63 =	vld.idx.msk [tilespmem:v60+s6+$0x0], $0xffff;
	_ =	sdelay $0x2  }
0xd0: {  	v0 =	vmul.f32 v61, v62;
	_ =	sdelay $0x1  }
0xd1: {  	v0 =	vmul.f32 v0, v63  }
0xd2: {  	s7 =	sadd.s32 s7, s9  }
0xd3: {  	s9 =	simm.s32 $0x180;
	s31 =	sadd.s32 $0x0, s7;
	[tilespmem:$0x1C0] =	vst v0  }
0xd4: {  	[hbm4b:s31+s5] =	stream.linear.scatter [tilespmem:s9], [sflag:$0x1], $0x50, $0x38;
	[tilespmem:$0x3400] =	vst v63  }
0xd5: {  	_ =	swait.ge [sflag:s4], $0x50  }
0xd6: {  	s12 =	simm.s32 $0xA;
	s15 =	simm.s32 $0x14;
	[sflag:s4] =	ssyncset.done $0x0  }
.LBB2_5:
0xd7: {  	s16 =	sadd.s32 s12, s10  }
0xd8: {  	[sflag:s4] =	ssyncadd.s32 $0xFFFFFFB0;
	s14 =	smov.u32 s15;
	s13 =	sadd.s32 $0xA, s15  }
0xd9: {  	[tilespmem:s5], [sflag:$0x1] =	stream.linear.gather [hbm4b:s16+s5], $0x50, $0x38;
	[tilespmem:$0x3400] =	vst v63  }
0xda: {  	p0 =	sne.s32 s15, $0x4D8;
	_ =	swait.ge [sflag:s4], $0x50  }
0xdb: {  	[sflag:s4] =	ssyncset.done $0x0  }
0xdc: {  	s15 =	sadd.s32 s12, s2;
	[sflag:s4] =	ssyncadd.s32 $0xFFFFFFB0  }
0xdd: {  	[tilespmem:s8], [sflag:$0x1] =	stream.linear.gather [hbm4b:s15+s5], $0x50, $0x38;
	[tilespmem:$0x3400] =	vst v63  }
0xde: {  	_ =	swait.ge [sflag:s4], $0x50  }
0xdf: {  	[sflag:s4] =	ssyncset.done $0x0  }
0xe0: {  	s15 =	sadd.s32 s12, s3;
	[sflag:s4] =	ssyncadd.s32 $0xFFFFFFB0  }
0xe1: {  	[tilespmem:s11], [sflag:$0x1] =	stream.linear.gather [hbm4b:s15+s5], $0x50, $0x38;
	[tilespmem:$0x3400] =	vst v63  }
0xe2: {  	_ =	swait.ge [sflag:s4], $0x50  }
0xe3: {  	[sflag:s4] =	ssyncset.done $0x0  }
0xe4: {  	[sflag:s4] =	ssyncadd.s32 $0xFFFFFFB0  }
0xe5: {  	v0 =	vld [tilespmem:$0x0]  }
0xe6: {  	v1 =	vld [tilespmem:$0x80];
	_ =	sdelay $0x6  }
0xe7: {  	v0 =	vld.idx.msk [tilespmem:v0+s6+$0x0], $0xffff  }
0xe8: {  	v2 =	vld [tilespmem:$0x100]  }
0xe9: {  	v1 =	vld.idx.msk [tilespmem:v1+s6+$0x0], $0xffff  }
0xea: {  	v3 =	vld [tilespmem:$0x10];
	_ =	sdelay $0x1  }
0xeb: {  	v4 =	vld [tilespmem:$0x90]  }
0xec: {  	v0 =	vmul.f32 v2, v0;
	_ =	sdelay $0x1  }
0xed: {  	v0 =	vmul.f32 v0, v1;
	_ =	sdelay $0x1  }
0xee: {  	[tilespmem:$0x180] =	vst v0  }
0xef: {  	v0 =	vld.idx.msk [tilespmem:v3+s6+$0x0], $0xffff  }
0xf0: {  	v1 =	vld [tilespmem:$0x110]  }
0xf1: {  	v2 =	vld.idx.msk [tilespmem:v4+s6+$0x0], $0xffff  }
0xf2: {  	v3 =	vld [tilespmem:$0x20];
	_ =	sdelay $0x1  }
0xf3: {  	v4 =	vld [tilespmem:$0xA0]  }
0xf4: {  	v0 =	vmul.f32 v1, v0;
	_ =	sdelay $0x1  }
0xf5: {  	v0 =	vmul.f32 v0, v2;
	_ =	sdelay $0x1  }
0xf6: {  	[tilespmem:$0x190] =	vst v0  }
0xf7: {  	v0 =	vld.idx.msk [tilespmem:v3+s6+$0x0], $0xffff  }
0xf8: {  	v1 =	vld [tilespmem:$0x120]  }
0xf9: {  	v2 =	vld.idx.msk [tilespmem:v4+s6+$0x0], $0xffff  }
0xfa: {  	v3 =	vld [tilespmem:$0x30]  }
0xfb: {  	v4 =	vld [tilespmem:$0xB0];
	_ =	sdelay $0x1  }
0xfc: {  	v0 =	vmul.f32 v1, v0;
	_ =	sdelay $0x1  }
0xfd: {  	v0 =	vmul.f32 v0, v2;
	_ =	sdelay $0x1  }
0xfe: {  	[tilespmem:$0x1A0] =	vst v0;
	v0 =	vld [tilespmem:$0x130]  }
0xff: {  	v1 =	vld.idx.msk [tilespmem:v3+s6+$0x0], $0xffff  }
0x100: {  	v2 =	vld.idx.msk [tilespmem:v4+s6+$0x0], $0xffff;
	_ =	sdelay $0x1  }
0x101: {  	v3 =	vld [tilespmem:$0x40]  }
0x102: {  	v4 =	vld [tilespmem:$0xC0];
	_ =	sdelay $0x1  }
0x103: {  	v0 =	vmul.f32 v0, v1;
	_ =	sdelay $0x1  }
0x104: {  	v0 =	vmul.f32 v0, v2;
	_ =	sdelay $0x1  }
0x105: {  	[tilespmem:$0x1B0] =	vst v0;
	v0 =	vld [tilespmem:$0x140]  }
0x106: {  	v1 =	vld.idx.msk [tilespmem:v3+s6+$0x0], $0xffff  }
0x107: {  	v2 =	vld.idx.msk [tilespmem:v4+s6+$0x0], $0xffff;
	_ =	sdelay $0x4  }
0x108: {  	v0 =	vmul.f32 v0, v1;
	_ =	sdelay $0x1  }
0x109: {  	v0 =	vmul.f32 v0, v2  }
.Ltmp2:
0x10a: {  	(pc) =	sbr.rel @p0 .LBB2_5-.Ltmp2, $4  }
0x10b: {  	s15 =	sadd.s32 s12, s7;
	s12 =	smov.u32 s14;
	[tilespmem:$0x1C0] =	vst v0  }
0x10c: {  	[hbm4b:s15+s5] =	stream.linear.scatter [tilespmem:s9], [sflag:$0x1], $0x50, $0x38;
	[tilespmem:$0x3400] =	vst v63  }
0x10d: {  	_ =	swait.ge [sflag:s4], $0x50  }
0x10e: {  	s15 =	smov.u32 s13;
	[sflag:s4] =	ssyncset.done $0x0  }
0x10f: {  	s10 =	sadd.s32 s12, s10;
	[sflag:s4] =	ssyncadd.s32 $0xFFFFFFB0  }
0x110: {  	[tilespmem:s5], [sflag:$0x1] =	stream.linear.gather [hbm4b:s10+s5], $0x50, $0x38;
	[tilespmem:$0x3400] =	vst v63  }
0x111: {  	_ =	swait.ge [sflag:s4], $0x50  }
0x112: {  	[sflag:s4] =	ssyncset.done $0x0  }
0x113: {  	s2 =	sadd.s32 s12, s2;
	[sflag:s4] =	ssyncadd.s32 $0xFFFFFFB0  }
0x114: {  	[tilespmem:s8], [sflag:$0x1] =	stream.linear.gather [hbm4b:s2+s5], $0x50, $0x38;
	[tilespmem:$0x3400] =	vst v63  }
0x115: {  	_ =	swait.ge [sflag:s4], $0x50  }
0x116: {  	[sflag:s4] =	ssyncset.done $0x0  }
0x117: {  	s30 =	sadd.s32 s12, s3;
	[sflag:s4] =	ssyncadd.s32 $0xFFFFFFB0  }
0x118: {  	[tilespmem:s11], [sflag:$0x1] =	stream.linear.gather [hbm4b:s30+s5], $0x50, $0x38;
	[tilespmem:$0x3400] =	vst v63  }
0x119: {  	_ =	swait.ge [sflag:s4], $0x50  }
0x11a: {  	[sflag:s4] =	ssyncset.done $0x0  }
0x11b: {  	[sflag:s4] =	ssyncadd.s32 $0xFFFFFFB0  }
0x11c: {  	v0 =	vld [tilespmem:$0x0];
	_ =	sdelay $0x1  }
0x11d: {  	v1 =	vld [tilespmem:$0x80];
	_ =	sdelay $0x4  }
0x11e: {  	v2 =	vld [tilespmem:$0x100]  }
0x11f: {  	v0 =	vld.idx.msk [tilespmem:v0+s6+$0x0], $0xffff  }
0x120: {  	v3 =	vld [tilespmem:$0x10]  }
0x121: {  	v1 =	vld.idx.msk [tilespmem:v1+s6+$0x0], $0xffff;
	_ =	sdelay $0x1  }
0x122: {  	v4 =	vld [tilespmem:$0x90]  }
0x123: {  	v0 =	vmul.f32 v2, v0;
	_ =	sdelay $0x1  }
0x124: {  	v0 =	vmul.f32 v0, v1;
	_ =	sdelay $0x1  }
0x125: {  	v48 =	vld [tilespmem:$0x110];
	[tilespmem:$0x180] =	vst v0  }
0x126: {  	v0 =	vld.idx.msk [tilespmem:v3+s6+$0x0], $0xffff  }
0x127: {  	v50 =	vld [tilespmem:$0x20]  }
0x128: {  	v49 =	vld.idx.msk [tilespmem:v4+s6+$0x0], $0xffff;
	_ =	sdelay $0x1  }
0x129: {  	v51 =	vld [tilespmem:$0xA0]  }
0x12a: {  	v0 =	vmul.f32 v48, v0;
	_ =	sdelay $0x1  }
0x12b: {  	v0 =	vmul.f32 v0, v49;
	_ =	sdelay $0x1  }
0x12c: {  	v52 =	vld [tilespmem:$0x120];
	[tilespmem:$0x190] =	vst v0  }
0x12d: {  	v0 =	vld.idx.msk [tilespmem:v50+s6+$0x0], $0xffff  }
0x12e: {  	v54 =	vld [tilespmem:$0x30]  }
0x12f: {  	v53 =	vld.idx.msk [tilespmem:v51+s6+$0x0], $0xffff;
	_ =	sdelay $0x1  }
0x130: {  	v55 =	vld [tilespmem:$0xB0]  }
0x131: {  	v0 =	vmul.f32 v52, v0;
	_ =	sdelay $0x1  }
0x132: {  	v0 =	vmul.f32 v0, v53;
	_ =	sdelay $0x1  }
0x133: {  	v56 =	vld [tilespmem:$0x130];
	[tilespmem:$0x1A0] =	vst v0  }
0x134: {  	v57 =	vld.idx.msk [tilespmem:v54+s6+$0x0], $0xffff  }
0x135: {  	v59 =	vld [tilespmem:$0x40]  }
0x136: {  	v58 =	vld.idx.msk [tilespmem:v55+s6+$0x0], $0xffff;
	_ =	sdelay $0x1  }
0x137: {  	v60 =	vld [tilespmem:$0xC0]  }
0x138: {  	v0 =	vmul.f32 v56, v57;
	_ =	sdelay $0x1  }
0x139: {  	v0 =	vmul.f32 v0, v58;
	_ =	sdelay $0x1  }
0x13a: {  	v61 =	vld [tilespmem:$0x140];
	[tilespmem:$0x1B0] =	vst v0  }
0x13b: {  	v62 =	vld.idx.msk [tilespmem:v59+s6+$0x0], $0xffff;
	_ =	sdelay $0x1  }
0x13c: {  	v63 =	vld.idx.msk [tilespmem:v60+s6+$0x0], $0xffff;
	_ =	sdelay $0x2  }
0x13d: {  	v0 =	vmul.f32 v61, v62;
	_ =	sdelay $0x1  }
0x13e: {  	v0 =	vmul.f32 v0, v63;
	_ =	sdelay $0x1  }
0x13f: {  	s31 =	sadd.s32 s12, s7;
	[tilespmem:$0x1C0] =	vst v0  }
0x140: {  	[hbm4b:s31+s5] =	stream.linear.scatter [tilespmem:s9], [sflag:$0x1], $0x50, $0x38;
	[tilespmem:$0x3400] =	vst v63  }
0x141: {  	_ =	swait.ge [sflag:s4], $0x50  }
0x142: {  	[sflag:s4] =	ssyncset.done $0x0  }
0x143: {  	[sflag:s4] =	ssyncadd.s32 $0xFFFFFFB0  }
0x144: {  	_ =	sfence.sel $0x180000  }
0x145: {  	[bflag:$0x0] =	sbarrier.arrive $0xFFFF  }
0x146: {  	p0 =	sne.s32 s1, $0x0;
	_ =	strace $0x90000047  }
0x147: {  	s0 =	sadd.s32 @!p0 $0x100000, s0;
	[bflag:$0x2] =	sbarrier.arrive $0xFFFF  }
0x148: {  	[sflag:s0] =	ssyncadd.tile.s32 @!p0 $0x1;
	_ =	shalt  }
.Lfunc_end2:
_tile_overlayer_lowered:
.L_overlay_start_2:
0x149: {  	(tag) =	ssettag $0x2  }
0x14a: {  	s0 =	rddreg [dreg:$0x0];
	s2 =	stileid.u32  }
0x14b: {  	s1 =	rddreg [dreg:$0x1];
	p0 =	sne.s32 s2, $0x0  }
0x14c: {  	s3 =	rddreg [dreg:$0x2];
	[bflag:$0x3] =	sbarrier.arrive $0xFFFF;
	s2 =	simm.s32 @!p0 $0x1C01  }
0x14d: {  	[timem:s3], [sflag:s2] =	dma.local @!p0 [hbm:s0], s1  }
0x14e: {  	s0 =	simm.s32 @!p0 $0x1  }
0x14f: {  	_ =	swait.ge @!p0 [sflag:s0], s1  }
0x150: {  	s1 =	ssub.s32 @!p0 $0x0, s1;
	[sflag:s0] =	ssyncset.done @!p0 $0x0  }
0x151: {  	[sflag:s0] =	ssyncadd.s32 @!p0 s1  }
0x152: {  	[bflag:$0x3] =	sbarrier.arrive $0xFFFF  }
0x153: {  	_ =	shalt  }

// kernel: kernel.13.cloned.1.call-start
scs
__scs_entry_jumppad:
0x0: {  	(pc) =	sbr.rel $0x88, $3  }
0x1: {  	(tag) =	ssettag $0x0;
	lr =	simm.s32 $0x1  }
0x2: {  	[smem:$0x3F91] =	sst lr;
	_ =	strace $0xD0000000  }
0x3: {  	_ = 	snop  }
0x4: {  	_ = 	snop  }
0x5: {  	_ = 	snop  }
0x6: {  	_ = 	snop  }
0x7: {  	_ = 	snop  }
__scs_overlays_trampoline_lowered:
0x8: {  	[smem:$0x3FA0] =	sst s0  }
0x9: {  	[smem:$0x3FA1] =	sst s1  }
0xa: {  	[smem:$0x3FA2] =	sst s2  }
0xb: {  	[smem:$0x3FA3] =	sst s3  }
0xc: {  	[smem:$0x3FA4] =	sst s4  }
0xd: {  	[smem:$0x3FA5] =	sst s5  }
0xe: {  	[smem:$0x3FA6] =	sst s6  }
0xf: {  	[smem:$0x3FA7] =	sst s7  }
0x10: {  	[smem:$0x3FA8] =	sst s8  }
0x11: {  	[smem:$0x3FA9] =	sst s9;
	s0 =	simm.s32 @!p0 $0x0  }
0x12: {  	s1 =	sld [smem:$0x3F8F];
	s0 =	simm.s32 @p0 $0x1  }
0x13: {  	[smem:$0x3FAA] =	sst s0;
	s0 =	simm.s32 @!p1 $0x0  }
0x14: {  	s2 =	sld [smem:$0x3F8E];
	s0 =	simm.s32 @p1 $0x1  }
0x15: {  	[smem:$0x3FAB] =	sst s0;
	s0 =	simm.s32 @!p2 $0x0  }
0x16: {  	s3 =	sld [smem:$0x3FDB];
	s0 =	simm.s32 @p2 $0x1  }
0x17: {  	s4 =	simm.s32 $0x1BF5;
	[smem:$0x3FAD] =	sst s0  }
0x18: {  	s0 =	sld [smem:$0x3F90];
	_ =	swait.ge [sflag:s4], $0x0  }
0x19: {  	s7 =	sld [smem:$0x3F91]  }
0x1a: {  	s8 =	sadd.s32 $0xFFFFE003, lr  }
0x1b: {  	s9 =	sadd.s32 $0xFFFFFEF7, lr;
	s5 =	simm.s32 $0xFFFFFFFF;
	p2 =	slt.u32 s8, $0xFFFFF086  }
0x1c: {  	p1 =	slt.u32 s9, $0xF7A;
	s5 =	simm.s32 @!p2 $0x0  }
0x1d: {  	s5 =	simm.s32 @p1 $0x1;
	p0 =	seq.s32 s7, s2  }
0x1e: {  	s7 =	smul.u32 @!p0 $0xF7A, s2;
	p2 =	seq.s32 @!p0 s5, $0x0  }
0x1f: {  	s9 =	smul.u32 $0xF7A, s1;
	s8 =	simm.s32 @!p0 $0x1BF5;
	p2 =	por !p2, p0  }
0x20: {  	[sflag:s8] =	ssyncset.s32 @!p0 $0xFFFFF086;
	s6 =	sadd.s32 @!p0 s3, s7;
	s7 =	simm.s32 @!p0 $0x108  }
0x21: {  	s3 =	sadd.s32 s3, s9;
	s6 =	sadd.s32 @!p0 $0x88, s6;
	s7 =	simm.s32 @p2 $0x1082  }
0x22: {  	[simem:s7], [sflag:s8] =	dma.local @!p0 [hbm:s6], $0xF7A  }
0x23: {  	s9 =	sor.u32 $0xD0000000, s2;
	s6 =	simm.s32 $0x108;
	_ =	swait.ge @!p0 [sflag:s8], $0x0  }
0x24: {  	s3 =	sadd.s32 $0x88, s3;
	s6 =	simm.s32 @!p1 $0x1082;
	[sflag:s4] =	ssyncset.s32 $0xFFFFF086  }
0x25: {  	[simem:s6], [sflag:s4] =	dma.local [hbm:s3], $0xF7A  }
0x26: {  	[smem:$0x3F91] =	sst s1;
	(tag) =	ssettag s2;
	_ =	strace s9  }
0x27: {  	s1 =	sld [smem:$0x3FA1]  }
0x28: {  	s2 =	sld [smem:$0x3FA2]  }
0x29: {  	s4 =	sld [smem:$0x3FA4]  }
0x2a: {  	p0 =	seq.s32 s5, $0x0;
	s5 =	sld [smem:$0x3FA5]  }
0x2b: {  	s6 =	sld [smem:$0x3FA6]  }
0x2c: {  	s7 =	sld [smem:$0x3FA7]  }
0x2d: {  	s3 =	simm.s32 $0x108;
	s8 =	sld [smem:$0x3FA8]  }
0x2e: {  	s3 =	simm.s32 @!p0 $0x1082;
	s9 =	sld [smem:$0x3FA9]  }
0x2f: {  	lr =	sadd.s32 s0, s3;
	s0 =	sld [smem:$0x3FA0]  }
0x30: {  	s3 =	sld [smem:$0x3FA3]  }
0x31: {  	[smem:$0x3FAC] =	sst s10  }
0x32: {  	s10 =	sld [smem:$0x3FAA];
	_ =	sdelay $0x3  }
0x33: {  	p0 =	seq.s32 s10, $0x1;
	s10 =	sld [smem:$0x3FAC];
	_ =	sdelay $0x3  }
0x34: {  	[smem:$0x3FAC] =	sst s10  }
0x35: {  	s10 =	sld [smem:$0x3FAB];
	_ =	sdelay $0x3  }
0x36: {  	p1 =	seq.s32 s10, $0x1;
	s10 =	sld [smem:$0x3FAC];
	_ =	sdelay $0x3  }
0x37: {  	[smem:$0x3FAC] =	sst s10  }
0x38: {  	s10 =	sld [smem:$0x3FAD]  }
0x39: {  	_ = 	snop;
	(pc) =	sbr.ind lr, $3  }
0x3a: {  	_ = 	snop  }
0x3b: {  	_ = 	snop  }
0x3c: {  	p2 =	seq.s32 s10, $0x1;
	s10 =	sld [smem:$0x3FAC]  }
0x3d: {  	_ =	shalt  }
0x3e: {  	_ =	shalt  }
0x3f: {  	_ =	shalt  }
0x40: {  	_ =	shalt  }
0x41: {  	_ =	shalt  }
0x42: {  	_ =	shalt  }
0x43: {  	_ =	shalt  }
0x44: {  	_ =	shalt  }
0x45: {  	_ =	shalt  }
0x46: {  	_ =	shalt  }
0x47: {  	_ =	shalt  }
0x48: {  	_ =	shalt  }
0x49: {  	_ =	shalt  }
0x4a: {  	_ =	shalt  }
0x4b: {  	_ =	shalt  }
0x4c: {  	_ =	shalt  }
0x4d: {  	_ =	shalt  }
0x4e: {  	_ =	shalt  }
0x4f: {  	_ =	shalt  }
0x50: {  	_ =	shalt  }
0x51: {  	_ =	shalt  }
0x52: {  	_ =	shalt  }
0x53: {  	_ =	shalt  }
0x54: {  	_ =	shalt  }
0x55: {  	_ =	shalt  }
0x56: {  	_ =	shalt  }
0x57: {  	_ =	shalt  }
0x58: {  	_ =	shalt  }
0x59: {  	_ =	shalt  }
0x5a: {  	_ =	shalt  }
0x5b: {  	_ =	shalt  }
0x5c: {  	_ =	shalt  }
0x5d: {  	_ =	shalt  }
0x5e: {  	_ =	shalt  }
0x5f: {  	_ =	shalt  }
0x60: {  	_ =	shalt  }
0x61: {  	_ =	shalt  }
0x62: {  	_ =	shalt  }
0x63: {  	_ =	shalt  }
0x64: {  	_ =	shalt  }
0x65: {  	_ =	shalt  }
0x66: {  	_ =	shalt  }
0x67: {  	_ =	shalt  }
0x68: {  	_ =	shalt  }
0x69: {  	_ =	shalt  }
0x6a: {  	_ =	shalt  }
0x6b: {  	_ =	shalt  }
0x6c: {  	_ =	shalt  }
0x6d: {  	_ =	shalt  }
0x6e: {  	_ =	shalt  }
0x6f: {  	_ =	shalt  }
0x70: {  	_ =	shalt  }
0x71: {  	_ =	shalt  }
0x72: {  	_ =	shalt  }
0x73: {  	_ =	shalt  }
0x74: {  	_ =	shalt  }
0x75: {  	_ =	shalt  }
0x76: {  	_ =	shalt  }
0x77: {  	_ =	shalt  }
0x78: {  	_ =	shalt  }
0x79: {  	_ =	shalt  }
0x7a: {  	_ =	shalt  }
0x7b: {  	_ =	shalt  }
0x7c: {  	_ =	shalt  }
0x7d: {  	_ =	shalt  }
0x7e: {  	_ =	shalt  }
0x7f: {  	_ =	shalt  }
0x80: {  	_ =	shalt  }
0x81: {  	_ =	shalt  }
0x82: {  	_ =	shalt  }
0x83: {  	_ =	shalt  }
0x84: {  	_ =	shalt  }
0x85: {  	_ =	shalt  }
0x86: {  	_ =	shalt  }
0x87: {  	_ =	shalt  }
.Lfunc_end0:
.L_simem_size_0:
called_computation.1_lowered:
.L_overlay_start_0:
0x88: {  	s2 =	sld [smem:$0x3FD9]  }
0x89: {  	s3 =	sld [smem:$0x3FFE];
	_ =	sdelay $0x1  }
0x8a: {  	s1 =	srdreg.scid  }
0x8b: {  	s0 =	sand.u32 $0x1, s1  }
0x8c: {  	s16 =	sshll.u32 s0, $0xA;
	s2 =	sadd.s32 s3, s2  }
0x8d: {  	s2 =	sadd.s32 s2, s16  }
0x8e: {  	[smem:$0x3FB8] =	sst s2  }
0x8f: {  	_ = 	snop  }
0x90: {  	(tm) =	ssettm $0x1  }
0x91: {  	s17 =	sld [smem:$0x3FFB];
	_ =	sdelay $0x3  }
0x92: {  	_ =	strace s17  }
0x93: {  	s2 =	sld [smem:$0x3FFC];
	_ =	sdelay $0x3  }
0x94: {  	_ =	strace s2  }
0x95: {  	s2 =	sld [smem:$0x3FFD];
	_ =	sdelay $0x3  }
0x96: {  	_ =	strace s2  }
0x97: {  	_ =	strace $0x8FFFFFFF  }
0x98: {  	s18 =	sld [smem:$0x3FDB];
	_ =	sdelay $0x1  }
0x99: {  	s19 =	simm.s32 $_scs_section_size  }
0x9a: {  	s4 =	simm.s32 $_size__tile_overlayer_lowered;
	s5 =	simm.s32 $_tile_overlayer_lowered  }
0x9b: {  	s22 =	simm.s32 $0x1BFF;
	s21 =	sshll.u32 s5, $0x1;
	s2 =	sadd.s32 s19, s18  }
0x9c: {  	s6 =	simm.s32 $0x0;
	s20 =	sshll.u32 s4, $0x1;
	s4 =	sadd.s32 s21, s2  }
0x9d: {  	[timem:s6], [sflag:s22] =	dma.local [hbm:s4], s20  }
0x9e: {  	_ =	swait.ge [sflag:s22], s20  }
0x9f: {  	s3 =	ssub.s32 $0x0, s20;
	[sflag:s22] =	ssyncset.done $0x0  }
0xa0: {  	[sflag:s22] =	ssyncadd.s32 s3;
	_ =	sdelay $0x1  }
0xa1: {  	s23 =	simm.s32 $0x1B8B  }
0xa2: {  	_ =	swait.ge [sflag:s23], $0x1  }
0xa3: {  	[sflag:s23] =	ssyncset.done $0x0  }
0xa4: {  	s25 =	simm.s32 $0x1B8E;
	s24 =	sld [smem:$0x3FFE];
	[sflag:s23] =	ssyncadd.s32 $0xFFFFFFFF  }
0xa5: {  	s26 =	simm.s32 $execute0_lowered;
	[smem:$0x3FD2] =	sst s25  }
0xa6: {  	s4 =	sshll.u32 s26, $0x1;
	_ =	strace $0x80000049;
	[dreg:$0x1] =	wrdreg $0xFFFFFFFF  }
0xa7: {  	s28 =	simm.s32 $_size_execute0_lowered;
	s2 =	sadd.s32 s2, s4;
	[dreg:$0x0] =	wrdreg $0x0  }
0xa8: {  	s4 =	sshll.u32 s28, $0x1;
	[dreg:$0x2] =	wrdreg s2  }
0xa9: {  	[dreg:$0x3] =	wrdreg s4  }
0xaa: {  	[dreg:$0x4] =	wrdreg $0xC0  }
0xab: {  	_ =	task [dreg:s6], $0x5FFFF  }
0xac: {  	[dreg:$0x1] =	wrdreg $0xFFFFFFFF  }
0xad: {  	[dreg:$0x0] =	wrdreg $0x60  }
0xae: {  	[dreg:$0x2] =	wrdreg s24  }
0xaf: {  	[dreg:$0x3] =	wrdreg $0x55800  }
0xb0: {  	[dreg:$0x4] =	wrdreg $0x9  }
0xb1: {  	_ =	task.clear_ibuf [dreg:s6], $0x5FFFF;
	_ =	strace $0x90000049  }
0xb2: {  	s29 =	simm.s32 $0x9;
	_ =	strace $0x8000004B  }
0xb3: {  	_ =	swait.ge [sflag:s29], $0x1  }
0xb4: {  	[sflag:s29] =	ssyncadd.s32 $0xFFFFFFFF  }
0xb5: {  	_ =	strace $0x9000004B  }
0xb6: {  	_ =	sfence  }
0xb7: {  	s30 =	sld [smem:$0x0];
	_ =	sdelay $0x2  }
0xb8: {  	s31 =	sshll.u32 s1, $0xD;
	s1 =	sshrl.u32 s1, $0x2  }
0xb9: {  	s3 =	sand.u32 $0x4000, s31;
	s1 =	sadd.s32 s1, s30  }
0xba: {  	s0 =	sor.u32 s3, s0;
	s1 =	sshll.u32 s1, $0x11  }
0xbb: {  	s0 =	sor.u32 s1, s0  }
0xbc: {  	s0 =	sadd.s32 $0x8F2B, s0  }
0xbd: {  	[sflag:s0] =	ssyncadd.remote.s32 $0x1  }
0xbe: {  	_ =	sfence.sel $0xFFFF  }
0xbf: {  	[dreg:$0x0] =	wrdreg $0xFFFFFFFF;
	(pc) =	sbr.abs _section_cstart, $3  }
0xc0: {  	[dreg:$0x1] =	wrdreg $0xFFFFFFFF  }
0xc1: {  	_ =	task.clear_ibuf [dreg:s6], $0x2FFFF;
	_ =	strace $0x9FFFFFFF  }
0xc2: {  	(tm) =	ssettm $0x7FFFFFFF  }
0xc3: {  	_ =	shalt  }
tec
execute0_lowered:
.L_overlay_start_1:
0x0: {  	(tag) =	ssettag $0x1  }
0x1: {  	s7 =	rddreg [dreg:$0x0]  }
0x2: {  	s1 =	rddreg [dreg:$0x1]  }
0x3: {  	s0 =	rddreg [dreg:$0x2];
	s3 =	simm.s32 $0x0  }
0x4: {  	s4 =	srdreg.scid;
	s2 =	stileid.u32;
	s16 =	simm.s32 $0x2  }
0x5: {  	s17 =	simm.s32 $0x80;
	s18 =	simm.s32 $0x100;
	s19 =	simm.s32 $0x28  }
0x6: {  	s20 =	simm.s32 $0x180;
	s21 =	simm.s32 $0x1;
	s9 =	smul.u32 $0x50000, s2  }
0x7: {  	[smem:$0x7FF] =	sst s3;
	s8 =	sand.u32 $0x1, s4;
	s12 =	smul.u32 $0x2710, s2  }
0x8: {  	s4 =	sadd.s32 $0x8C00, s7;
	s5 =	sadd.s32 $0x3C00, s7;
	s23 =	smul.u32 $0x2800, s2  }
0x9: {  	s6 =	sadd.s32 $0xDC00, s7;
	s10 =	smul.u32 $0x28000, s8;
	s8 =	ssub.s32 $0x2, s8  }
0xa: {  	_ =	strace $0x8000004A;
	s9 =	sshrl.u32 s9, $0x2;
	s31 =	sshrl.u32 s8, $0x1  }
0xb: {  	s14 =	sadd.s32 s10, s7;
	s7 =	sadd.s32 s9, s1;
	s15 =	ssub.s32 s8, s31  }
0xc: {  	s8 =	sadd.s32 $0x4000, s7;
	s9 =	sadd.s32 $0x8000, s7;
	s10 =	sadd.s32 $0xC000, s7  }
0xd: {  	s11 =	sadd.s32 $0x10000, s7;
	s13 =	sadd.s32 $0x13200, s14;
	s22 =	sadd.s32 $0x63200, s14  }
0xe: {  	v0 =	vimm.f32 $0.0e+00;
	s14 =	smax.u32 s15, $0x1;
	s15 =	simm.s32 $0x1580;
	s22 =	sadd.s32 s23, s22  }
.LBB2_1:
0xf: {  	s23 =	simm.s32 $0x0;
	s24 =	simm.s32 $0x200  }
.LBB2_2:
0x10: {  	p0 =	sne.s32 s24, $0xFE00;
	[tilespmem:s23+$0x15F0] =	vst v0  }
0x11: {  	[tilespmem:s23+$0x1580] =	vst v0  }
0x12: {  	[tilespmem:s23+$0x1590] =	vst v0  }
.Ltmp0:
0x13: {  	[tilespmem:s23+$0x15A0] =	vst v0;
	(pc) =	sbr.rel @p0 .LBB2_2-.Ltmp0, $4  }
0x14: {  	[tilespmem:s23+$0x15B0] =	vst v0  }
0x15: {  	[tilespmem:s23+$0x15C0] =	vst v0  }
0x16: {  	[tilespmem:s23+$0x15D0] =	vst v0  }
0x17: {  	[tilespmem:s23+$0x15E0] =	vst v0;
	s23 =	sshra.s32 s24, $0x2;
	s24 =	sadd.s32 $0x200, s24  }
0x18: {  	[tilespmem:s23+$0x15F0] =	vst v0  }
0x19: {  	[tilespmem:s23+$0x1580] =	vst v0  }
0x1a: {  	[tilespmem:s23+$0x1590] =	vst v0  }
0x1b: {  	[tilespmem:s23+$0x15A0] =	vst v0  }
0x1c: {  	[tilespmem:s23+$0x15B0] =	vst v0  }
0x1d: {  	[tilespmem:s23+$0x15C0] =	vst v0  }
0x1e: {  	[tilespmem:s23+$0x15D0] =	vst v0  }
0x1f: {  	[tilespmem:s23+$0x15E0] =	vst v0  }
0x20: {  	[spmem:s7] =	stream.linear.scatter [tilespmem:s15], [sflag:$0x2], $0x4000, $0x38;
	[tilespmem:$0x19580] =	vst v63  }
0x21: {  	_ =	swait.ge [sflag:s16], $0x4000  }
0x22: {  	[sflag:s16] =	ssyncset.done $0x0  }
0x23: {  	[sflag:s16] =	ssyncadd.s32 $0xFFFFC000  }
0x24: {  	[spmem:s8] =	stream.linear.scatter [tilespmem:s15], [sflag:$0x2], $0x4000, $0x38;
	[tilespmem:$0x19580] =	vst v63  }
0x25: {  	_ =	swait.ge [sflag:s16], $0x4000  }
0x26: {  	[sflag:s16] =	ssyncset.done $0x0  }
0x27: {  	[sflag:s16] =	ssyncadd.s32 $0xFFFFC000  }
0x28: {  	[spmem:s9] =	stream.linear.scatter [tilespmem:s15], [sflag:$0x2], $0x4000, $0x38;
	[tilespmem:$0x19580] =	vst v63  }
0x29: {  	_ =	swait.ge [sflag:s16], $0x4000  }
0x2a: {  	[sflag:s16] =	ssyncset.done $0x0  }
0x2b: {  	[sflag:s16] =	ssyncadd.s32 $0xFFFFC000  }
0x2c: {  	[spmem:s10] =	stream.linear.scatter [tilespmem:s15], [sflag:$0x2], $0x4000, $0x38;
	[tilespmem:$0x19580] =	vst v63  }
0x2d: {  	_ =	swait.ge [sflag:s16], $0x4000  }
0x2e: {  	[sflag:s16] =	ssyncset.done $0x0  }
0x2f: {  	[sflag:s16] =	ssyncadd.s32 $0xFFFFC000  }
0x30: {  	[spmem:s11] =	stream.linear.scatter [tilespmem:s15], [sflag:$0x2], $0x4000, $0x38;
	[tilespmem:$0x19580] =	vst v63  }
0x31: {  	_ =	swait.ge [sflag:s16], $0x4000  }
0x32: {  	[sflag:s16] =	ssyncset.done $0x0  }
0x33: {  	[sflag:s16] =	ssyncadd.s32 $0xFFFFC000  }
0x34: {  	s23 =	simm.s32 $0x0;
	s24 =	simm.s32 $0x0;
	[bflag:$0x0] =	sbarrier.arrive $0xFFFF  }
.LBB2_4:
0x35: {  	s25 =	smul.u32 $0x28, s24;
	_ =	sdelay $0x1  }
0x36: {  	s25 =	sadd.s32 s12, s25  }
0x37: {  	s25 =	sshrl.u32 s25, $0x3  }
0x38: {  	s26 =	sadd.s32 s4, s25  }
0x39: {  	[tilespmem:s23], [sflag:$0x2] =	stream.linear.gather [hbm4b:s26+s23], $0x28, $0x38;
	[tilespmem:$0x19580] =	vst v63  }
0x3a: {  	_ =	swait.ge [sflag:s16], $0x28  }
0x3b: {  	[sflag:s16] =	ssyncset.done $0x0  }
0x3c: {  	s31 =	sadd.s32 s5, s25;
	[sflag:s16] =	ssyncadd.s32 $0xFFFFFFD8  }
0x3d: {  	[tilespmem:s17], [sflag:$0x2] =	stream.linear.gather [hbm4b:s31+s23], $0x28, $0x38;
	[tilespmem:$0x19580] =	vst v63  }
0x3e: {  	_ =	swait.ge [sflag:s16], $0x28  }
0x3f: {  	[sflag:s16] =	ssyncset.done $0x0  }
0x40: {  	s25 =	sadd.s32 s6, s25;
	[sflag:s16] =	ssyncadd.s32 $0xFFFFFFD8  }
0x41: {  	[tilespmem:s18], [sflag:$0x2] =	stream.linear.gather [hbm4b:s25+s23], $0x28, $0x38;
	[tilespmem:$0x19580] =	vst v63  }
0x42: {  	_ =	swait.ge [sflag:s16], $0x28  }
0x43: {  	[sflag:s16] =	ssyncset.done $0x0  }
0x44: {  	[sflag:s16] =	ssyncadd.s32 $0xFFFFFFD8  }
0x45: {  	[tilespmem:s20], [sflag:$0x1] =	stream.indirect.gather [hbm4b:s13+s19], $0x80, s23, s19, $0xb8;
	[tilespmem:$0x19580] =	vst v63  }
0x46: {  	_ =	swait.ge [sflag:s21], $0x1400  }
0x47: {  	v1 =	vmov s23;
	[sflag:s21] =	ssyncset.done $0x0  }
0x48: {  	s25 =	simm.s32 $0x1C0;
	[sflag:s21] =	ssyncadd.s32 $0xFFFFEC00  }
0x49: {  	v5 =	vld [tilespmem:s25+$0x30]  }
0x4a: {  	v8 =	vld [tilespmem:s25+$0x10]  }
0x4b: {  	v6 =	vld [tilespmem:s25+$0xFFFFFFC0]  }
0x4c: {  	v2 =	vld.idx.msk [tilespmem:v1+s18+$0x0], $0xffff  }
0x4d: {  	v10 =	vld [tilespmem:s25+$0xFFFFFFE0]  }
0x4e: {  	v1 =	vld [tilespmem:s25+$0xFFFFFFF0]  }
0x4f: {  	v3 =	vld [tilespmem:s25+$0x20]  }
0x50: {  	v4 =	vld [tilespmem:s25+$0xFFFFFFD0]  }
0x51: {  	v9 =	vmul.f32 v5, v2;
	v5 =	vld [tilespmem:s25+$0x0]  }
0x52: {  	v7 =	vmul.f32 v6, v2  }
0x53: {  	s28 =	simm.s32 $0x1C0;
	s26 =	simm.s32 $0x1;
	v6 =	vmul.f32 v10, v2;
	v8 =	vmul.f32 v8, v2  }
.LBB2_5:
0x54: {  	p0 =	sne.s32 s26, $0x27  }
0x55: {  	v4 =	vmul.f32 v4, v2;
	v3 =	vmul.f32 v3, v2;
	[tilespmem:s25+$0x30] =	vst v9;
	s28 =	sadd.s32 $0x80, s28;
	s29 =	smov.u32 s26;
	s26 =	sadd.s32 $0x1, s26  }
0x56: {  	[tilespmem:s25+$0xFFFFFFC0] =	vst v7;
	v7 =	vmul.f32 v1, v2;
	v2 =	vmul.f32 v5, v2  }
0x57: {  	[tilespmem:s25+$0x10] =	vst v8  }
0x58: {  	v5 =	vmov s29;
	[tilespmem:s25+$0xFFFFFFE0] =	vst v6  }
0x59: {  	v1 =	vld [tilespmem:s28+$0xFFFFFFF0];
	[tilespmem:s25+$0xFFFFFFF0] =	vst v7  }
0x5a: {  	v6 =	vld [tilespmem:s28+$0x30];
	[tilespmem:s25+$0x0] =	vst v2  }
0x5b: {  	v8 =	vld [tilespmem:s28+$0x10];
	[tilespmem:s25+$0x20] =	vst v3  }
0x5c: {  	v7 =	vld [tilespmem:s28+$0xFFFFFFC0];
	[tilespmem:s25+$0xFFFFFFD0] =	vst v4;
	s25 =	smov.u32 s28  }
0x5d: {  	v2 =	vld.idx.msk [tilespmem:v5+s18+$0x0], $0xffff  }
0x5e: {  	v10 =	vld [tilespmem:s28+$0xFFFFFFE0]  }
0x5f: {  	v3 =	vld [tilespmem:s28+$0x20]  }
.Ltmp1:
0x60: {  	v4 =	vld [tilespmem:s28+$0xFFFFFFD0];
	(pc) =	sbr.rel @p0 .LBB2_5-.Ltmp1, $3  }
0x61: {  	v5 =	vld [tilespmem:s28+$0x0];
	_ =	sdelay $0x1  }
0x62: {  	v7 =	vmul.f32 v7, v2;
	v9 =	vmul.f32 v6, v2  }
0x63: {  	v8 =	vmul.f32 v8, v2;
	v6 =	vmul.f32 v10, v2  }
0x64: {  	[tilespmem:s25+$0x30] =	vst v9  }
0x65: {  	[tilespmem:s25+$0xFFFFFFC0] =	vst v7  }
0x66: {  	v1 =	vmul.f32 v1, v2;
	[tilespmem:s25+$0x10] =	vst v8  }
0x67: {  	v3 =	vmul.f32 v3, v2;
	[tilespmem:s25+$0xFFFFFFE0] =	vst v6  }
0x68: {  	v5 =	vmul.f32 v5, v2;
	[tilespmem:s25+$0xFFFFFFF0] =	vst v1  }
0x69: {  	s24 =	sadd.s32 $0x1, s24;
	v1 =	vmul.f32 v4, v2;
	[tilespmem:s25+$0x20] =	vst v3  }
0x6a: {  	p0 =	sne.s32 s24, $0xFA;
	[tilespmem:s25+$0x0] =	vst v5  }
.Ltmp2:
0x6b: {  	[tilespmem:s25+$0xFFFFFFD0] =	vst v1;
	(pc) =	sbr.rel @p0 .LBB2_4-.Ltmp2, $4  }
0x6c: {  	[spmem:s1] =	stream.indirect.scatter.add.f32 [tilespmem:s20], [sflag:$0x2], $0x80, s17, s19, $0xb8;
	[tilespmem:$0x19580] =	vst v63  }
0x6d: {  	_ =	swait.ge [sflag:s16], $0x1400  }
0x6e: {  	[sflag:s16] =	ssyncset.done $0x0  }
0x6f: {  	[sflag:s16] =	ssyncadd.s32 $0xFFFFEC00  }
0x70: {  	s3 =	sadd.s32 $0x1, s3  }
0x71: {  	s23 =	sshll.u32 s2, $0x6;
	[bflag:$0x0] =	sbarrier.arrive $0xFFFF;
	p0 =	sne.s32 s3, s14  }
.Ltmp3:
0x72: {  	s24 =	sshrl.u32 s7, $0x3;
	s23 =	sor.u32 $0x1C02, s23;
	(pc) =	sbr.rel @p0 .LBB2_1-.Ltmp3, $4  }
0x73: {  	[hbm:s22], [sflag:s23] =	dma.local [spmem:s24], $0x2800  }
0x74: {  	_ =	swait.ge [sflag:s16], $0x2800  }
0x75: {  	[sflag:s16] =	ssyncset.done $0x0  }
0x76: {  	[sflag:s16] =	ssyncadd.s32 $0xFFFFD800  }
0x77: {  	_ =	sfence.sel $0x180000  }
0x78: {  	[bflag:$0x0] =	sbarrier.arrive $0xFFFF  }
0x79: {  	p0 =	sne.s32 s2, $0x0;
	_ =	strace $0x9000004A  }
0x7a: {  	s0 =	sadd.s32 @!p0 $0x100000, s0;
	[bflag:$0x2] =	sbarrier.arrive $0xFFFF  }
0x7b: {  	[sflag:s0] =	ssyncadd.tile.s32 @!p0 $0x1;
	_ =	shalt  }
.Lfunc_end2:
_tile_overlayer_lowered:
.L_overlay_start_2:
0x7c: {  	(tag) =	ssettag $0x2  }
0x7d: {  	s0 =	rddreg [dreg:$0x0];
	s2 =	stileid.u32  }
0x7e: {  	s1 =	rddreg [dreg:$0x1];
	p0 =	sne.s32 s2, $0x0  }
0x7f: {  	s3 =	rddreg [dreg:$0x2];
	[bflag:$0x3] =	sbarrier.arrive $0xFFFF;
	s2 =	simm.s32 @!p0 $0x1C02  }
0x80: {  	[timem:s3], [sflag:s2] =	dma.local @!p0 [hbm:s0], s1  }
0x81: {  	s0 =	simm.s32 @!p0 $0x2  }
0x82: {  	_ =	swait.ge @!p0 [sflag:s0], s1  }
0x83: {  	s1 =	ssub.s32 @!p0 $0x0, s1;
	[sflag:s0] =	ssyncset.done @!p0 $0x0  }
0x84: {  	[sflag:s0] =	ssyncadd.s32 @!p0 s1  }
0x85: {  	[bflag:$0x3] =	sbarrier.arrive $0xFFFF  }
0x86: {  	_ =	shalt  }

// kernel: kernel.16.cloned.1.call-start
scs
__scs_entry_jumppad:
0x0: {  	(pc) =	sbr.rel $0x88, $3  }
0x1: {  	(tag) =	ssettag $0x0;
	lr =	simm.s32 $0x1  }
0x2: {  	[smem:$0x3F91] =	sst lr;
	_ =	strace $0xD0000000  }
0x3: {  	_ = 	snop  }
0x4: {  	_ = 	snop  }
0x5: {  	_ = 	snop  }
0x6: {  	_ = 	snop  }
0x7: {  	_ = 	snop  }
__scs_overlays_trampoline_lowered:
0x8: {  	[smem:$0x3FA0] =	sst s0  }
0x9: {  	[smem:$0x3FA1] =	sst s1  }
0xa: {  	[smem:$0x3FA2] =	sst s2  }
0xb: {  	[smem:$0x3FA3] =	sst s3  }
0xc: {  	[smem:$0x3FA4] =	sst s4  }
0xd: {  	[smem:$0x3FA5] =	sst s5  }
0xe: {  	[smem:$0x3FA6] =	sst s6  }
0xf: {  	[smem:$0x3FA7] =	sst s7  }
0x10: {  	[smem:$0x3FA8] =	sst s8  }
0x11: {  	[smem:$0x3FA9] =	sst s9;
	s0 =	simm.s32 @!p0 $0x0  }
0x12: {  	s1 =	sld [smem:$0x3F8F];
	s0 =	simm.s32 @p0 $0x1  }
0x13: {  	[smem:$0x3FAA] =	sst s0;
	s0 =	simm.s32 @!p1 $0x0  }
0x14: {  	s2 =	sld [smem:$0x3F8E];
	s0 =	simm.s32 @p1 $0x1  }
0x15: {  	[smem:$0x3FAB] =	sst s0;
	s0 =	simm.s32 @!p2 $0x0  }
0x16: {  	s3 =	sld [smem:$0x3FDB];
	s0 =	simm.s32 @p2 $0x1  }
0x17: {  	s4 =	simm.s32 $0x1BF5;
	[smem:$0x3FAD] =	sst s0  }
0x18: {  	s0 =	sld [smem:$0x3F90];
	_ =	swait.ge [sflag:s4], $0x0  }
0x19: {  	s7 =	sld [smem:$0x3F91]  }
0x1a: {  	s8 =	sadd.s32 $0xFFFFE003, lr  }
0x1b: {  	s9 =	sadd.s32 $0xFFFFFEF7, lr;
	s5 =	simm.s32 $0xFFFFFFFF;
	p2 =	slt.u32 s8, $0xFFFFF086  }
0x1c: {  	p1 =	slt.u32 s9, $0xF7A;
	s5 =	simm.s32 @!p2 $0x0  }
0x1d: {  	s5 =	simm.s32 @p1 $0x1;
	p0 =	seq.s32 s7, s2  }
0x1e: {  	s7 =	smul.u32 @!p0 $0xF7A, s2;
	p2 =	seq.s32 @!p0 s5, $0x0  }
0x1f: {  	s9 =	smul.u32 $0xF7A, s1;
	s8 =	simm.s32 @!p0 $0x1BF5;
	p2 =	por !p2, p0  }
0x20: {  	[sflag:s8] =	ssyncset.s32 @!p0 $0xFFFFF086;
	s6 =	sadd.s32 @!p0 s3, s7;
	s7 =	simm.s32 @!p0 $0x108  }
0x21: {  	s3 =	sadd.s32 s3, s9;
	s6 =	sadd.s32 @!p0 $0x88, s6;
	s7 =	simm.s32 @p2 $0x1082  }
0x22: {  	[simem:s7], [sflag:s8] =	dma.local @!p0 [hbm:s6], $0xF7A  }
0x23: {  	s9 =	sor.u32 $0xD0000000, s2;
	s6 =	simm.s32 $0x108;
	_ =	swait.ge @!p0 [sflag:s8], $0x0  }
0x24: {  	s3 =	sadd.s32 $0x88, s3;
	s6 =	simm.s32 @!p1 $0x1082;
	[sflag:s4] =	ssyncset.s32 $0xFFFFF086  }
0x25: {  	[simem:s6], [sflag:s4] =	dma.local [hbm:s3], $0xF7A  }
0x26: {  	[smem:$0x3F91] =	sst s1;
	(tag) =	ssettag s2;
	_ =	strace s9  }
0x27: {  	s1 =	sld [smem:$0x3FA1]  }
0x28: {  	s2 =	sld [smem:$0x3FA2]  }
0x29: {  	s4 =	sld [smem:$0x3FA4]  }
0x2a: {  	p0 =	seq.s32 s5, $0x0;
	s5 =	sld [smem:$0x3FA5]  }
0x2b: {  	s6 =	sld [smem:$0x3FA6]  }
0x2c: {  	s7 =	sld [smem:$0x3FA7]  }
0x2d: {  	s3 =	simm.s32 $0x108;
	s8 =	sld [smem:$0x3FA8]  }
0x2e: {  	s3 =	simm.s32 @!p0 $0x1082;
	s9 =	sld [smem:$0x3FA9]  }
0x2f: {  	lr =	sadd.s32 s0, s3;
	s0 =	sld [smem:$0x3FA0]  }
0x30: {  	s3 =	sld [smem:$0x3FA3]  }
0x31: {  	[smem:$0x3FAC] =	sst s10  }
0x32: {  	s10 =	sld [smem:$0x3FAA];
	_ =	sdelay $0x3  }
0x33: {  	p0 =	seq.s32 s10, $0x1;
	s10 =	sld [smem:$0x3FAC];
	_ =	sdelay $0x3  }
0x34: {  	[smem:$0x3FAC] =	sst s10  }
0x35: {  	s10 =	sld [smem:$0x3FAB];
	_ =	sdelay $0x3  }
0x36: {  	p1 =	seq.s32 s10, $0x1;
	s10 =	sld [smem:$0x3FAC];
	_ =	sdelay $0x3  }
0x37: {  	[smem:$0x3FAC] =	sst s10  }
0x38: {  	s10 =	sld [smem:$0x3FAD]  }
0x39: {  	_ = 	snop;
	(pc) =	sbr.ind lr, $3  }
0x3a: {  	_ = 	snop  }
0x3b: {  	_ = 	snop  }
0x3c: {  	p2 =	seq.s32 s10, $0x1;
	s10 =	sld [smem:$0x3FAC]  }
0x3d: {  	_ =	shalt  }
0x3e: {  	_ =	shalt  }
0x3f: {  	_ =	shalt  }
0x40: {  	_ =	shalt  }
0x41: {  	_ =	shalt  }
0x42: {  	_ =	shalt  }
0x43: {  	_ =	shalt  }
0x44: {  	_ =	shalt  }
0x45: {  	_ =	shalt  }
0x46: {  	_ =	shalt  }
0x47: {  	_ =	shalt  }
0x48: {  	_ =	shalt  }
0x49: {  	_ =	shalt  }
0x4a: {  	_ =	shalt  }
0x4b: {  	_ =	shalt  }
0x4c: {  	_ =	shalt  }
0x4d: {  	_ =	shalt  }
0x4e: {  	_ =	shalt  }
0x4f: {  	_ =	shalt  }
0x50: {  	_ =	shalt  }
0x51: {  	_ =	shalt  }
0x52: {  	_ =	shalt  }
0x53: {  	_ =	shalt  }
0x54: {  	_ =	shalt  }
0x55: {  	_ =	shalt  }
0x56: {  	_ =	shalt  }
0x57: {  	_ =	shalt  }
0x58: {  	_ =	shalt  }
0x59: {  	_ =	shalt  }
0x5a: {  	_ =	shalt  }
0x5b: {  	_ =	shalt  }
0x5c: {  	_ =	shalt  }
0x5d: {  	_ =	shalt  }
0x5e: {  	_ =	shalt  }
0x5f: {  	_ =	shalt  }
0x60: {  	_ =	shalt  }
0x61: {  	_ =	shalt  }
0x62: {  	_ =	shalt  }
0x63: {  	_ =	shalt  }
0x64: {  	_ =	shalt  }
0x65: {  	_ =	shalt  }
0x66: {  	_ =	shalt  }
0x67: {  	_ =	shalt  }
0x68: {  	_ =	shalt  }
0x69: {  	_ =	shalt  }
0x6a: {  	_ =	shalt  }
0x6b: {  	_ =	shalt  }
0x6c: {  	_ =	shalt  }
0x6d: {  	_ =	shalt  }
0x6e: {  	_ =	shalt  }
0x6f: {  	_ =	shalt  }
0x70: {  	_ =	shalt  }
0x71: {  	_ =	shalt  }
0x72: {  	_ =	shalt  }
0x73: {  	_ =	shalt  }
0x74: {  	_ =	shalt  }
0x75: {  	_ =	shalt  }
0x76: {  	_ =	shalt  }
0x77: {  	_ =	shalt  }
0x78: {  	_ =	shalt  }
0x79: {  	_ =	shalt  }
0x7a: {  	_ =	shalt  }
0x7b: {  	_ =	shalt  }
0x7c: {  	_ =	shalt  }
0x7d: {  	_ =	shalt  }
0x7e: {  	_ =	shalt  }
0x7f: {  	_ =	shalt  }
0x80: {  	_ =	shalt  }
0x81: {  	_ =	shalt  }
0x82: {  	_ =	shalt  }
0x83: {  	_ =	shalt  }
0x84: {  	_ =	shalt  }
0x85: {  	_ =	shalt  }
0x86: {  	_ =	shalt  }
0x87: {  	_ =	shalt  }
.Lfunc_end0:
.L_simem_size_0:
called_computation.2_lowered:
.L_overlay_start_0:
0x88: {  	s2 =	sld [smem:$0x3FD9]  }
0x89: {  	s3 =	sld [smem:$0x3FFE];
	_ =	sdelay $0x1  }
0x8a: {  	s1 =	srdreg.scid  }
0x8b: {  	s0 =	sand.u32 $0x1, s1  }
0x8c: {  	s16 =	sshll.u32 s0, $0xA;
	s2 =	sadd.s32 s3, s2  }
0x8d: {  	s2 =	sadd.s32 s2, s16  }
0x8e: {  	[smem:$0x3FB8] =	sst s2  }
0x8f: {  	_ = 	snop  }
0x90: {  	(tm) =	ssettm $0x1  }
0x91: {  	s17 =	sld [smem:$0x3FFB];
	_ =	sdelay $0x3  }
0x92: {  	_ =	strace s17  }
0x93: {  	s2 =	sld [smem:$0x3FFC];
	_ =	sdelay $0x3  }
0x94: {  	_ =	strace s2  }
0x95: {  	s2 =	sld [smem:$0x3FFD];
	_ =	sdelay $0x3  }
0x96: {  	_ =	strace s2  }
0x97: {  	_ =	strace $0x8FFFFFFF  }
0x98: {  	s18 =	sld [smem:$0x3FDB];
	_ =	sdelay $0x1  }
0x99: {  	s19 =	simm.s32 $_scs_section_size  }
0x9a: {  	s4 =	simm.s32 $_size__tile_overlayer_lowered;
	s5 =	simm.s32 $_tile_overlayer_lowered  }
0x9b: {  	s22 =	simm.s32 $0x1BFF;
	s21 =	sshll.u32 s5, $0x1;
	s2 =	sadd.s32 s19, s18  }
0x9c: {  	s6 =	simm.s32 $0x0;
	s20 =	sshll.u32 s4, $0x1;
	s4 =	sadd.s32 s21, s2  }
0x9d: {  	[timem:s6], [sflag:s22] =	dma.local [hbm:s4], s20  }
0x9e: {  	_ =	swait.ge [sflag:s22], s20  }
0x9f: {  	s3 =	ssub.s32 $0x0, s20;
	[sflag:s22] =	ssyncset.done $0x0  }
0xa0: {  	[sflag:s22] =	ssyncadd.s32 s3;
	_ =	sdelay $0x1  }
0xa1: {  	s23 =	simm.s32 $0x1B8B  }
0xa2: {  	_ =	swait.ge [sflag:s23], $0x1  }
0xa3: {  	[sflag:s23] =	ssyncset.done $0x0  }
0xa4: {  	s25 =	simm.s32 $0x1B8E;
	s24 =	sld [smem:$0x3FFE];
	[sflag:s23] =	ssyncadd.s32 $0xFFFFFFFF  }
0xa5: {  	s26 =	simm.s32 $execute0_lowered;
	[smem:$0x3FD2] =	sst s25  }
0xa6: {  	s4 =	sshll.u32 s26, $0x1;
	_ =	strace $0x8000004C;
	[dreg:$0x1] =	wrdreg $0xFFFFFFFF  }
0xa7: {  	s28 =	simm.s32 $_size_execute0_lowered;
	s2 =	sadd.s32 s2, s4;
	[dreg:$0x0] =	wrdreg $0x0  }
0xa8: {  	s4 =	sshll.u32 s28, $0x1;
	[dreg:$0x2] =	wrdreg s2  }
0xa9: {  	[dreg:$0x3] =	wrdreg s4  }
0xaa: {  	[dreg:$0x4] =	wrdreg $0xC0  }
0xab: {  	_ =	task [dreg:s6], $0x5FFFF  }
0xac: {  	[dreg:$0x1] =	wrdreg $0xFFFFFFFF  }
0xad: {  	[dreg:$0x0] =	wrdreg $0x60  }
0xae: {  	[dreg:$0x2] =	wrdreg s24  }
0xaf: {  	[dreg:$0x3] =	wrdreg $0x55800  }
0xb0: {  	[dreg:$0x4] =	wrdreg $0x9  }
0xb1: {  	_ =	task.clear_ibuf [dreg:s6], $0x5FFFF;
	_ =	strace $0x9000004C  }
0xb2: {  	s29 =	simm.s32 $0x9;
	_ =	strace $0x8000004E  }
0xb3: {  	_ =	swait.ge [sflag:s29], $0x1  }
0xb4: {  	[sflag:s29] =	ssyncadd.s32 $0xFFFFFFFF  }
0xb5: {  	_ =	strace $0x9000004E  }
0xb6: {  	_ =	sfence  }
0xb7: {  	s30 =	sld [smem:$0x0];
	_ =	sdelay $0x2  }
0xb8: {  	s31 =	sshll.u32 s1, $0xD;
	s1 =	sshrl.u32 s1, $0x2  }
0xb9: {  	s3 =	sand.u32 $0x4000, s31;
	s1 =	sadd.s32 s1, s30  }
0xba: {  	s0 =	sor.u32 s3, s0;
	s1 =	sshll.u32 s1, $0x11  }
0xbb: {  	s0 =	sor.u32 s1, s0  }
0xbc: {  	s0 =	sadd.s32 $0x8F2B, s0  }
0xbd: {  	[sflag:s0] =	ssyncadd.remote.s32 $0x1  }
0xbe: {  	_ =	sfence.sel $0xFFFF  }
0xbf: {  	[dreg:$0x0] =	wrdreg $0xFFFFFFFF;
	(pc) =	sbr.abs _section_cstart, $3  }
0xc0: {  	[dreg:$0x1] =	wrdreg $0xFFFFFFFF  }
0xc1: {  	_ =	task.clear_ibuf [dreg:s6], $0x2FFFF;
	_ =	strace $0x9FFFFFFF  }
0xc2: {  	(tm) =	ssettm $0x7FFFFFFF  }
0xc3: {  	_ =	shalt  }
tec
execute0_lowered:
.L_overlay_start_1:
0x0: {  	(tag) =	ssettag $0x1  }
0x1: {  	s8 =	rddreg [dreg:$0x0]  }
0x2: {  	s1 =	rddreg [dreg:$0x1]  }
0x3: {  	s0 =	rddreg [dreg:$0x2]  }
0x4: {  	s2 =	simm.s32 $0x0;
	s3 =	srdreg.scid;
	s16 =	simm.s32 $0x2  }
0x5: {  	s17 =	simm.s32 $0x80;
	s18 =	simm.s32 $0x100;
	s19 =	simm.s32 $0x28  }
0x6: {  	s20 =	simm.s32 $0x180;
	s21 =	simm.s32 $0x1;
	[smem:$0x7FF] =	sst s2  }
0x7: {  	s9 =	sand.u32 $0x1, s3;
	s3 =	stileid.u32;
	s4 =	sadd.s32 $0x13200, s8  }
0x8: {  	s5 =	sadd.s32 $0x8C00, s8;
	s6 =	sadd.s32 $0x3C00, s8;
	s10 =	smul.u32 $0x28000, s9  }
0x9: {  	s7 =	sadd.s32 $0xDC00, s8;
	_ =	strace $0x8000004D;
	s11 =	smul.u32 $0x50000, s3  }
0xa: {  	s29 =	ssub.s32 $0x2, s9;
	s12 =	sshll.u32 s9, $0x4;
	s23 =	smul.u32 $0x2800, s3  }
0xb: {  	s31 =	sshrl.u32 s29, $0x1;
	s12 =	sor.u32 s3, s12;
	s14 =	sadd.s32 s10, s8  }
0xc: {  	s30 =	sshrl.u32 s11, $0x2;
	s15 =	ssub.s32 s29, s31;
	s12 =	smul.u32 $0x1388, s12  }
0xd: {  	s8 =	sadd.s32 s30, s1;
	s22 =	sadd.s32 $0x3B200, s14;
	s14 =	smax.u32 s15, $0x1  }
0xe: {  	s15 =	simm.s32 $0x1580;
	s9 =	sadd.s32 $0x4000, s8;
	s10 =	sadd.s32 $0x8000, s8  }
0xf: {  	v0 =	vimm.f32 $0.0e+00;
	s11 =	sadd.s32 $0xC000, s8;
	s13 =	sadd.s32 $0x10000, s8;
	s22 =	sadd.s32 s23, s22  }
.LBB2_1:
0x10: {  	s23 =	simm.s32 $0x0;
	s24 =	simm.s32 $0x200  }
.LBB2_2:
0x11: {  	p0 =	sne.s32 s24, $0xFE00;
	[tilespmem:s23+$0x15F0] =	vst v0  }
0x12: {  	[tilespmem:s23+$0x1580] =	vst v0  }
0x13: {  	[tilespmem:s23+$0x1590] =	vst v0  }
.Ltmp0:
0x14: {  	[tilespmem:s23+$0x15A0] =	vst v0;
	(pc) =	sbr.rel @p0 .LBB2_2-.Ltmp0, $4  }
0x15: {  	[tilespmem:s23+$0x15B0] =	vst v0  }
0x16: {  	[tilespmem:s23+$0x15C0] =	vst v0  }
0x17: {  	[tilespmem:s23+$0x15D0] =	vst v0  }
0x18: {  	[tilespmem:s23+$0x15E0] =	vst v0;
	s23 =	sshra.s32 s24, $0x2;
	s24 =	sadd.s32 $0x200, s24  }
0x19: {  	[tilespmem:s23+$0x15F0] =	vst v0  }
0x1a: {  	[tilespmem:s23+$0x1580] =	vst v0  }
0x1b: {  	[tilespmem:s23+$0x1590] =	vst v0  }
0x1c: {  	[tilespmem:s23+$0x15A0] =	vst v0  }
0x1d: {  	[tilespmem:s23+$0x15B0] =	vst v0  }
0x1e: {  	[tilespmem:s23+$0x15C0] =	vst v0  }
0x1f: {  	[tilespmem:s23+$0x15D0] =	vst v0  }
0x20: {  	[tilespmem:s23+$0x15E0] =	vst v0  }
0x21: {  	[spmem:s8] =	stream.linear.scatter [tilespmem:s15], [sflag:$0x2], $0x4000, $0x38;
	[tilespmem:$0x19580] =	vst v63  }
0x22: {  	_ =	swait.ge [sflag:s16], $0x4000  }
0x23: {  	[sflag:s16] =	ssyncset.done $0x0  }
0x24: {  	[sflag:s16] =	ssyncadd.s32 $0xFFFFC000  }
0x25: {  	[spmem:s9] =	stream.linear.scatter [tilespmem:s15], [sflag:$0x2], $0x4000, $0x38;
	[tilespmem:$0x19580] =	vst v63  }
0x26: {  	_ =	swait.ge [sflag:s16], $0x4000  }
0x27: {  	[sflag:s16] =	ssyncset.done $0x0  }
0x28: {  	[sflag:s16] =	ssyncadd.s32 $0xFFFFC000  }
0x29: {  	[spmem:s10] =	stream.linear.scatter [tilespmem:s15], [sflag:$0x2], $0x4000, $0x38;
	[tilespmem:$0x19580] =	vst v63  }
0x2a: {  	_ =	swait.ge [sflag:s16], $0x4000  }
0x2b: {  	[sflag:s16] =	ssyncset.done $0x0  }
0x2c: {  	[sflag:s16] =	ssyncadd.s32 $0xFFFFC000  }
0x2d: {  	[spmem:s11] =	stream.linear.scatter [tilespmem:s15], [sflag:$0x2], $0x4000, $0x38;
	[tilespmem:$0x19580] =	vst v63  }
0x2e: {  	_ =	swait.ge [sflag:s16], $0x4000  }
0x2f: {  	[sflag:s16] =	ssyncset.done $0x0  }
0x30: {  	[sflag:s16] =	ssyncadd.s32 $0xFFFFC000  }
0x31: {  	[spmem:s13] =	stream.linear.scatter [tilespmem:s15], [sflag:$0x2], $0x4000, $0x38;
	[tilespmem:$0x19580] =	vst v63  }
0x32: {  	_ =	swait.ge [sflag:s16], $0x4000  }
0x33: {  	[sflag:s16] =	ssyncset.done $0x0  }
0x34: {  	[sflag:s16] =	ssyncadd.s32 $0xFFFFC000  }
0x35: {  	s23 =	simm.s32 $0x0;
	s24 =	simm.s32 $0x0;
	[bflag:$0x0] =	sbarrier.arrive $0xFFFF  }
.LBB2_4:
0x36: {  	s25 =	smul.u32 $0x28, s24;
	_ =	sdelay $0x1  }
0x37: {  	s25 =	sadd.s32 s12, s25  }
0x38: {  	s25 =	sshrl.u32 s25, $0x3  }
0x39: {  	s26 =	sadd.s32 s5, s25  }
0x3a: {  	[tilespmem:s23], [sflag:$0x2] =	stream.linear.gather [hbm4b:s26+s23], $0x28, $0x38;
	[tilespmem:$0x19580] =	vst v63  }
0x3b: {  	_ =	swait.ge [sflag:s16], $0x28  }
0x3c: {  	[sflag:s16] =	ssyncset.done $0x0  }
0x3d: {  	s31 =	sadd.s32 s6, s25;
	[sflag:s16] =	ssyncadd.s32 $0xFFFFFFD8  }
0x3e: {  	[tilespmem:s17], [sflag:$0x2] =	stream.linear.gather [hbm4b:s31+s23], $0x28, $0x38;
	[tilespmem:$0x19580] =	vst v63  }
0x3f: {  	_ =	swait.ge [sflag:s16], $0x28  }
0x40: {  	[sflag:s16] =	ssyncset.done $0x0  }
0x41: {  	s25 =	sadd.s32 s7, s25;
	[sflag:s16] =	ssyncadd.s32 $0xFFFFFFD8  }
0x42: {  	[tilespmem:s18], [sflag:$0x2] =	stream.linear.gather [hbm4b:s25+s23], $0x28, $0x38;
	[tilespmem:$0x19580] =	vst v63  }
0x43: {  	_ =	swait.ge [sflag:s16], $0x28  }
0x44: {  	[sflag:s16] =	ssyncset.done $0x0  }
0x45: {  	[sflag:s16] =	ssyncadd.s32 $0xFFFFFFD8  }
0x46: {  	[tilespmem:s20], [sflag:$0x1] =	stream.indirect.gather [hbm4b:s4+s19], $0x80, s23, s19, $0xb8;
	[tilespmem:$0x19580] =	vst v63  }
0x47: {  	_ =	swait.ge [sflag:s21], $0x1400  }
0x48: {  	v1 =	vmov s23;
	[sflag:s21] =	ssyncset.done $0x0  }
0x49: {  	s25 =	simm.s32 $0x1C0;
	[sflag:s21] =	ssyncadd.s32 $0xFFFFEC00  }
0x4a: {  	v5 =	vld [tilespmem:s25+$0x30]  }
0x4b: {  	v8 =	vld [tilespmem:s25+$0x10]  }
0x4c: {  	v6 =	vld [tilespmem:s25+$0xFFFFFFC0]  }
0x4d: {  	v2 =	vld.idx.msk [tilespmem:v1+s18+$0x0], $0xffff  }
0x4e: {  	v10 =	vld [tilespmem:s25+$0xFFFFFFE0]  }
0x4f: {  	v1 =	vld [tilespmem:s25+$0xFFFFFFF0]  }
0x50: {  	v3 =	vld [tilespmem:s25+$0x20]  }
0x51: {  	v4 =	vld [tilespmem:s25+$0xFFFFFFD0]  }
0x52: {  	v9 =	vmul.f32 v5, v2;
	v5 =	vld [tilespmem:s25+$0x0]  }
0x53: {  	v7 =	vmul.f32 v6, v2  }
0x54: {  	s28 =	simm.s32 $0x1C0;
	s26 =	simm.s32 $0x1;
	v6 =	vmul.f32 v10, v2;
	v8 =	vmul.f32 v8, v2  }
.LBB2_5:
0x55: {  	p0 =	sne.s32 s26, $0x27  }
0x56: {  	v4 =	vmul.f32 v4, v2;
	v3 =	vmul.f32 v3, v2;
	[tilespmem:s25+$0x30] =	vst v9;
	s28 =	sadd.s32 $0x80, s28;
	s29 =	smov.u32 s26;
	s26 =	sadd.s32 $0x1, s26  }
0x57: {  	[tilespmem:s25+$0xFFFFFFC0] =	vst v7;
	v7 =	vmul.f32 v1, v2;
	v2 =	vmul.f32 v5, v2  }
0x58: {  	[tilespmem:s25+$0x10] =	vst v8  }
0x59: {  	v5 =	vmov s29;
	[tilespmem:s25+$0xFFFFFFE0] =	vst v6  }
0x5a: {  	v1 =	vld [tilespmem:s28+$0xFFFFFFF0];
	[tilespmem:s25+$0xFFFFFFF0] =	vst v7  }
0x5b: {  	v6 =	vld [tilespmem:s28+$0x30];
	[tilespmem:s25+$0x0] =	vst v2  }
0x5c: {  	v8 =	vld [tilespmem:s28+$0x10];
	[tilespmem:s25+$0x20] =	vst v3  }
0x5d: {  	v7 =	vld [tilespmem:s28+$0xFFFFFFC0];
	[tilespmem:s25+$0xFFFFFFD0] =	vst v4;
	s25 =	smov.u32 s28  }
0x5e: {  	v2 =	vld.idx.msk [tilespmem:v5+s18+$0x0], $0xffff  }
0x5f: {  	v10 =	vld [tilespmem:s28+$0xFFFFFFE0]  }
0x60: {  	v3 =	vld [tilespmem:s28+$0x20]  }
.Ltmp1:
0x61: {  	v4 =	vld [tilespmem:s28+$0xFFFFFFD0];
	(pc) =	sbr.rel @p0 .LBB2_5-.Ltmp1, $3  }
0x62: {  	v5 =	vld [tilespmem:s28+$0x0];
	_ =	sdelay $0x1  }
0x63: {  	v7 =	vmul.f32 v7, v2;
	v9 =	vmul.f32 v6, v2  }
0x64: {  	v8 =	vmul.f32 v8, v2;
	v6 =	vmul.f32 v10, v2  }
0x65: {  	[tilespmem:s25+$0x30] =	vst v9  }
0x66: {  	[tilespmem:s25+$0xFFFFFFC0] =	vst v7  }
0x67: {  	v1 =	vmul.f32 v1, v2;
	[tilespmem:s25+$0x10] =	vst v8  }
0x68: {  	v3 =	vmul.f32 v3, v2;
	[tilespmem:s25+$0xFFFFFFE0] =	vst v6  }
0x69: {  	v5 =	vmul.f32 v5, v2;
	[tilespmem:s25+$0xFFFFFFF0] =	vst v1  }
0x6a: {  	s24 =	sadd.s32 $0x1, s24;
	v1 =	vmul.f32 v4, v2;
	[tilespmem:s25+$0x20] =	vst v3  }
0x6b: {  	p0 =	sne.s32 s24, $0x7D;
	[tilespmem:s25+$0x0] =	vst v5  }
.Ltmp2:
0x6c: {  	[tilespmem:s25+$0xFFFFFFD0] =	vst v1;
	(pc) =	sbr.rel @p0 .LBB2_4-.Ltmp2, $4  }
0x6d: {  	[spmem:s1] =	stream.indirect.scatter.add.f32 [tilespmem:s20], [sflag:$0x2], $0x80, s17, s19, $0xb8;
	[tilespmem:$0x19580] =	vst v63  }
0x6e: {  	_ =	swait.ge [sflag:s16], $0x1400  }
0x6f: {  	[sflag:s16] =	ssyncset.done $0x0  }
0x70: {  	[sflag:s16] =	ssyncadd.s32 $0xFFFFEC00  }
0x71: {  	s2 =	sadd.s32 $0x1, s2  }
0x72: {  	s23 =	sshll.u32 s3, $0x6;
	[bflag:$0x0] =	sbarrier.arrive $0xFFFF;
	p0 =	sne.s32 s2, s14  }
.Ltmp3:
0x73: {  	s24 =	sshrl.u32 s8, $0x3;
	s23 =	sor.u32 $0x1C02, s23;
	(pc) =	sbr.rel @p0 .LBB2_1-.Ltmp3, $4  }
0x74: {  	[hbm:s22], [sflag:s23] =	dma.local [spmem:s24], $0x2800  }
0x75: {  	_ =	swait.ge [sflag:s16], $0x2800  }
0x76: {  	[sflag:s16] =	ssyncset.done $0x0  }
0x77: {  	[sflag:s16] =	ssyncadd.s32 $0xFFFFD800  }
0x78: {  	_ =	sfence.sel $0x180000  }
0x79: {  	[bflag:$0x0] =	sbarrier.arrive $0xFFFF  }
0x7a: {  	p0 =	sne.s32 s3, $0x0;
	_ =	strace $0x9000004D  }
0x7b: {  	s0 =	sadd.s32 @!p0 $0x100000, s0;
	[bflag:$0x2] =	sbarrier.arrive $0xFFFF  }
0x7c: {  	[sflag:s0] =	ssyncadd.tile.s32 @!p0 $0x1;
	_ =	shalt  }
.Lfunc_end2:
_tile_overlayer_lowered:
.L_overlay_start_2:
0x7d: {  	(tag) =	ssettag $0x2  }
0x7e: {  	s0 =	rddreg [dreg:$0x0];
	s2 =	stileid.u32  }
0x7f: {  	s1 =	rddreg [dreg:$0x1];
	p0 =	sne.s32 s2, $0x0  }
0x80: {  	s3 =	rddreg [dreg:$0x2];
	[bflag:$0x3] =	sbarrier.arrive $0xFFFF;
	s2 =	simm.s32 @!p0 $0x1C02  }
0x81: {  	[timem:s3], [sflag:s2] =	dma.local @!p0 [hbm:s0], s1  }
0x82: {  	s0 =	simm.s32 @!p0 $0x2  }
0x83: {  	_ =	swait.ge @!p0 [sflag:s0], s1  }
0x84: {  	s1 =	ssub.s32 @!p0 $0x0, s1;
	[sflag:s0] =	ssyncset.done @!p0 $0x0  }
0x85: {  	[sflag:s0] =	ssyncadd.s32 @!p0 s1  }
0x86: {  	[bflag:$0x3] =	sbarrier.arrive $0xFFFF  }
0x87: {  	_ =	shalt  }

// kernel: kernel.19.cloned.1.call-start
scs
__scs_entry_jumppad:
0x0: {  	(pc) =	sbr.rel $0x88, $3  }
0x1: {  	(tag) =	ssettag $0x0;
	lr =	simm.s32 $0x1  }
0x2: {  	[smem:$0x3F91] =	sst lr;
	_ =	strace $0xD0000000  }
0x3: {  	_ = 	snop  }
0x4: {  	_ = 	snop  }
0x5: {  	_ = 	snop  }
0x6: {  	_ = 	snop  }
0x7: {  	_ = 	snop  }
__scs_overlays_trampoline_lowered:
0x8: {  	[smem:$0x3FA0] =	sst s0  }
0x9: {  	[smem:$0x3FA1] =	sst s1  }
0xa: {  	[smem:$0x3FA2] =	sst s2  }
0xb: {  	[smem:$0x3FA3] =	sst s3  }
0xc: {  	[smem:$0x3FA4] =	sst s4  }
0xd: {  	[smem:$0x3FA5] =	sst s5  }
0xe: {  	[smem:$0x3FA6] =	sst s6  }
0xf: {  	[smem:$0x3FA7] =	sst s7  }
0x10: {  	[smem:$0x3FA8] =	sst s8  }
0x11: {  	[smem:$0x3FA9] =	sst s9;
	s0 =	simm.s32 @!p0 $0x0  }
0x12: {  	s1 =	sld [smem:$0x3F8F];
	s0 =	simm.s32 @p0 $0x1  }
0x13: {  	[smem:$0x3FAA] =	sst s0;
	s0 =	simm.s32 @!p1 $0x0  }
0x14: {  	s2 =	sld [smem:$0x3F8E];
	s0 =	simm.s32 @p1 $0x1  }
0x15: {  	[smem:$0x3FAB] =	sst s0;
	s0 =	simm.s32 @!p2 $0x0  }
0x16: {  	s3 =	sld [smem:$0x3FDB];
	s0 =	simm.s32 @p2 $0x1  }
0x17: {  	s4 =	simm.s32 $0x1BF5;
	[smem:$0x3FAD] =	sst s0  }
0x18: {  	s0 =	sld [smem:$0x3F90];
	_ =	swait.ge [sflag:s4], $0x0  }
0x19: {  	s7 =	sld [smem:$0x3F91]  }
0x1a: {  	s8 =	sadd.s32 $0xFFFFE003, lr  }
0x1b: {  	s9 =	sadd.s32 $0xFFFFFEF7, lr;
	s5 =	simm.s32 $0xFFFFFFFF;
	p2 =	slt.u32 s8, $0xFFFFF086  }
0x1c: {  	p1 =	slt.u32 s9, $0xF7A;
	s5 =	simm.s32 @!p2 $0x0  }
0x1d: {  	s5 =	simm.s32 @p1 $0x1;
	p0 =	seq.s32 s7, s2  }
0x1e: {  	s7 =	smul.u32 @!p0 $0xF7A, s2;
	p2 =	seq.s32 @!p0 s5, $0x0  }
0x1f: {  	s9 =	smul.u32 $0xF7A, s1;
	s8 =	simm.s32 @!p0 $0x1BF5;
	p2 =	por !p2, p0  }
0x20: {  	[sflag:s8] =	ssyncset.s32 @!p0 $0xFFFFF086;
	s6 =	sadd.s32 @!p0 s3, s7;
	s7 =	simm.s32 @!p0 $0x108  }
0x21: {  	s3 =	sadd.s32 s3, s9;
	s6 =	sadd.s32 @!p0 $0x88, s6;
	s7 =	simm.s32 @p2 $0x1082  }
0x22: {  	[simem:s7], [sflag:s8] =	dma.local @!p0 [hbm:s6], $0xF7A  }
0x23: {  	s9 =	sor.u32 $0xD0000000, s2;
	s6 =	simm.s32 $0x108;
	_ =	swait.ge @!p0 [sflag:s8], $0x0  }
0x24: {  	s3 =	sadd.s32 $0x88, s3;
	s6 =	simm.s32 @!p1 $0x1082;
	[sflag:s4] =	ssyncset.s32 $0xFFFFF086  }
0x25: {  	[simem:s6], [sflag:s4] =	dma.local [hbm:s3], $0xF7A  }
0x26: {  	[smem:$0x3F91] =	sst s1;
	(tag) =	ssettag s2;
	_ =	strace s9  }
0x27: {  	s1 =	sld [smem:$0x3FA1]  }
0x28: {  	s2 =	sld [smem:$0x3FA2]  }
0x29: {  	s4 =	sld [smem:$0x3FA4]  }
0x2a: {  	p0 =	seq.s32 s5, $0x0;
	s5 =	sld [smem:$0x3FA5]  }
0x2b: {  	s6 =	sld [smem:$0x3FA6]  }
0x2c: {  	s7 =	sld [smem:$0x3FA7]  }
0x2d: {  	s3 =	simm.s32 $0x108;
	s8 =	sld [smem:$0x3FA8]  }
0x2e: {  	s3 =	simm.s32 @!p0 $0x1082;
	s9 =	sld [smem:$0x3FA9]  }
0x2f: {  	lr =	sadd.s32 s0, s3;
	s0 =	sld [smem:$0x3FA0]  }
0x30: {  	s3 =	sld [smem:$0x3FA3]  }
0x31: {  	[smem:$0x3FAC] =	sst s10  }
0x32: {  	s10 =	sld [smem:$0x3FAA];
	_ =	sdelay $0x3  }
0x33: {  	p0 =	seq.s32 s10, $0x1;
	s10 =	sld [smem:$0x3FAC];
	_ =	sdelay $0x3  }
0x34: {  	[smem:$0x3FAC] =	sst s10  }
0x35: {  	s10 =	sld [smem:$0x3FAB];
	_ =	sdelay $0x3  }
0x36: {  	p1 =	seq.s32 s10, $0x1;
	s10 =	sld [smem:$0x3FAC];
	_ =	sdelay $0x3  }
0x37: {  	[smem:$0x3FAC] =	sst s10  }
0x38: {  	s10 =	sld [smem:$0x3FAD]  }
0x39: {  	_ = 	snop;
	(pc) =	sbr.ind lr, $3  }
0x3a: {  	_ = 	snop  }
0x3b: {  	_ = 	snop  }
0x3c: {  	p2 =	seq.s32 s10, $0x1;
	s10 =	sld [smem:$0x3FAC]  }
0x3d: {  	_ =	shalt  }
0x3e: {  	_ =	shalt  }
0x3f: {  	_ =	shalt  }
0x40: {  	_ =	shalt  }
0x41: {  	_ =	shalt  }
0x42: {  	_ =	shalt  }
0x43: {  	_ =	shalt  }
0x44: {  	_ =	shalt  }
0x45: {  	_ =	shalt  }
0x46: {  	_ =	shalt  }
0x47: {  	_ =	shalt  }
0x48: {  	_ =	shalt  }
0x49: {  	_ =	shalt  }
0x4a: {  	_ =	shalt  }
0x4b: {  	_ =	shalt  }
0x4c: {  	_ =	shalt  }
0x4d: {  	_ =	shalt  }
0x4e: {  	_ =	shalt  }
0x4f: {  	_ =	shalt  }
0x50: {  	_ =	shalt  }
0x51: {  	_ =	shalt  }
0x52: {  	_ =	shalt  }
0x53: {  	_ =	shalt  }
0x54: {  	_ =	shalt  }
0x55: {  	_ =	shalt  }
0x56: {  	_ =	shalt  }
0x57: {  	_ =	shalt  }
0x58: {  	_ =	shalt  }
0x59: {  	_ =	shalt  }
0x5a: {  	_ =	shalt  }
0x5b: {  	_ =	shalt  }
0x5c: {  	_ =	shalt  }
0x5d: {  	_ =	shalt  }
0x5e: {  	_ =	shalt  }
0x5f: {  	_ =	shalt  }
0x60: {  	_ =	shalt  }
0x61: {  	_ =	shalt  }
0x62: {  	_ =	shalt  }
0x63: {  	_ =	shalt  }
0x64: {  	_ =	shalt  }
0x65: {  	_ =	shalt  }
0x66: {  	_ =	shalt  }
0x67: {  	_ =	shalt  }
0x68: {  	_ =	shalt  }
0x69: {  	_ =	shalt  }
0x6a: {  	_ =	shalt  }
0x6b: {  	_ =	shalt  }
0x6c: {  	_ =	shalt  }
0x6d: {  	_ =	shalt  }
0x6e: {  	_ =	shalt  }
0x6f: {  	_ =	shalt  }
0x70: {  	_ =	shalt  }
0x71: {  	_ =	shalt  }
0x72: {  	_ =	shalt  }
0x73: {  	_ =	shalt  }
0x74: {  	_ =	shalt  }
0x75: {  	_ =	shalt  }
0x76: {  	_ =	shalt  }
0x77: {  	_ =	shalt  }
0x78: {  	_ =	shalt  }
0x79: {  	_ =	shalt  }
0x7a: {  	_ =	shalt  }
0x7b: {  	_ =	shalt  }
0x7c: {  	_ =	shalt  }
0x7d: {  	_ =	shalt  }
0x7e: {  	_ =	shalt  }
0x7f: {  	_ =	shalt  }
0x80: {  	_ =	shalt  }
0x81: {  	_ =	shalt  }
0x82: {  	_ =	shalt  }
0x83: {  	_ =	shalt  }
0x84: {  	_ =	shalt  }
0x85: {  	_ =	shalt  }
0x86: {  	_ =	shalt  }
0x87: {  	_ =	shalt  }
.Lfunc_end0:
.L_simem_size_0:
called_computation.3_lowered:
.L_overlay_start_0:
0x88: {  	s2 =	sld [smem:$0x3FD9]  }
0x89: {  	s3 =	sld [smem:$0x3FFE];
	_ =	sdelay $0x1  }
0x8a: {  	s1 =	srdreg.scid  }
0x8b: {  	s0 =	sand.u32 $0x1, s1  }
0x8c: {  	s14 =	sshll.u32 s0, $0xA;
	s2 =	sadd.s32 s3, s2  }
0x8d: {  	s2 =	sadd.s32 s2, s14  }
0x8e: {  	[smem:$0x3FB8] =	sst s2  }
0x8f: {  	_ = 	snop  }
0x90: {  	s2 =	sld [smem:$0x3FD0];
	_ =	sdelay $0x2  }
0x91: {  	s4 =	simm.s32 $0xA;
	s5 =	simm.s32 $0x10;
	s15 =	sld [smem:$0x3FC4]  }
0x92: {  	[smem:s5], [sflag:s4] =	dma.local [hbm:s2], $0x1  }
0x93: {  	_ =	swait.eq [sflag:s4], $0x1  }
0x94: {  	[sflag:s4] =	ssyncset.done $0x0  }
0x95: {  	s16 =	sld [smem:$0x10];
	[sflag:s4] =	ssyncadd.s32 $0xFFFFFFFF  }
0x96: {  	s17 =	sld [smem:$0x11];
	(tm) =	ssettm $0x1  }
0x97: {  	s18 =	sld [smem:$0x3FFB];
	_ =	sdelay $0x3  }
0x98: {  	_ =	strace s18  }
0x99: {  	s5 =	sld [smem:$0x3FFC];
	_ =	sdelay $0x3  }
0x9a: {  	_ =	strace s5  }
0x9b: {  	s5 =	sld [smem:$0x3FFD];
	_ =	sdelay $0x3  }
0x9c: {  	_ =	strace s5  }
0x9d: {  	_ =	strace $0x8FFFFFFF  }
0x9e: {  	s19 =	sld [smem:$0x3FDB];
	_ =	sdelay $0x1  }
0x9f: {  	s6 =	simm.s32 $_scs_section_size  }
0xa0: {  	s7 =	simm.s32 $_size__tile_overlayer_lowered;
	s8 =	simm.s32 $_tile_overlayer_lowered  }
0xa1: {  	s22 =	simm.s32 $0x1BFF;
	s21 =	sshll.u32 s8, $0x1;
	s5 =	sadd.s32 s6, s19  }
0xa2: {  	s9 =	simm.s32 $0x0;
	s20 =	sshll.u32 s7, $0x1;
	s7 =	sadd.s32 s21, s5  }
0xa3: {  	[timem:s9], [sflag:s22] =	dma.local [hbm:s7], s20  }
0xa4: {  	_ =	swait.ge [sflag:s22], s20  }
0xa5: {  	s6 =	ssub.s32 $0x0, s20;
	[sflag:s22] =	ssyncset.done $0x0  }
0xa6: {  	[sflag:s22] =	ssyncadd.s32 s6;
	_ =	sdelay $0x1  }
0xa7: {  	s23 =	simm.s32 $0x1B8B  }
0xa8: {  	_ =	swait.ge [sflag:s23], $0x1  }
0xa9: {  	[sflag:s23] =	ssyncset.done $0x0  }
0xaa: {  	s25 =	simm.s32 $0x1B8E;
	s24 =	sld [smem:$0x3FFE];
	[sflag:s23] =	ssyncadd.s32 $0xFFFFFFFF  }
0xab: {  	s26 =	simm.s32 $execute0_lowered;
	[smem:$0x3FD2] =	sst s25  }
0xac: {  	s7 =	sshll.u32 s26, $0x1;
	_ =	strace $0x8000004F;
	[dreg:$0x1] =	wrdreg $0xFFFFFFFF  }
0xad: {  	s28 =	simm.s32 $_size_execute0_lowered;
	s5 =	sadd.s32 s5, s7;
	[dreg:$0x0] =	wrdreg $0x0  }
0xae: {  	s7 =	sshll.u32 s28, $0x1;
	[dreg:$0x2] =	wrdreg s5  }
0xaf: {  	[dreg:$0x3] =	wrdreg s7  }
0xb0: {  	[dreg:$0x4] =	wrdreg $0xC0  }
0xb1: {  	_ =	task [dreg:s9], $0x5FFFF  }
0xb2: {  	[dreg:$0x1] =	wrdreg $0xFFFFFFFF  }
0xb3: {  	[dreg:$0x0] =	wrdreg $0x60  }
0xb4: {  	[dreg:$0x2] =	wrdreg s24  }
0xb5: {  	[dreg:$0x3] =	wrdreg s15  }
0xb6: {  	[dreg:$0x4] =	wrdreg s16  }
0xb7: {  	[dreg:$0x5] =	wrdreg s17  }
0xb8: {  	[dreg:$0x6] =	wrdreg $0x9  }
0xb9: {  	_ =	task.clear_ibuf [dreg:s9], $0x7FFFF;
	_ =	strace $0x9000004F  }
0xba: {  	s29 =	simm.s32 $0x9;
	_ =	strace $0x80000051  }
0xbb: {  	_ =	swait.ge [sflag:s29], $0x1  }
0xbc: {  	[sflag:s29] =	ssyncadd.s32 $0xFFFFFFFF  }
0xbd: {  	_ =	strace $0x90000051  }
0xbe: {  	_ =	sfence  }
0xbf: {  	s30 =	sld [smem:$0x0];
	_ =	sdelay $0x2  }
0xc0: {  	s31 =	sshll.u32 s1, $0xD;
	s1 =	sshrl.u32 s1, $0x2  }
0xc1: {  	s3 =	sand.u32 $0x4000, s31;
	s1 =	sadd.s32 s1, s30  }
0xc2: {  	s0 =	sor.u32 s3, s0;
	s1 =	sshll.u32 s1, $0x11  }
0xc3: {  	s0 =	sor.u32 s1, s0  }
0xc4: {  	s0 =	sadd.s32 $0x8F2B, s0  }
0xc5: {  	[sflag:s0] =	ssyncadd.remote.s32 $0x1  }
0xc6: {  	_ =	sfence.sel $0xFFFF  }
0xc7: {  	[dreg:$0x0] =	wrdreg $0xFFFFFFFF;
	(pc) =	sbr.abs _section_cstart, $3  }
0xc8: {  	[dreg:$0x1] =	wrdreg $0xFFFFFFFF  }
0xc9: {  	_ =	task.clear_ibuf [dreg:s9], $0x2FFFF;
	_ =	strace $0x9FFFFFFF  }
0xca: {  	(tm) =	ssettm $0x7FFFFFFF  }
0xcb: {  	_ =	shalt  }
tec
execute0_lowered:
.L_overlay_start_1:
0x0: {  	(tag) =	ssettag $0x1  }
0x1: {  	s17 =	rddreg [dreg:$0x0]  }
0x2: {  	s1 =	rddreg [dreg:$0x1];
	s2 =	srdreg.scid  }
0x3: {  	s4 =	rddreg [dreg:$0x2];
	s0 =	stileid.u32;
	s18 =	sand.u32 $0x1, s2  }
0x4: {  	s19 =	rddreg [dreg:$0x3];
	s5 =	sshll.u32 s0, $0x6;
	s6 =	sshll.u32 s18, $0x5  }
0x5: {  	s3 =	simm.s32 $0x0;
	s2 =	rddreg [dreg:$0x4];
	s10 =	sor.u32 s6, s5  }
0x6: {  	[smem:$0x7FF] =	sst s3;
	s20 =	sshrl.u32 s10, $0x3  }
0x7: {  	_ =	strace $0x80000050;
	s5 =	sadd.s32 s4, s20;
	s4 =	simm.s32 $0x2  }
0x8: {  	[tilespmem:s3], [sflag:$0x2] =	stream.linear.gather [hbm4b:s5+s3], $0x20, $0x38;
	[tilespmem:$0x1180] =	vst v63  }
0x9: {  	_ =	swait.ge [sflag:s4], $0x20  }
0xa: {  	s7 =	simm.s32 $0x20;
	s8 =	simm.s32 $0x80;
	[sflag:s4] =	ssyncset.done $0x0  }
0xb: {  	s9 =	simm.s32 $0x1;
	s6 =	sadd.s32 $0x3B200, s17;
	[sflag:s4] =	ssyncadd.s32 $0xFFFFFFE0  }
0xc: {  	[tilespmem:s8], [sflag:$0x1] =	stream.indirect.gather [hbm4b:s6+s7], $0x80, s3, s7, $0xb8;
	[tilespmem:$0x1180] =	vst v63  }
0xd: {  	s12 =	sshll.u32 s10, $0x4;
	_ =	swait.ge [sflag:s9], $0x1000  }
0xe: {  	s14 =	sadd.s32 s12, s17;
	[sflag:s9] =	ssyncset.done $0x0  }
0xf: {  	s10 =	sadd.s32 $0x3E00, s14;
	[sflag:s9] =	ssyncadd.s32 $0xFFFFF000  }
0x10: {  	[hbm4b:s10+s3] =	stream.linear.scatter [tilespmem:s8], [sflag:$0x2], $0x1000, $0x38;
	[tilespmem:$0x1180] =	vst v63  }
0x11: {  	_ =	swait.ge [sflag:s4], $0x1000  }
0x12: {  	[sflag:s4] =	ssyncset.done $0x0  }
0x13: {  	s11 =	sadd.s32 $0x63200, s17;
	[sflag:s4] =	ssyncadd.s32 $0xFFFFF000  }
0x14: {  	[tilespmem:s8], [sflag:$0x1] =	stream.indirect.gather [hbm4b:s11+s7], $0x80, s3, s7, $0xb8;
	[tilespmem:$0x1180] =	vst v63  }
0x15: {  	_ =	swait.ge [sflag:s9], $0x1000  }
0x16: {  	s13 =	sadd.s32 $0x7E00, s17;
	[sflag:s9] =	ssyncset.done $0x0  }
0x17: {  	s12 =	sadd.s32 s12, s13;
	[sflag:s9] =	ssyncadd.s32 $0xFFFFF000  }
0x18: {  	[hbm4b:s12+s3] =	stream.linear.scatter [tilespmem:s8], [sflag:$0x2], $0x1000, $0x38;
	[tilespmem:$0x1180] =	vst v63  }
0x19: {  	_ =	swait.ge [sflag:s4], $0x1000  }
0x1a: {  	[sflag:s4] =	ssyncset.done $0x0  }
0x1b: {  	s13 =	sadd.s32 $0x13200, s17;
	[sflag:s4] =	ssyncadd.s32 $0xFFFFF000  }
0x1c: {  	[tilespmem:s8], [sflag:$0x1] =	stream.indirect.gather [hbm4b:s13+s7], $0x80, s3, s7, $0xb8;
	[tilespmem:$0x1180] =	vst v63  }
0x1d: {  	_ =	swait.ge [sflag:s9], $0x1000  }
0x1e: {  	[sflag:s9] =	ssyncset.done $0x0  }
0x1f: {  	s14 =	sadd.s32 $0xBE00, s14;
	[sflag:s9] =	ssyncadd.s32 $0xFFFFF000  }
0x20: {  	[hbm4b:s14+s3] =	stream.linear.scatter [tilespmem:s8], [sflag:$0x2], $0x1000, $0x38;
	[tilespmem:$0x1180] =	vst v63  }
0x21: {  	_ =	swait.ge [sflag:s4], $0x1000  }
0x22: {  	[sflag:s4] =	ssyncset.done $0x0  }
0x23: {  	s16 =	simm.s32 $0x1080;
	s15 =	sadd.s32 $0x12C00, s17;
	[sflag:s4] =	ssyncadd.s32 $0xFFFFF000  }
0x24: {  	[tilespmem:s16], [sflag:$0x1] =	stream.indirect.gather [hbm4b:s15+s7], $0x1, s3, s7, $0xb8;
	[tilespmem:$0x1180] =	vst v63  }
0x25: {  	_ =	swait.ge [sflag:s9], $0x20  }
0x26: {  	s17 =	sadd.s32 s20, s17;
	[sflag:s9] =	ssyncset.done $0x0  }
0x27: {  	s21 =	ssub.s32 $0x2, s18;
	s17 =	sadd.s32 $0x3C00, s17;
	[sflag:s9] =	ssyncadd.s32 $0xFFFFFFE0  }
0x28: {  	[hbm4b:s17+s3] =	stream.linear.scatter [tilespmem:s16], [sflag:$0x2], $0x20, $0x38;
	[tilespmem:$0x1180] =	vst v63  }
0x29: {  	s22 =	sshrl.u32 s21, $0x1;
	_ =	swait.ge [sflag:s4], $0x20  }
0x2a: {  	s21 =	ssub.s32 s21, s22;
	[sflag:s4] =	ssyncset.done $0x0  }
0x2b: {  	s18 =	simm.s32 $0x1100;
	s31 =	smax.u32 s21, $0x1;
	[sflag:s4] =	ssyncadd.s32 $0xFFFFFFE0  }
0x2c: {  	[tilespmem:s18], [sflag:$0x1] =	stream.indirect.gather [hbm4b:s1+s7], $0x1, s3, s7, $0xb8;
	[tilespmem:$0x1180] =	vst v63  }
0x2d: {  	p0 =	sne.s32 s31, $0x1;
	_ =	swait.ge [sflag:s9], $0x20  }
.Ltmp0:
0x2e: {  	[sflag:s9] =	ssyncset.done $0x0;
	(pc) =	sbr.rel @!p0 .LBB2_2-.Ltmp0, $4  }
0x2f: {  	s19 =	sadd.s32 s19, s20;
	[sflag:s9] =	ssyncadd.s32 $0xFFFFFFE0  }
0x30: {  	[hbm4b:s19+s3] =	stream.linear.scatter [tilespmem:s18], [sflag:$0x2], $0x20, $0x38;
	[tilespmem:$0x1180] =	vst v63  }
0x31: {  	_ =	swait.ge [sflag:s4], $0x20  }
0x32: {  	s20 =	sadd.s32 $0xFFFFFFFF, s31;
	[sflag:s4] =	ssyncset.done $0x0  }
.LBB2_1:
0x33: {  	p0 =	sne.s32 s20, $0x1;
	s20 =	sadd.s32 $0xFFFFFFFF, s20;
	[sflag:s4] =	ssyncadd.s32 $0xFFFFFFE0  }
0x34: {  	[tilespmem:s3], [sflag:$0x2] =	stream.linear.gather [hbm4b:s5+s3], $0x20, $0x38;
	[tilespmem:$0x1180] =	vst v63  }
0x35: {  	_ =	swait.ge [sflag:s4], $0x20  }
0x36: {  	[sflag:s4] =	ssyncset.done $0x0  }
0x37: {  	[sflag:s4] =	ssyncadd.s32 $0xFFFFFFE0  }
0x38: {  	[tilespmem:s8], [sflag:$0x1] =	stream.indirect.gather [hbm4b:s6+s7], $0x80, s3, s7, $0xb8;
	[tilespmem:$0x1180] =	vst v63  }
0x39: {  	_ =	swait.ge [sflag:s9], $0x1000  }
0x3a: {  	[sflag:s9] =	ssyncset.done $0x0  }
0x3b: {  	[sflag:s9] =	ssyncadd.s32 $0xFFFFF000  }
0x3c: {  	[hbm4b:s10+s3] =	stream.linear.scatter [tilespmem:s8], [sflag:$0x2], $0x1000, $0x38;
	[tilespmem:$0x1180] =	vst v63  }
0x3d: {  	_ =	swait.ge [sflag:s4], $0x1000  }
0x3e: {  	[sflag:s4] =	ssyncset.done $0x0  }
0x3f: {  	[sflag:s4] =	ssyncadd.s32 $0xFFFFF000  }
0x40: {  	[tilespmem:s8], [sflag:$0x1] =	stream.indirect.gather [hbm4b:s11+s7], $0x80, s3, s7, $0xb8;
	[tilespmem:$0x1180] =	vst v63  }
0x41: {  	_ =	swait.ge [sflag:s9], $0x1000  }
0x42: {  	[sflag:s9] =	ssyncset.done $0x0  }
0x43: {  	[sflag:s9] =	ssyncadd.s32 $0xFFFFF000  }
0x44: {  	[hbm4b:s12+s3] =	stream.linear.scatter [tilespmem:s8], [sflag:$0x2], $0x1000, $0x38;
	[tilespmem:$0x1180] =	vst v63  }
0x45: {  	_ =	swait.ge [sflag:s4], $0x1000  }
0x46: {  	[sflag:s4] =	ssyncset.done $0x0  }
0x47: {  	[sflag:s4] =	ssyncadd.s32 $0xFFFFF000  }
0x48: {  	[tilespmem:s8], [sflag:$0x1] =	stream.indirect.gather [hbm4b:s13+s7], $0x80, s3, s7, $0xb8;
	[tilespmem:$0x1180] =	vst v63  }
0x49: {  	_ =	swait.ge [sflag:s9], $0x1000  }
0x4a: {  	[sflag:s9] =	ssyncset.done $0x0  }
0x4b: {  	[sflag:s9] =	ssyncadd.s32 $0xFFFFF000  }
0x4c: {  	[hbm4b:s14+s3] =	stream.linear.scatter [tilespmem:s8], [sflag:$0x2], $0x1000, $0x38;
	[tilespmem:$0x1180] =	vst v63  }
0x4d: {  	_ =	swait.ge [sflag:s4], $0x1000  }
0x4e: {  	[sflag:s4] =	ssyncset.done $0x0  }
0x4f: {  	[sflag:s4] =	ssyncadd.s32 $0xFFFFF000  }
0x50: {  	[tilespmem:s16], [sflag:$0x1] =	stream.indirect.gather [hbm4b:s15+s7], $0x1, s3, s7, $0xb8;
	[tilespmem:$0x1180] =	vst v63  }
0x51: {  	_ =	swait.ge [sflag:s9], $0x20  }
0x52: {  	[sflag:s9] =	ssyncset.done $0x0  }
0x53: {  	[sflag:s9] =	ssyncadd.s32 $0xFFFFFFE0  }
0x54: {  	[hbm4b:s17+s3] =	stream.linear.scatter [tilespmem:s16], [sflag:$0x2], $0x20, $0x38;
	[tilespmem:$0x1180] =	vst v63  }
0x55: {  	_ =	swait.ge [sflag:s4], $0x20  }
0x56: {  	[sflag:s4] =	ssyncset.done $0x0  }
0x57: {  	[sflag:s4] =	ssyncadd.s32 $0xFFFFFFE0  }
0x58: {  	[tilespmem:s18], [sflag:$0x1] =	stream.indirect.gather [hbm4b:s1+s7], $0x1, s3, s7, $0xb8;
	[tilespmem:$0x1180] =	vst v63  }
0x59: {  	_ =	swait.ge [sflag:s9], $0x20  }
.Ltmp1:
0x5a: {  	[sflag:s9] =	ssyncset.done $0x0;
	(pc) =	sbr.rel @p0 .LBB2_1-.Ltmp1, $4  }
0x5b: {  	[sflag:s9] =	ssyncadd.s32 $0xFFFFFFE0  }
0x5c: {  	[hbm4b:s19+s3] =	stream.linear.scatter [tilespmem:s18], [sflag:$0x2], $0x20, $0x38;
	[tilespmem:$0x1180] =	vst v63  }
0x5d: {  	_ =	swait.ge [sflag:s4], $0x20  }
0x5e: {  	[sflag:s4] =	ssyncset.done $0x0  }
.LBB2_2:
0x5f: {  	[sflag:s4] =	ssyncadd.s32 $0xFFFFFFE0  }
0x60: {  	_ =	sfence.sel $0x180000  }
0x61: {  	[bflag:$0x0] =	sbarrier.arrive $0xFFFF  }
0x62: {  	p0 =	sne.s32 s0, $0x0;
	_ =	strace $0x90000050  }
0x63: {  	s0 =	sadd.s32 @!p0 $0x100000, s2;
	[bflag:$0x2] =	sbarrier.arrive $0xFFFF  }
0x64: {  	[sflag:s0] =	ssyncadd.tile.s32 @!p0 $0x1;
	_ =	shalt  }
.Lfunc_end2:
_tile_overlayer_lowered:
.L_overlay_start_2:
0x65: {  	(tag) =	ssettag $0x2  }
0x66: {  	s0 =	rddreg [dreg:$0x0];
	s2 =	stileid.u32  }
0x67: {  	s1 =	rddreg [dreg:$0x1];
	p0 =	sne.s32 s2, $0x0  }
0x68: {  	s3 =	rddreg [dreg:$0x2];
	[bflag:$0x3] =	sbarrier.arrive $0xFFFF;
	s2 =	simm.s32 @!p0 $0x1C02  }
0x69: {  	[timem:s3], [sflag:s2] =	dma.local @!p0 [hbm:s0], s1  }
0x6a: {  	s0 =	simm.s32 @!p0 $0x2  }
0x6b: {  	_ =	swait.ge @!p0 [sflag:s0], s1  }
0x6c: {  	s1 =	ssub.s32 @!p0 $0x0, s1;
	[sflag:s0] =	ssyncset.done @!p0 $0x0  }
0x6d: {  	[sflag:s0] =	ssyncadd.s32 @!p0 s1  }
0x6e: {  	[bflag:$0x3] =	sbarrier.arrive $0xFFFF  }
0x6f: {  	_ =	shalt  }

</sc_bundles>
